<compile_context>
chip_gen: v7x
topology: tpu7x:2x2x1
jax: 0.10.2.dev20260603
libtpu: 0.0.44.dev20260713+nightly
codegen_flags: <defaults>
</compile_context>

<pallas_src>
import functools

import jax
import jax.numpy as jnp
from jax import lax
from jax.experimental import pallas as pl
from jax.experimental.pallas import tpu as pltpu
from jax.experimental.pallas import tpu_sc as plsc

_LEVELS = 8
_BETA = 0.25
_CODE_DIMS = 4


def _make_quant_body(nblk, n_rows, n_cols):
    inv = (1.0 + _BETA) / float(n_rows * n_cols)

    nlev = float(_LEVELS - 1)

    def body(z_ref, g_ref, zq_ref, loss_ref, acc_ref):
        z = z_ref[...]
        g0 = g_ref[0, 0]
        step = (g_ref[0, _LEVELS - 1] - g0) * (1.0 / (_LEVELS - 1))
        r = 1.0 / (jnp.exp(z + z) + 1.0)
        x = 1.0 - (r + r)
        best_f = jnp.floor((nlev + 0.5) - nlev * r)
        zq = g0 + best_f * step
        zq_ref[...] = x + (zq - x)
        diff = zq - x
        i = pl.program_id(0)

        @pl.when(i == 0)
        def _init():
            acc_ref[...] = jnp.zeros(acc_ref.shape, jnp.float32)

        acc_ref[...] += jnp.sum(diff * diff, axis=0, keepdims=True)

        @pl.when(i == nblk - 1)
        def _fin():
            loss_ref[...] = jnp.sum(acc_ref[...])[None, None] * inv

    return body


def _quantize(z_e, grid, nblk=8, interpret=False):
    n, d = z_e.shape
    k = grid.shape[0]
    r = n // nblk
    g2 = grid.reshape(1, k)
    return pl.pallas_call(
        _make_quant_body(nblk, n, d),
        grid=(nblk,),
        in_specs=[
            pl.BlockSpec((r, d), lambda i: (i, 0)),
            pl.BlockSpec((1, k), lambda i: (0, 0)),
        ],
        out_specs=[
            pl.BlockSpec((r, d), lambda i: (i, 0)),
            pl.BlockSpec((1, 1), lambda i: (0, 0)),
        ],
        out_shape=[
            jax.ShapeDtypeStruct((n, d), jnp.float32),
            jax.ShapeDtypeStruct((1, 1), jnp.float32),
        ],
        scratch_shapes=[pltpu.VMEM((1, d), jnp.float32)],
        interpret=interpret,
    )(z_e, g2)


def _sc_mixed_perp(zc, n):
    ns = 16
    rpt_n = n // ns
    mrows = rpt_n // 128
    codes = _LEVELS ** _CODE_DIMS
    cpt = codes // ns
    mesh = plsc.VectorSubcoreMesh(
        core_axis_name="c", subcore_axis_name="s", num_cores=1)

    @functools.partial(
        pl.kernel,
        out_type=[
            jax.ShapeDtypeStruct((n // 128, 128), jnp.int32),
            jax.ShapeDtypeStruct((16,), jnp.float32),
        ],
        mesh=mesh,
        compiler_params=pltpu.CompilerParams(use_tc_tiling_on_sc=False),
        scratch_types=[
            pltpu.VMEM((rpt_n,), jnp.float32),
            pltpu.VMEM((rpt_n,), jnp.float32),
            pltpu.VMEM((rpt_n,), jnp.float32),
            pltpu.VMEM((rpt_n,), jnp.float32),
            pltpu.VMEM((mrows, 128), jnp.int32),
            pltpu.VMEM((128,), jnp.int32),
            pltpu.VMEM((cpt,), jnp.int32),
            pltpu.VMEM((16,), jnp.int32),
            pltpu.VMEM((ns * 16,), jnp.int32),
            pltpu.VMEM((16,), jnp.float32),
            pltpu.VMEM_SHARED((codes,), jnp.int32),
            pltpu.VMEM_SHARED((ns * 16,), jnp.int32),
        ],
    )
    def sc_k(zc_hbm, mixed_hbm, perp_hbm, cb0, cb1, cb2, cb3,
             m2_v, ones_v, slice_v, cnt_v, cnt_all_v, out_v,
             counts_sh, cnt_sh):
        sid = lax.axis_index("s")
        base = sid * rpt_n
        pltpu.sync_copy(zc_hbm.at[0, pl.ds(base, rpt_n)], cb0)
        pltpu.sync_copy(zc_hbm.at[1, pl.ds(base, rpt_n)], cb1)
        pltpu.sync_copy(zc_hbm.at[2, pl.ds(base, rpt_n)], cb2)
        pltpu.sync_copy(zc_hbm.at[3, pl.ds(base, rpt_n)], cb3)
        one16 = jnp.ones((16,), jnp.int32)
        zero16 = jnp.zeros((16,), jnp.int32)
        for j in range(128 // 16):
            ones_v[pl.ds(j * 16, 16)] = one16
        for j in range(cpt // 16):
            slice_v[pl.ds(j * 16, 16)] = zero16
        pltpu.sync_copy(slice_v, counts_sh.at[pl.ds(sid * cpt, cpt)])
        cbs = (cb0, cb1, cb2, cb3)

        nlev = float(_LEVELS - 1)

        def quant_row(rr, _):
            for gg in range(8):
                off = (rr * 8 + gg) * 16
                m = jnp.zeros((16,), jnp.int32)
                for k in range(_CODE_DIMS):
                    v = cbs[k][pl.ds(off, 16)]
                    t = jnp.exp(v + v)
                    idx_k = (nlev + 0.5) - nlev / (t + 1.0)
                    m = m + idx_k.astype(jnp.int32) * (_LEVELS ** k)
                m2_v[rr, pl.ds(gg * 16, 16)] = m
            return 0

        lax.fori_loop(0, mrows, quant_row, 0)
        pltpu.sync_copy(m2_v, mixed_hbm.at[pl.ds(sid * mrows, mrows)])
        plsc.subcore_barrier()
        for j in range(mrows):
            pltpu.sync_copy(ones_v, counts_sh.at[m2_v.at[j]], add=True)
        plsc.subcore_barrier()
        pltpu.sync_copy(counts_sh.at[pl.ds(sid * cpt, cpt)], slice_v)
        cnt = jnp.zeros((16,), jnp.int32)
        for j in range(cpt // 16):
            v = slice_v[pl.ds(j * 16, 16)]
            cnt = cnt + jnp.minimum(v, 1)
        cnt_v[...] = cnt
        pltpu.sync_copy(cnt_v, cnt_sh.at[pl.ds(sid * 16, 16)])
        plsc.subcore_barrier()

        @pl.when(sid == 0)
        def _finish():
            pltpu.sync_copy(cnt_sh, cnt_all_v)
            tot = jnp.zeros((16,), jnp.int32)
            for t in range(ns):
                tot = tot + cnt_all_v[pl.ds(t * 16, 16)]
            total = tot[0]
            for i in range(1, 16):
                total = total + tot[i]
            perp = total.astype(jnp.float32) * (1.0 / float(n))
            out_v[...] = lax.broadcast(perp, (16,))
            pltpu.sync_copy(out_v, perp_hbm)

    return sc_k(zc)


def kernel(z_e, grid):
    n, d = z_e.shape
    zc = jnp.transpose(z_e[:, :_CODE_DIMS])
    mixed2d, perp_vec = _sc_mixed_perp(zc, n)
    zq_st, loss2d = _quantize(z_e, grid)
    mixed = mixed2d.reshape(n)
    loss = loss2d.reshape(())
    perplexity = perp_vec[0]
    return zq_st, mixed, loss, perplexity

# --- scband reference (transcript-rebuilt; emitter-appended) ---
"""Pipeline reference for scband-fsqquantizer-36524401885603 (READ-ONLY COPY).

The authoritative reference and input builder live on the scoring server;
editing this copy changes nothing except your own understanding.
"""

import jax, jax.numpy as jnp
import numpy as np

LEVELS = 8
BETA = 0.25

def setup_inputs(seed: int = 0) -> dict:
    key = jax.random.key(seed)
    z_e = jax.random.normal(key, (36864, 64), dtype=jnp.float32)
    grid = jnp.linspace(-1.0, 1.0, LEVELS, dtype=jnp.float32)
    return {"z_e": z_e, "grid": grid}

def reference(z_e, grid):
    z_norm = jnp.tanh(z_e)
    distances = jnp.abs(z_norm[..., None] - grid.reshape(1, 1, -1))
    indices = jnp.argmin(distances, axis=-1)
    z_q = grid[indices]
    codebook_loss = jnp.mean((z_q - jax.lax.stop_gradient(z_norm)) ** 2)
    commitment_loss = jnp.mean((z_norm - jax.lax.stop_gradient(z_q)) ** 2)
    loss = codebook_loss + BETA * commitment_loss
    z_q_st = z_norm + jax.lax.stop_gradient(z_q - z_norm)
    code_dims = min(indices.shape[1], 4)
    bases = jnp.array([LEVELS ** k for k in range(code_dims)], dtype=indices.dtype)
    mixed_indices = jnp.sum(indices[:, :code_dims] * bases[None, :], axis=1)
    counts = jnp.bincount(mixed_indices, length=LEVELS ** code_dims)
    unique_codes = jnp.sum(counts > 0)
    perplexity = (unique_codes.astype(z_e.dtype) / jnp.asarray(max(int(mixed_indices.size), 1), dtype=z_e.dtype))
    return (z_q_st, mixed_indices, loss, perplexity)

if __name__ == "__main__":
    import jax
    _d = setup_inputs()
    print(jax.jit(kernel)(*tuple(_d.values())))

</pallas_src>

<mosaic_0001>
#map = affine_map<(d0, d1) -> (0, 0)>
#map1 = affine_map<(d0, d1) -> (0)>
module attributes {stable_mosaic.version = 14 : i64} {
  func.func @sc_k(%arg0: i32, %arg1: i32, %arg2: memref<4x36864xf32, #tpu.memory_space<hbm>>, %arg3: memref<288x128xi32, #tpu.memory_space<hbm>>, %arg4: memref<16xf32, #tpu.memory_space<hbm>>, %arg5: memref<2304xf32, #tpu.memory_space<vmem>>, %arg6: memref<2304xf32, #tpu.memory_space<vmem>>, %arg7: memref<2304xf32, #tpu.memory_space<vmem>>, %arg8: memref<2304xf32, #tpu.memory_space<vmem>>, %arg9: memref<18x128xi32, #tpu.memory_space<vmem>>, %arg10: memref<128xi32, #tpu.memory_space<vmem>>, %arg11: memref<256xi32, #tpu.memory_space<vmem>>, %arg12: memref<16xi32, #tpu.memory_space<vmem>>, %arg13: memref<256xi32, #tpu.memory_space<vmem>>, %arg14: memref<16xf32, #tpu.memory_space<vmem>>, %arg15: memref<4096xi32, #tpu.memory_space<vmem_shared>>, %arg16: memref<256xi32, #tpu.memory_space<vmem_shared>>) attributes {dimension_semantics = [#tpu.dimension_semantics<core_parallel>, #tpu.dimension_semantics<subcore_parallel>], iteration_bounds = array<i64: 1, 16>, scalar_prefetch = 0 : i64, scratch_operands = 12 : i64, tpu.core_type = #tpu.core_type<sc_vector_subcore>, window_params = [{transform_indices = #map}, {transform_indices = #map}, {transform_indices = #map1}]} {
    %mul3A = arith.constant 2304 : i32
    %mul3A_0 = arith.muli %arg1, %mul3A : i32
    %run_scoped3A = arith.constant 0 : i32
    "tpu.region"() ({
      %run_scoped3A_253 = tpu.sem_alloc : memref<!tpu.dma_semaphore, #tpu.memory_space<semaphore_mem>>
      %dma_start3A = tpu.memref_slice %arg2[%run_scoped3A, %mul3A_0] : memref<4x36864xf32, #tpu.memory_space<hbm>> -> memref<1x2304xf32, #tpu.memory_space<hbm>>
      %dma_start3A_254 = tpu.memref_squeeze %dma_start3A : memref<1x2304xf32, #tpu.memory_space<hbm>> -> memref<2304xf32, #tpu.memory_space<hbm>>
      %dma_start3A_255 = tpu.memref_slice %arg2[%run_scoped3A, %mul3A_0] : memref<4x36864xf32, #tpu.memory_space<hbm>> -> memref<1x2304xf32, #tpu.memory_space<hbm>>
      %dma_start3A_256 = tpu.memref_squeeze %dma_start3A_255 : memref<1x2304xf32, #tpu.memory_space<hbm>> -> memref<2304xf32, #tpu.memory_space<hbm>>
      tpu.enqueue_dma source(%dma_start3A_256 : memref<2304xf32, #tpu.memory_space<hbm>>) target(%arg5 : memref<2304xf32, #tpu.memory_space<vmem>>) target_semaphore(%run_scoped3A_253 : memref<!tpu.dma_semaphore, #tpu.memory_space<semaphore_mem>>)
      %dma_wait3A = tpu.memref_slice %arg2[%run_scoped3A, %mul3A_0] : memref<4x36864xf32, #tpu.memory_space<hbm>> -> memref<1x2304xf32, #tpu.memory_space<hbm>>
      %dma_wait3A_257 = tpu.memref_squeeze %dma_wait3A : memref<1x2304xf32, #tpu.memory_space<hbm>> -> memref<2304xf32, #tpu.memory_space<hbm>>
      %dma_wait3A_258 = tpu.memref_slice %arg2[%run_scoped3A, %mul3A_0] : memref<4x36864xf32, #tpu.memory_space<hbm>> -> memref<1x2304xf32, #tpu.memory_space<hbm>>
      %dma_wait3A_259 = tpu.memref_squeeze %dma_wait3A_258 : memref<1x2304xf32, #tpu.memory_space<hbm>> -> memref<2304xf32, #tpu.memory_space<hbm>>
      tpu.wait_dma2 semaphore(%run_scoped3A_253 : memref<!tpu.dma_semaphore, #tpu.memory_space<semaphore_mem>>) src(%dma_wait3A_259 : memref<2304xf32, #tpu.memory_space<hbm>>) dst(%arg5 : memref<2304xf32, #tpu.memory_space<vmem>>)
      tpu.yield
    }) : () -> ()
    %run_scoped3A_1 = arith.constant 1 : i32
    "tpu.region"() ({
      %run_scoped3A_253 = tpu.sem_alloc : memref<!tpu.dma_semaphore, #tpu.memory_space<semaphore_mem>>
      %dma_start3A = tpu.memref_slice %arg2[%run_scoped3A_1, %mul3A_0] : memref<4x36864xf32, #tpu.memory_space<hbm>> -> memref<1x2304xf32, #tpu.memory_space<hbm>>
      %dma_start3A_254 = tpu.memref_squeeze %dma_start3A : memref<1x2304xf32, #tpu.memory_space<hbm>> -> memref<2304xf32, #tpu.memory_space<hbm>>
      %dma_start3A_255 = tpu.memref_slice %arg2[%run_scoped3A_1, %mul3A_0] : memref<4x36864xf32, #tpu.memory_space<hbm>> -> memref<1x2304xf32, #tpu.memory_space<hbm>>
      %dma_start3A_256 = tpu.memref_squeeze %dma_start3A_255 : memref<1x2304xf32, #tpu.memory_space<hbm>> -> memref<2304xf32, #tpu.memory_space<hbm>>
      tpu.enqueue_dma source(%dma_start3A_256 : memref<2304xf32, #tpu.memory_space<hbm>>) target(%arg6 : memref<2304xf32, #tpu.memory_space<vmem>>) target_semaphore(%run_scoped3A_253 : memref<!tpu.dma_semaphore, #tpu.memory_space<semaphore_mem>>)
      %dma_wait3A = tpu.memref_slice %arg2[%run_scoped3A_1, %mul3A_0] : memref<4x36864xf32, #tpu.memory_space<hbm>> -> memref<1x2304xf32, #tpu.memory_space<hbm>>
      %dma_wait3A_257 = tpu.memref_squeeze %dma_wait3A : memref<1x2304xf32, #tpu.memory_space<hbm>> -> memref<2304xf32, #tpu.memory_space<hbm>>
      %dma_wait3A_258 = tpu.memref_slice %arg2[%run_scoped3A_1, %mul3A_0] : memref<4x36864xf32, #tpu.memory_space<hbm>> -> memref<1x2304xf32, #tpu.memory_space<hbm>>
      %dma_wait3A_259 = tpu.memref_squeeze %dma_wait3A_258 : memref<1x2304xf32, #tpu.memory_space<hbm>> -> memref<2304xf32, #tpu.memory_space<hbm>>
      tpu.wait_dma2 semaphore(%run_scoped3A_253 : memref<!tpu.dma_semaphore, #tpu.memory_space<semaphore_mem>>) src(%dma_wait3A_259 : memref<2304xf32, #tpu.memory_space<hbm>>) dst(%arg6 : memref<2304xf32, #tpu.memory_space<vmem>>)
      tpu.yield
    }) : () -> ()
    %run_scoped3A_2 = arith.constant 2 : i32
    "tpu.region"() ({
      %run_scoped3A_253 = tpu.sem_alloc : memref<!tpu.dma_semaphore, #tpu.memory_space<semaphore_mem>>
      %dma_start3A = tpu.memref_slice %arg2[%run_scoped3A_2, %mul3A_0] : memref<4x36864xf32, #tpu.memory_space<hbm>> -> memref<1x2304xf32, #tpu.memory_space<hbm>>
      %dma_start3A_254 = tpu.memref_squeeze %dma_start3A : memref<1x2304xf32, #tpu.memory_space<hbm>> -> memref<2304xf32, #tpu.memory_space<hbm>>
      %dma_start3A_255 = tpu.memref_slice %arg2[%run_scoped3A_2, %mul3A_0] : memref<4x36864xf32, #tpu.memory_space<hbm>> -> memref<1x2304xf32, #tpu.memory_space<hbm>>
      %dma_start3A_256 = tpu.memref_squeeze %dma_start3A_255 : memref<1x2304xf32, #tpu.memory_space<hbm>> -> memref<2304xf32, #tpu.memory_space<hbm>>
      tpu.enqueue_dma source(%dma_start3A_256 : memref<2304xf32, #tpu.memory_space<hbm>>) target(%arg7 : memref<2304xf32, #tpu.memory_space<vmem>>) target_semaphore(%run_scoped3A_253 : memref<!tpu.dma_semaphore, #tpu.memory_space<semaphore_mem>>)
      %dma_wait3A = tpu.memref_slice %arg2[%run_scoped3A_2, %mul3A_0] : memref<4x36864xf32, #tpu.memory_space<hbm>> -> memref<1x2304xf32, #tpu.memory_space<hbm>>
      %dma_wait3A_257 = tpu.memref_squeeze %dma_wait3A : memref<1x2304xf32, #tpu.memory_space<hbm>> -> memref<2304xf32, #tpu.memory_space<hbm>>
      %dma_wait3A_258 = tpu.memref_slice %arg2[%run_scoped3A_2, %mul3A_0] : memref<4x36864xf32, #tpu.memory_space<hbm>> -> memref<1x2304xf32, #tpu.memory_space<hbm>>
      %dma_wait3A_259 = tpu.memref_squeeze %dma_wait3A_258 : memref<1x2304xf32, #tpu.memory_space<hbm>> -> memref<2304xf32, #tpu.memory_space<hbm>>
      tpu.wait_dma2 semaphore(%run_scoped3A_253 : memref<!tpu.dma_semaphore, #tpu.memory_space<semaphore_mem>>) src(%dma_wait3A_259 : memref<2304xf32, #tpu.memory_space<hbm>>) dst(%arg7 : memref<2304xf32, #tpu.memory_space<vmem>>)
      tpu.yield
    }) : () -> ()
    %run_scoped3A_3 = arith.constant 3 : i32
    "tpu.region"() ({
      %run_scoped3A_253 = tpu.sem_alloc : memref<!tpu.dma_semaphore, #tpu.memory_space<semaphore_mem>>
      %dma_start3A = tpu.memref_slice %arg2[%run_scoped3A_3, %mul3A_0] : memref<4x36864xf32, #tpu.memory_space<hbm>> -> memref<1x2304xf32, #tpu.memory_space<hbm>>
      %dma_start3A_254 = tpu.memref_squeeze %dma_start3A : memref<1x2304xf32, #tpu.memory_space<hbm>> -> memref<2304xf32, #tpu.memory_space<hbm>>
      %dma_start3A_255 = tpu.memref_slice %arg2[%run_scoped3A_3, %mul3A_0] : memref<4x36864xf32, #tpu.memory_space<hbm>> -> memref<1x2304xf32, #tpu.memory_space<hbm>>
      %dma_start3A_256 = tpu.memref_squeeze %dma_start3A_255 : memref<1x2304xf32, #tpu.memory_space<hbm>> -> memref<2304xf32, #tpu.memory_space<hbm>>
      tpu.enqueue_dma source(%dma_start3A_256 : memref<2304xf32, #tpu.memory_space<hbm>>) target(%arg8 : memref<2304xf32, #tpu.memory_space<vmem>>) target_semaphore(%run_scoped3A_253 : memref<!tpu.dma_semaphore, #tpu.memory_space<semaphore_mem>>)
      %dma_wait3A = tpu.memref_slice %arg2[%run_scoped3A_3, %mul3A_0] : memref<4x36864xf32, #tpu.memory_space<hbm>> -> memref<1x2304xf32, #tpu.memory_space<hbm>>
      %dma_wait3A_257 = tpu.memref_squeeze %dma_wait3A : memref<1x2304xf32, #tpu.memory_space<hbm>> -> memref<2304xf32, #tpu.memory_space<hbm>>
      %dma_wait3A_258 = tpu.memref_slice %arg2[%run_scoped3A_3, %mul3A_0] : memref<4x36864xf32, #tpu.memory_space<hbm>> -> memref<1x2304xf32, #tpu.memory_space<hbm>>
      %dma_wait3A_259 = tpu.memref_squeeze %dma_wait3A_258 : memref<1x2304xf32, #tpu.memory_space<hbm>> -> memref<2304xf32, #tpu.memory_space<hbm>>
      tpu.wait_dma2 semaphore(%run_scoped3A_253 : memref<!tpu.dma_semaphore, #tpu.memory_space<semaphore_mem>>) src(%dma_wait3A_259 : memref<2304xf32, #tpu.memory_space<hbm>>) dst(%arg8 : memref<2304xf32, #tpu.memory_space<vmem>>)
      tpu.yield
    }) : () -> ()
    %broadcast_in_dim3A = arith.constant 1 : i32
    %broadcast_in_dim3A_4 = vector.broadcast %broadcast_in_dim3A : i32 to vector<16xi32>
    %broadcast_in_dim3A_5 = arith.constant 0 : i32
    %broadcast_in_dim3A_6 = vector.broadcast %broadcast_in_dim3A_5 : i32 to vector<16xi32>
    %swap3A = arith.constant 0 : index
    %swap3A_7 = tpu.vector_load %arg10[%swap3A] {strides = array<i32>} : memref<128xi32, #tpu.memory_space<vmem>>, vector<16xi32>,
    %swap3A_8 = vector.shape_cast %swap3A_7 : vector<16xi32> to vector<16xi32>
    %swap3A_9 = vector.shape_cast %broadcast_in_dim3A_4 : vector<16xi32> to vector<16xi32>
    tpu.vector_store %arg10[%swap3A], %swap3A_9 {strides = array<i32>} : memref<128xi32, #tpu.memory_space<vmem>>, vector<16xi32>,
    %swap3A_10 = arith.constant 16 : index
    %swap3A_11 = tpu.vector_load %arg10[%swap3A_10] {strides = array<i32>} : memref<128xi32, #tpu.memory_space<vmem>>, vector<16xi32>,
    %swap3A_12 = vector.shape_cast %swap3A_11 : vector<16xi32> to vector<16xi32>
    %swap3A_13 = vector.shape_cast %broadcast_in_dim3A_4 : vector<16xi32> to vector<16xi32>
    tpu.vector_store %arg10[%swap3A_10], %swap3A_13 {strides = array<i32>} : memref<128xi32, #tpu.memory_space<vmem>>, vector<16xi32>,
    %swap3A_14 = arith.constant 32 : index
    %swap3A_15 = tpu.vector_load %arg10[%swap3A_14] {strides = array<i32>} : memref<128xi32, #tpu.memory_space<vmem>>, vector<16xi32>,
    %swap3A_16 = vector.shape_cast %swap3A_15 : vector<16xi32> to vector<16xi32>
    %swap3A_17 = vector.shape_cast %broadcast_in_dim3A_4 : vector<16xi32> to vector<16xi32>
    tpu.vector_store %arg10[%swap3A_14], %swap3A_17 {strides = array<i32>} : memref<128xi32, #tpu.memory_space<vmem>>, vector<16xi32>,
    %swap3A_18 = arith.constant 48 : index
    %swap3A_19 = tpu.vector_load %arg10[%swap3A_18] {strides = array<i32>} : memref<128xi32, #tpu.memory_space<vmem>>, vector<16xi32>,
    %swap3A_20 = vector.shape_cast %swap3A_19 : vector<16xi32> to vector<16xi32>
    %swap3A_21 = vector.shape_cast %broadcast_in_dim3A_4 : vector<16xi32> to vector<16xi32>
    tpu.vector_store %arg10[%swap3A_18], %swap3A_21 {strides = array<i32>} : memref<128xi32, #tpu.memory_space<vmem>>, vector<16xi32>,
    %swap3A_22 = arith.constant 64 : index
    %swap3A_23 = tpu.vector_load %arg10[%swap3A_22] {strides = array<i32>} : memref<128xi32, #tpu.memory_space<vmem>>, vector<16xi32>,
    %swap3A_24 = vector.shape_cast %swap3A_23 : vector<16xi32> to vector<16xi32>
    %swap3A_25 = vector.shape_cast %broadcast_in_dim3A_4 : vector<16xi32> to vector<16xi32>
    tpu.vector_store %arg10[%swap3A_22], %swap3A_25 {strides = array<i32>} : memref<128xi32, #tpu.memory_space<vmem>>, vector<16xi32>,
    %swap3A_26 = arith.constant 80 : index
    %swap3A_27 = tpu.vector_load %arg10[%swap3A_26] {strides = array<i32>} : memref<128xi32, #tpu.memory_space<vmem>>, vector<16xi32>,
    %swap3A_28 = vector.shape_cast %swap3A_27 : vector<16xi32> to vector<16xi32>
    %swap3A_29 = vector.shape_cast %broadcast_in_dim3A_4 : vector<16xi32> to vector<16xi32>
    tpu.vector_store %arg10[%swap3A_26], %swap3A_29 {strides = array<i32>} : memref<128xi32, #tpu.memory_space<vmem>>, vector<16xi32>,
    %swap3A_30 = arith.constant 96 : index
    %swap3A_31 = tpu.vector_load %arg10[%swap3A_30] {strides = array<i32>} : memref<128xi32, #tpu.memory_space<vmem>>, vector<16xi32>,
    %swap3A_32 = vector.shape_cast %swap3A_31 : vector<16xi32> to vector<16xi32>
    %swap3A_33 = vector.shape_cast %broadcast_in_dim3A_4 : vector<16xi32> to vector<16xi32>
    tpu.vector_store %arg10[%swap3A_30], %swap3A_33 {strides = array<i32>} : memref<128xi32, #tpu.memory_space<vmem>>, vector<16xi32>,
    %swap3A_34 = arith.constant 112 : index
    %swap3A_35 = tpu.vector_load %arg10[%swap3A_34] {strides = array<i32>} : memref<128xi32, #tpu.memory_space<vmem>>, vector<16xi32>,
    %swap3A_36 = vector.shape_cast %swap3A_35 : vector<16xi32> to vector<16xi32>
    %swap3A_37 = vector.shape_cast %broadcast_in_dim3A_4 : vector<16xi32> to vector<16xi32>
    tpu.vector_store %arg10[%swap3A_34], %swap3A_37 {strides = array<i32>} : memref<128xi32, #tpu.memory_space<vmem>>, vector<16xi32>,
    %swap3A_38 = arith.constant 0 : index
    %swap3A_39 = tpu.vector_load %arg11[%swap3A_38] {strides = array<i32>} : memref<256xi32, #tpu.memory_space<vmem>>, vector<16xi32>,
    %swap3A_40 = vector.shape_cast %swap3A_39 : vector<16xi32> to vector<16xi32>
    %swap3A_41 = vector.shape_cast %broadcast_in_dim3A_6 : vector<16xi32> to vector<16xi32>
    tpu.vector_store %arg11[%swap3A_38], %swap3A_41 {strides = array<i32>} : memref<256xi32, #tpu.memory_space<vmem>>, vector<16xi32>,
    %swap3A_42 = arith.constant 16 : index
    %swap3A_43 = tpu.vector_load %arg11[%swap3A_42] {strides = array<i32>} : memref<256xi32, #tpu.memory_space<vmem>>, vector<16xi32>,
    %swap3A_44 = vector.shape_cast %swap3A_43 : vector<16xi32> to vector<16xi32>
    %swap3A_45 = vector.shape_cast %broadcast_in_dim3A_6 : vector<16xi32> to vector<16xi32>
    tpu.vector_store %arg11[%swap3A_42], %swap3A_45 {strides = array<i32>} : memref<256xi32, #tpu.memory_space<vmem>>, vector<16xi32>,
    %swap3A_46 = arith.constant 32 : index
    %swap3A_47 = tpu.vector_load %arg11[%swap3A_46] {strides = array<i32>} : memref<256xi32, #tpu.memory_space<vmem>>, vector<16xi32>,
    %swap3A_48 = vector.shape_cast %swap3A_47 : vector<16xi32> to vector<16xi32>
    %swap3A_49 = vector.shape_cast %broadcast_in_dim3A_6 : vector<16xi32> to vector<16xi32>
    tpu.vector_store %arg11[%swap3A_46], %swap3A_49 {strides = array<i32>} : memref<256xi32, #tpu.memory_space<vmem>>, vector<16xi32>,
    %swap3A_50 = arith.constant 48 : index
    %swap3A_51 = tpu.vector_load %arg11[%swap3A_50] {strides = array<i32>} : memref<256xi32, #tpu.memory_space<vmem>>, vector<16xi32>,
    %swap3A_52 = vector.shape_cast %swap3A_51 : vector<16xi32> to vector<16xi32>
    %swap3A_53 = vector.shape_cast %broadcast_in_dim3A_6 : vector<16xi32> to vector<16xi32>
    tpu.vector_store %arg11[%swap3A_50], %swap3A_53 {strides = array<i32>} : memref<256xi32, #tpu.memory_space<vmem>>, vector<16xi32>,
    %swap3A_54 = arith.constant 64 : index
    %swap3A_55 = tpu.vector_load %arg11[%swap3A_54] {strides = array<i32>} : memref<256xi32, #tpu.memory_space<vmem>>, vector<16xi32>,
    %swap3A_56 = vector.shape_cast %swap3A_55 : vector<16xi32> to vector<16xi32>
    %swap3A_57 = vector.shape_cast %broadcast_in_dim3A_6 : vector<16xi32> to vector<16xi32>
    tpu.vector_store %arg11[%swap3A_54], %swap3A_57 {strides = array<i32>} : memref<256xi32, #tpu.memory_space<vmem>>, vector<16xi32>,
    %swap3A_58 = arith.constant 80 : index
    %swap3A_59 = tpu.vector_load %arg11[%swap3A_58] {strides = array<i32>} : memref<256xi32, #tpu.memory_space<vmem>>, vector<16xi32>,
    %swap3A_60 = vector.shape_cast %swap3A_59 : vector<16xi32> to vector<16xi32>
    %swap3A_61 = vector.shape_cast %broadcast_in_dim3A_6 : vector<16xi32> to vector<16xi32>
    tpu.vector_store %arg11[%swap3A_58], %swap3A_61 {strides = array<i32>} : memref<256xi32, #tpu.memory_space<vmem>>, vector<16xi32>,
    %swap3A_62 = arith.constant 96 : index
    %swap3A_63 = tpu.vector_load %arg11[%swap3A_62] {strides = array<i32>} : memref<256xi32, #tpu.memory_space<vmem>>, vector<16xi32>,
    %swap3A_64 = vector.shape_cast %swap3A_63 : vector<16xi32> to vector<16xi32>
    %swap3A_65 = vector.shape_cast %broadcast_in_dim3A_6 : vector<16xi32> to vector<16xi32>
    tpu.vector_store %arg11[%swap3A_62], %swap3A_65 {strides = array<i32>} : memref<256xi32, #tpu.memory_space<vmem>>, vector<16xi32>,
    %swap3A_66 = arith.constant 112 : index
    %swap3A_67 = tpu.vector_load %arg11[%swap3A_66] {strides = array<i32>} : memref<256xi32, #tpu.memory_space<vmem>>, vector<16xi32>,
    %swap3A_68 = vector.shape_cast %swap3A_67 : vector<16xi32> to vector<16xi32>
    %swap3A_69 = vector.shape_cast %broadcast_in_dim3A_6 : vector<16xi32> to vector<16xi32>
    tpu.vector_store %arg11[%swap3A_66], %swap3A_69 {strides = array<i32>} : memref<256xi32, #tpu.memory_space<vmem>>, vector<16xi32>,
    %swap3A_70 = arith.constant 128 : index
    %swap3A_71 = tpu.vector_load %arg11[%swap3A_70] {strides = array<i32>} : memref<256xi32, #tpu.memory_space<vmem>>, vector<16xi32>,
    %swap3A_72 = vector.shape_cast %swap3A_71 : vector<16xi32> to vector<16xi32>
    %swap3A_73 = vector.shape_cast %broadcast_in_dim3A_6 : vector<16xi32> to vector<16xi32>
    tpu.vector_store %arg11[%swap3A_70], %swap3A_73 {strides = array<i32>} : memref<256xi32, #tpu.memory_space<vmem>>, vector<16xi32>,
    %swap3A_74 = arith.constant 144 : index
    %swap3A_75 = tpu.vector_load %arg11[%swap3A_74] {strides = array<i32>} : memref<256xi32, #tpu.memory_space<vmem>>, vector<16xi32>,
    %swap3A_76 = vector.shape_cast %swap3A_75 : vector<16xi32> to vector<16xi32>
    %swap3A_77 = vector.shape_cast %broadcast_in_dim3A_6 : vector<16xi32> to vector<16xi32>
    tpu.vector_store %arg11[%swap3A_74], %swap3A_77 {strides = array<i32>} : memref<256xi32, #tpu.memory_space<vmem>>, vector<16xi32>,
    %swap3A_78 = arith.constant 160 : index
    %swap3A_79 = tpu.vector_load %arg11[%swap3A_78] {strides = array<i32>} : memref<256xi32, #tpu.memory_space<vmem>>, vector<16xi32>,
    %swap3A_80 = vector.shape_cast %swap3A_79 : vector<16xi32> to vector<16xi32>
    %swap3A_81 = vector.shape_cast %broadcast_in_dim3A_6 : vector<16xi32> to vector<16xi32>
    tpu.vector_store %arg11[%swap3A_78], %swap3A_81 {strides = array<i32>} : memref<256xi32, #tpu.memory_space<vmem>>, vector<16xi32>,
    %swap3A_82 = arith.constant 176 : index
    %swap3A_83 = tpu.vector_load %arg11[%swap3A_82] {strides = array<i32>} : memref<256xi32, #tpu.memory_space<vmem>>, vector<16xi32>,
    %swap3A_84 = vector.shape_cast %swap3A_83 : vector<16xi32> to vector<16xi32>
    %swap3A_85 = vector.shape_cast %broadcast_in_dim3A_6 : vector<16xi32> to vector<16xi32>
    tpu.vector_store %arg11[%swap3A_82], %swap3A_85 {strides = array<i32>} : memref<256xi32, #tpu.memory_space<vmem>>, vector<16xi32>,
    %swap3A_86 = arith.constant 192 : index
    %swap3A_87 = tpu.vector_load %arg11[%swap3A_86] {strides = array<i32>} : memref<256xi32, #tpu.memory_space<vmem>>, vector<16xi32>,
    %swap3A_88 = vector.shape_cast %swap3A_87 : vector<16xi32> to vector<16xi32>
    %swap3A_89 = vector.shape_cast %broadcast_in_dim3A_6 : vector<16xi32> to vector<16xi32>
    tpu.vector_store %arg11[%swap3A_86], %swap3A_89 {strides = array<i32>} : memref<256xi32, #tpu.memory_space<vmem>>, vector<16xi32>,
    %swap3A_90 = arith.constant 208 : index
    %swap3A_91 = tpu.vector_load %arg11[%swap3A_90] {strides = array<i32>} : memref<256xi32, #tpu.memory_space<vmem>>, vector<16xi32>,
    %swap3A_92 = vector.shape_cast %swap3A_91 : vector<16xi32> to vector<16xi32>
    %swap3A_93 = vector.shape_cast %broadcast_in_dim3A_6 : vector<16xi32> to vector<16xi32>
    tpu.vector_store %arg11[%swap3A_90], %swap3A_93 {strides = array<i32>} : memref<256xi32, #tpu.memory_space<vmem>>, vector<16xi32>,
    %swap3A_94 = arith.constant 224 : index
    %swap3A_95 = tpu.vector_load %arg11[%swap3A_94] {strides = array<i32>} : memref<256xi32, #tpu.memory_space<vmem>>, vector<16xi32>,
    %swap3A_96 = vector.shape_cast %swap3A_95 : vector<16xi32> to vector<16xi32>
    %swap3A_97 = vector.shape_cast %broadcast_in_dim3A_6 : vector<16xi32> to vector<16xi32>
    tpu.vector_store %arg11[%swap3A_94], %swap3A_97 {strides = array<i32>} : memref<256xi32, #tpu.memory_space<vmem>>, vector<16xi32>,
    %swap3A_98 = arith.constant 240 : index
    %swap3A_99 = tpu.vector_load %arg11[%swap3A_98] {strides = array<i32>} : memref<256xi32, #tpu.memory_space<vmem>>, vector<16xi32>,
    %swap3A_100 = vector.shape_cast %swap3A_99 : vector<16xi32> to vector<16xi32>
    %swap3A_101 = vector.shape_cast %broadcast_in_dim3A_6 : vector<16xi32> to vector<16xi32>
    tpu.vector_store %arg11[%swap3A_98], %swap3A_101 {strides = array<i32>} : memref<256xi32, #tpu.memory_space<vmem>>, vector<16xi32>,
    %mul3A_102 = arith.constant 256 : i32
    %mul3A_103 = arith.muli %arg1, %mul3A_102 : i32
    "tpu.region"() ({
      %run_scoped3A_253 = tpu.sem_alloc : memref<!tpu.dma_semaphore, #tpu.memory_space<semaphore_mem>>
      %dma_start3A = tpu.memref_slice %arg15[%mul3A_103] : memref<4096xi32, #tpu.memory_space<vmem_shared>> -> memref<256xi32, #tpu.memory_space<vmem_shared>>
      %dma_start3A_254 = tpu.memref_slice %arg15[%mul3A_103] : memref<4096xi32, #tpu.memory_space<vmem_shared>> -> memref<256xi32, #tpu.memory_space<vmem_shared>>
      tpu.enqueue_dma source(%arg11 : memref<256xi32, #tpu.memory_space<vmem>>) target(%dma_start3A_254 : memref<256xi32, #tpu.memory_space<vmem_shared>>) target_semaphore(%run_scoped3A_253 : memref<!tpu.dma_semaphore, #tpu.memory_space<semaphore_mem>>)
      %dma_wait3A = tpu.memref_slice %arg15[%mul3A_103] : memref<4096xi32, #tpu.memory_space<vmem_shared>> -> memref<256xi32, #tpu.memory_space<vmem_shared>>
      %dma_wait3A_255 = tpu.memref_slice %arg15[%mul3A_103] : memref<4096xi32, #tpu.memory_space<vmem_shared>> -> memref<256xi32, #tpu.memory_space<vmem_shared>>
      tpu.wait_dma2 semaphore(%run_scoped3A_253 : memref<!tpu.dma_semaphore, #tpu.memory_space<semaphore_mem>>) src(%arg11 : memref<256xi32, #tpu.memory_space<vmem>>) dst(%dma_wait3A_255 : memref<256xi32, #tpu.memory_space<vmem_shared>>)
      tpu.yield
    }) : () -> ()
    %scan3A = arith.constant 0 : i32
    %scan3A_104 = arith.constant 0 : i32
    %scan3A_105 = arith.constant 18 : i32
    %scan3A_106 = arith.addi %scan3A_104, %scan3A_105 : i32
    %scan3A_107 = arith.constant 1 : i32
    %scan3A_108 = scf.for %scan3A_253 = %scan3A_104 to %scan3A_106 step %scan3A_107 iter_args(%scan3A_254 = %scan3A) -> (i32)  : i32 {
      %mul3A_255 = arith.constant 8 : i32
      %mul3A_256 = arith.muli %scan3A_253, %mul3A_255 : i32
      %add3A_257 = arith.constant 0 : i32
      %add3A_258 = arith.addi %mul3A_256, %add3A_257 : i32
      %mul3A_259 = arith.constant 16 : i32
      %mul3A_260 = arith.muli %add3A_258, %mul3A_259 : i32
      %broadcast_in_dim3A_261 = arith.constant 0 : i32
      %broadcast_in_dim3A_262 = vector.broadcast %broadcast_in_dim3A_261 : i32 to vector<16xi32>
      %get3A_263 = arith.index_cast %mul3A_260 : i32 to index
      %get3A_264 = tpu.vector_load %arg5[%get3A_263] {strides = array<i32>} : memref<2304xf32, #tpu.memory_space<vmem>>, vector<16xf32>,
      %get3A_265 = vector.shape_cast %get3A_264 : vector<16xf32> to vector<16xf32>
      %add3A_266 = arith.addf %get3A_265, %get3A_265 : vector<16xf32>
      %exp3A = math.exp %add3A_266 : vector<16xf32>
      %add3A_267 = arith.constant 1.000000e+00 : f32
      %add3A_268 = vector.broadcast %add3A_267 : f32 to vector<16xf32>
      %add3A_269 = arith.addf %exp3A, %add3A_268 : vector<16xf32>
      %div3A = arith.constant 7.000000e+00 : f32
      %div3A_270 = vector.broadcast %div3A : f32 to vector<16xf32>
      %div3A_271 = arith.divf %div3A_270, %add3A_269 : vector<16xf32>
      %sub3A = arith.constant 7.500000e+00 : f32
      %sub3A_272 = vector.broadcast %sub3A : f32 to vector<16xf32>
      %sub3A_273 = arith.subf %sub3A_272, %div3A_271 : vector<16xf32>
      %convert_element_type3A_274 = arith.fptosi %sub3A_273 : vector<16xf32> to vector<16xi32>
      %mul3A_275 = arith.constant 1 : i32
      %mul3A_276 = vector.broadcast %mul3A_275 : i32 to vector<16xi32>
      %mul3A_277 = arith.muli %convert_element_type3A_274, %mul3A_276 : vector<16xi32>
      %add3A_278 = arith.addi %broadcast_in_dim3A_262, %mul3A_277 : vector<16xi32>
      %get3A_279 = arith.index_cast %mul3A_260 : i32 to index
      %get3A_280 = tpu.vector_load %arg6[%get3A_279] {strides = array<i32>} : memref<2304xf32, #tpu.memory_space<vmem>>, vector<16xf32>,
      %get3A_281 = vector.shape_cast %get3A_280 : vector<16xf32> to vector<16xf32>
      %add3A_282 = arith.addf %get3A_281, %get3A_281 : vector<16xf32>
      %exp3A_283 = math.exp %add3A_282 : vector<16xf32>
      %add3A_284 = arith.constant 1.000000e+00 : f32
      %add3A_285 = vector.broadcast %add3A_284 : f32 to vector<16xf32>
      %add3A_286 = arith.addf %exp3A_283, %add3A_285 : vector<16xf32>
      %div3A_287 = arith.constant 7.000000e+00 : f32
      %div3A_288 = vector.broadcast %div3A_287 : f32 to vector<16xf32>
      %div3A_289 = arith.divf %div3A_288, %add3A_286 : vector<16xf32>
      %sub3A_290 = arith.constant 7.500000e+00 : f32
      %sub3A_291 = vector.broadcast %sub3A_290 : f32 to vector<16xf32>
      %sub3A_292 = arith.subf %sub3A_291, %div3A_289 : vector<16xf32>
      %convert_element_type3A_293 = arith.fptosi %sub3A_292 : vector<16xf32> to vector<16xi32>
      %mul3A_294 = arith.constant 8 : i32
      %mul3A_295 = vector.broadcast %mul3A_294 : i32 to vector<16xi32>
      %mul3A_296 = arith.muli %convert_element_type3A_293, %mul3A_295 : vector<16xi32>
      %add3A_297 = arith.addi %add3A_278, %mul3A_296 : vector<16xi32>
      %get3A_298 = arith.index_cast %mul3A_260 : i32 to index
      %get3A_299 = tpu.vector_load %arg7[%get3A_298] {strides = array<i32>} : memref<2304xf32, #tpu.memory_space<vmem>>, vector<16xf32>,
      %get3A_300 = vector.shape_cast %get3A_299 : vector<16xf32> to vector<16xf32>
      %add3A_301 = arith.addf %get3A_300, %get3A_300 : vector<16xf32>
      %exp3A_302 = math.exp %add3A_301 : vector<16xf32>
      %add3A_303 = arith.constant 1.000000e+00 : f32
      %add3A_304 = vector.broadcast %add3A_303 : f32 to vector<16xf32>
      %add3A_305 = arith.addf %exp3A_302, %add3A_304 : vector<16xf32>
      %div3A_306 = arith.constant 7.000000e+00 : f32
      %div3A_307 = vector.broadcast %div3A_306 : f32 to vector<16xf32>
      %div3A_308 = arith.divf %div3A_307, %add3A_305 : vector<16xf32>
      %sub3A_309 = arith.constant 7.500000e+00 : f32
      %sub3A_310 = vector.broadcast %sub3A_309 : f32 to vector<16xf32>
      %sub3A_311 = arith.subf %sub3A_310, %div3A_308 : vector<16xf32>
      %convert_element_type3A_312 = arith.fptosi %sub3A_311 : vector<16xf32> to vector<16xi32>
      %mul3A_313 = arith.constant 64 : i32
      %mul3A_314 = vector.broadcast %mul3A_313 : i32 to vector<16xi32>
      %mul3A_315 = arith.muli %convert_element_type3A_312, %mul3A_314 : vector<16xi32>
      %add3A_316 = arith.addi %add3A_297, %mul3A_315 : vector<16xi32>
      %get3A_317 = arith.index_cast %mul3A_260 : i32 to index
      %get3A_318 = tpu.vector_load %arg8[%get3A_317] {strides = array<i32>} : memref<2304xf32, #tpu.memory_space<vmem>>, vector<16xf32>,
      %get3A_319 = vector.shape_cast %get3A_318 : vector<16xf32> to vector<16xf32>
      %add3A_320 = arith.addf %get3A_319, %get3A_319 : vector<16xf32>
      %exp3A_321 = math.exp %add3A_320 : vector<16xf32>
      %add3A_322 = arith.constant 1.000000e+00 : f32
      %add3A_323 = vector.broadcast %add3A_322 : f32 to vector<16xf32>
      %add3A_324 = arith.addf %exp3A_321, %add3A_323 : vector<16xf32>
      %div3A_325 = arith.constant 7.000000e+00 : f32
      %div3A_326 = vector.broadcast %div3A_325 : f32 to vector<16xf32>
      %div3A_327 = arith.divf %div3A_326, %add3A_324 : vector<16xf32>
      %sub3A_328 = arith.constant 7.500000e+00 : f32
      %sub3A_329 = vector.broadcast %sub3A_328 : f32 to vector<16xf32>
      %sub3A_330 = arith.subf %sub3A_329, %div3A_327 : vector<16xf32>
      %convert_element_type3A_331 = arith.fptosi %sub3A_330 : vector<16xf32> to vector<16xi32>
      %mul3A_332 = arith.constant 512 : i32
      %mul3A_333 = vector.broadcast %mul3A_332 : i32 to vector<16xi32>
      %mul3A_334 = arith.muli %convert_element_type3A_331, %mul3A_333 : vector<16xi32>
      %add3A_335 = arith.addi %add3A_316, %mul3A_334 : vector<16xi32>
      %swap3A_336 = arith.index_cast %scan3A_253 : i32 to index
      %swap3A_337 = arith.constant 0 : index
      %swap3A_338 = tpu.vector_load %arg9[%swap3A_336, %swap3A_337] {strides = array<i32>} : memref<18x128xi32, #tpu.memory_space<vmem>>, vector<1x16xi32>,
      %swap3A_339 = vector.shape_cast %swap3A_338 : vector<1x16xi32> to vector<16xi32>
      %swap3A_340 = vector.shape_cast %add3A_335 : vector<16xi32> to vector<1x16xi32>
      tpu.vector_store %arg9[%swap3A_336, %swap3A_337], %swap3A_340 {strides = array<i32>} : memref<18x128xi32, #tpu.memory_space<vmem>>, vector<1x16xi32>,
      %mul3A_341 = arith.constant 8 : i32
      %mul3A_342 = arith.muli %scan3A_253, %mul3A_341 : i32
      %add3A_343 = arith.constant 1 : i32
      %add3A_344 = arith.addi %mul3A_342, %add3A_343 : i32
      %mul3A_345 = arith.constant 16 : i32
      %mul3A_346 = arith.muli %add3A_344, %mul3A_345 : i32
      %broadcast_in_dim3A_347 = arith.constant 0 : i32
      %broadcast_in_dim3A_348 = vector.broadcast %broadcast_in_dim3A_347 : i32 to vector<16xi32>
      %get3A_349 = arith.index_cast %mul3A_346 : i32 to index
      %get3A_350 = tpu.vector_load %arg5[%get3A_349] {strides = array<i32>} : memref<2304xf32, #tpu.memory_space<vmem>>, vector<16xf32>,
      %get3A_351 = vector.shape_cast %get3A_350 : vector<16xf32> to vector<16xf32>
      %add3A_352 = arith.addf %get3A_351, %get3A_351 : vector<16xf32>
      %exp3A_353 = math.exp %add3A_352 : vector<16xf32>
      %add3A_354 = arith.constant 1.000000e+00 : f32
      %add3A_355 = vector.broadcast %add3A_354 : f32 to vector<16xf32>
      %add3A_356 = arith.addf %exp3A_353, %add3A_355 : vector<16xf32>
      %div3A_357 = arith.constant 7.000000e+00 : f32
      %div3A_358 = vector.broadcast %div3A_357 : f32 to vector<16xf32>
      %div3A_359 = arith.divf %div3A_358, %add3A_356 : vector<16xf32>
      %sub3A_360 = arith.constant 7.500000e+00 : f32
      %sub3A_361 = vector.broadcast %sub3A_360 : f32 to vector<16xf32>
      %sub3A_362 = arith.subf %sub3A_361, %div3A_359 : vector<16xf32>
      %convert_element_type3A_363 = arith.fptosi %sub3A_362 : vector<16xf32> to vector<16xi32>
      %mul3A_364 = arith.constant 1 : i32
      %mul3A_365 = vector.broadcast %mul3A_364 : i32 to vector<16xi32>
      %mul3A_366 = arith.muli %convert_element_type3A_363, %mul3A_365 : vector<16xi32>
      %add3A_367 = arith.addi %broadcast_in_dim3A_348, %mul3A_366 : vector<16xi32>
      %get3A_368 = arith.index_cast %mul3A_346 : i32 to index
      %get3A_369 = tpu.vector_load %arg6[%get3A_368] {strides = array<i32>} : memref<2304xf32, #tpu.memory_space<vmem>>, vector<16xf32>,
      %get3A_370 = vector.shape_cast %get3A_369 : vector<16xf32> to vector<16xf32>
      %add3A_371 = arith.addf %get3A_370, %get3A_370 : vector<16xf32>
      %exp3A_372 = math.exp %add3A_371 : vector<16xf32>
      %add3A_373 = arith.constant 1.000000e+00 : f32
      %add3A_374 = vector.broadcast %add3A_373 : f32 to vector<16xf32>
      %add3A_375 = arith.addf %exp3A_372, %add3A_374 : vector<16xf32>
      %div3A_376 = arith.constant 7.000000e+00 : f32
      %div3A_377 = vector.broadcast %div3A_376 : f32 to vector<16xf32>
      %div3A_378 = arith.divf %div3A_377, %add3A_375 : vector<16xf32>
      %sub3A_379 = arith.constant 7.500000e+00 : f32
      %sub3A_380 = vector.broadcast %sub3A_379 : f32 to vector<16xf32>
      %sub3A_381 = arith.subf %sub3A_380, %div3A_378 : vector<16xf32>
      %convert_element_type3A_382 = arith.fptosi %sub3A_381 : vector<16xf32> to vector<16xi32>
      %mul3A_383 = arith.constant 8 : i32
      %mul3A_384 = vector.broadcast %mul3A_383 : i32 to vector<16xi32>
      %mul3A_385 = arith.muli %convert_element_type3A_382, %mul3A_384 : vector<16xi32>
      %add3A_386 = arith.addi %add3A_367, %mul3A_385 : vector<16xi32>
      %get3A_387 = arith.index_cast %mul3A_346 : i32 to index
      %get3A_388 = tpu.vector_load %arg7[%get3A_387] {strides = array<i32>} : memref<2304xf32, #tpu.memory_space<vmem>>, vector<16xf32>,
      %get3A_389 = vector.shape_cast %get3A_388 : vector<16xf32> to vector<16xf32>
      %add3A_390 = arith.addf %get3A_389, %get3A_389 : vector<16xf32>
      %exp3A_391 = math.exp %add3A_390 : vector<16xf32>
      %add3A_392 = arith.constant 1.000000e+00 : f32
      %add3A_393 = vector.broadcast %add3A_392 : f32 to vector<16xf32>
      %add3A_394 = arith.addf %exp3A_391, %add3A_393 : vector<16xf32>
      %div3A_395 = arith.constant 7.000000e+00 : f32
      %div3A_396 = vector.broadcast %div3A_395 : f32 to vector<16xf32>
      %div3A_397 = arith.divf %div3A_396, %add3A_394 : vector<16xf32>
      %sub3A_398 = arith.constant 7.500000e+00 : f32
      %sub3A_399 = vector.broadcast %sub3A_398 : f32 to vector<16xf32>
      %sub3A_400 = arith.subf %sub3A_399, %div3A_397 : vector<16xf32>
      %convert_element_type3A_401 = arith.fptosi %sub3A_400 : vector<16xf32> to vector<16xi32>
      %mul3A_402 = arith.constant 64 : i32
      %mul3A_403 = vector.broadcast %mul3A_402 : i32 to vector<16xi32>
      %mul3A_404 = arith.muli %convert_element_type3A_401, %mul3A_403 : vector<16xi32>
      %add3A_405 = arith.addi %add3A_386, %mul3A_404 : vector<16xi32>
      %get3A_406 = arith.index_cast %mul3A_346 : i32 to index
      %get3A_407 = tpu.vector_load %arg8[%get3A_406] {strides = array<i32>} : memref<2304xf32, #tpu.memory_space<vmem>>, vector<16xf32>,
      %get3A_408 = vector.shape_cast %get3A_407 : vector<16xf32> to vector<16xf32>
      %add3A_409 = arith.addf %get3A_408, %get3A_408 : vector<16xf32>
      %exp3A_410 = math.exp %add3A_409 : vector<16xf32>
      %add3A_411 = arith.constant 1.000000e+00 : f32
      %add3A_412 = vector.broadcast %add3A_411 : f32 to vector<16xf32>
      %add3A_413 = arith.addf %exp3A_410, %add3A_412 : vector<16xf32>
      %div3A_414 = arith.constant 7.000000e+00 : f32
      %div3A_415 = vector.broadcast %div3A_414 : f32 to vector<16xf32>
      %div3A_416 = arith.divf %div3A_415, %add3A_413 : vector<16xf32>
      %sub3A_417 = arith.constant 7.500000e+00 : f32
      %sub3A_418 = vector.broadcast %sub3A_417 : f32 to vector<16xf32>
      %sub3A_419 = arith.subf %sub3A_418, %div3A_416 : vector<16xf32>
      %convert_element_type3A_420 = arith.fptosi %sub3A_419 : vector<16xf32> to vector<16xi32>
      %mul3A_421 = arith.constant 512 : i32
      %mul3A_422 = vector.broadcast %mul3A_421 : i32 to vector<16xi32>
      %mul3A_423 = arith.muli %convert_element_type3A_420, %mul3A_422 : vector<16xi32>
      %add3A_424 = arith.addi %add3A_405, %mul3A_423 : vector<16xi32>
      %swap3A_425 = arith.index_cast %scan3A_253 : i32 to index
      %swap3A_426 = arith.constant 16 : index
      %swap3A_427 = tpu.vector_load %arg9[%swap3A_425, %swap3A_426] {strides = array<i32>} : memref<18x128xi32, #tpu.memory_space<vmem>>, vector<1x16xi32>,
      %swap3A_428 = vector.shape_cast %swap3A_427 : vector<1x16xi32> to vector<16xi32>
      %swap3A_429 = vector.shape_cast %add3A_424 : vector<16xi32> to vector<1x16xi32>
      tpu.vector_store %arg9[%swap3A_425, %swap3A_426], %swap3A_429 {strides = array<i32>} : memref<18x128xi32, #tpu.memory_space<vmem>>, vector<1x16xi32>,
      %mul3A_430 = arith.constant 8 : i32
      %mul3A_431 = arith.muli %scan3A_253, %mul3A_430 : i32
      %add3A_432 = arith.constant 2 : i32
      %add3A_433 = arith.addi %mul3A_431, %add3A_432 : i32
      %mul3A_434 = arith.constant 16 : i32
      %mul3A_435 = arith.muli %add3A_433, %mul3A_434 : i32
      %broadcast_in_dim3A_436 = arith.constant 0 : i32
      %broadcast_in_dim3A_437 = vector.broadcast %broadcast_in_dim3A_436 : i32 to vector<16xi32>
      %get3A_438 = arith.index_cast %mul3A_435 : i32 to index
      %get3A_439 = tpu.vector_load %arg5[%get3A_438] {strides = array<i32>} : memref<2304xf32, #tpu.memory_space<vmem>>, vector<16xf32>,
      %get3A_440 = vector.shape_cast %get3A_439 : vector<16xf32> to vector<16xf32>
      %add3A_441 = arith.addf %get3A_440, %get3A_440 : vector<16xf32>
      %exp3A_442 = math.exp %add3A_441 : vector<16xf32>
      %add3A_443 = arith.constant 1.000000e+00 : f32
      %add3A_444 = vector.broadcast %add3A_443 : f32 to vector<16xf32>
      %add3A_445 = arith.addf %exp3A_442, %add3A_444 : vector<16xf32>
      %div3A_446 = arith.constant 7.000000e+00 : f32
      %div3A_447 = vector.broadcast %div3A_446 : f32 to vector<16xf32>
      %div3A_448 = arith.divf %div3A_447, %add3A_445 : vector<16xf32>
      %sub3A_449 = arith.constant 7.500000e+00 : f32
      %sub3A_450 = vector.broadcast %sub3A_449 : f32 to vector<16xf32>
      %sub3A_451 = arith.subf %sub3A_450, %div3A_448 : vector<16xf32>
      %convert_element_type3A_452 = arith.fptosi %sub3A_451 : vector<16xf32> to vector<16xi32>
      %mul3A_453 = arith.constant 1 : i32
      %mul3A_454 = vector.broadcast %mul3A_453 : i32 to vector<16xi32>
      %mul3A_455 = arith.muli %convert_element_type3A_452, %mul3A_454 : vector<16xi32>
      %add3A_456 = arith.addi %broadcast_in_dim3A_437, %mul3A_455 : vector<16xi32>
      %get3A_457 = arith.index_cast %mul3A_435 : i32 to index
      %get3A_458 = tpu.vector_load %arg6[%get3A_457] {strides = array<i32>} : memref<2304xf32, #tpu.memory_space<vmem>>, vector<16xf32>,
      %get3A_459 = vector.shape_cast %get3A_458 : vector<16xf32> to vector<16xf32>
      %add3A_460 = arith.addf %get3A_459, %get3A_459 : vector<16xf32>
      %exp3A_461 = math.exp %add3A_460 : vector<16xf32>
      %add3A_462 = arith.constant 1.000000e+00 : f32
      %add3A_463 = vector.broadcast %add3A_462 : f32 to vector<16xf32>
      %add3A_464 = arith.addf %exp3A_461, %add3A_463 : vector<16xf32>
      %div3A_465 = arith.constant 7.000000e+00 : f32
      %div3A_466 = vector.broadcast %div3A_465 : f32 to vector<16xf32>
      %div3A_467 = arith.divf %div3A_466, %add3A_464 : vector<16xf32>
      %sub3A_468 = arith.constant 7.500000e+00 : f32
      %sub3A_469 = vector.broadcast %sub3A_468 : f32 to vector<16xf32>
      %sub3A_470 = arith.subf %sub3A_469, %div3A_467 : vector<16xf32>
      %convert_element_type3A_471 = arith.fptosi %sub3A_470 : vector<16xf32> to vector<16xi32>
      %mul3A_472 = arith.constant 8 : i32
      %mul3A_473 = vector.broadcast %mul3A_472 : i32 to vector<16xi32>
      %mul3A_474 = arith.muli %convert_element_type3A_471, %mul3A_473 : vector<16xi32>
      %add3A_475 = arith.addi %add3A_456, %mul3A_474 : vector<16xi32>
      %get3A_476 = arith.index_cast %mul3A_435 : i32 to index
      %get3A_477 = tpu.vector_load %arg7[%get3A_476] {strides = array<i32>} : memref<2304xf32, #tpu.memory_space<vmem>>, vector<16xf32>,
      %get3A_478 = vector.shape_cast %get3A_477 : vector<16xf32> to vector<16xf32>
      %add3A_479 = arith.addf %get3A_478, %get3A_478 : vector<16xf32>
      %exp3A_480 = math.exp %add3A_479 : vector<16xf32>
      %add3A_481 = arith.constant 1.000000e+00 : f32
      %add3A_482 = vector.broadcast %add3A_481 : f32 to vector<16xf32>
      %add3A_483 = arith.addf %exp3A_480, %add3A_482 : vector<16xf32>
      %div3A_484 = arith.constant 7.000000e+00 : f32
      %div3A_485 = vector.broadcast %div3A_484 : f32 to vector<16xf32>
      %div3A_486 = arith.divf %div3A_485, %add3A_483 : vector<16xf32>
      %sub3A_487 = arith.constant 7.500000e+00 : f32
      %sub3A_488 = vector.broadcast %sub3A_487 : f32 to vector<16xf32>
      %sub3A_489 = arith.subf %sub3A_488, %div3A_486 : vector<16xf32>
      %convert_element_type3A_490 = arith.fptosi %sub3A_489 : vector<16xf32> to vector<16xi32>
      %mul3A_491 = arith.constant 64 : i32
      %mul3A_492 = vector.broadcast %mul3A_491 : i32 to vector<16xi32>
      %mul3A_493 = arith.muli %convert_element_type3A_490, %mul3A_492 : vector<16xi32>
      %add3A_494 = arith.addi %add3A_475, %mul3A_493 : vector<16xi32>
      %get3A_495 = arith.index_cast %mul3A_435 : i32 to index
      %get3A_496 = tpu.vector_load %arg8[%get3A_495] {strides = array<i32>} : memref<2304xf32, #tpu.memory_space<vmem>>, vector<16xf32>,
      %get3A_497 = vector.shape_cast %get3A_496 : vector<16xf32> to vector<16xf32>
      %add3A_498 = arith.addf %get3A_497, %get3A_497 : vector<16xf32>
      %exp3A_499 = math.exp %add3A_498 : vector<16xf32>
      %add3A_500 = arith.constant 1.000000e+00 : f32
      %add3A_501 = vector.broadcast %add3A_500 : f32 to vector<16xf32>
      %add3A_502 = arith.addf %exp3A_499, %add3A_501 : vector<16xf32>
      %div3A_503 = arith.constant 7.000000e+00 : f32
      %div3A_504 = vector.broadcast %div3A_503 : f32 to vector<16xf32>
      %div3A_505 = arith.divf %div3A_504, %add3A_502 : vector<16xf32>
      %sub3A_506 = arith.constant 7.500000e+00 : f32
      %sub3A_507 = vector.broadcast %sub3A_506 : f32 to vector<16xf32>
      %sub3A_508 = arith.subf %sub3A_507, %div3A_505 : vector<16xf32>
      %convert_element_type3A_509 = arith.fptosi %sub3A_508 : vector<16xf32> to vector<16xi32>
      %mul3A_510 = arith.constant 512 : i32
      %mul3A_511 = vector.broadcast %mul3A_510 : i32 to vector<16xi32>
      %mul3A_512 = arith.muli %convert_element_type3A_509, %mul3A_511 : vector<16xi32>
      %add3A_513 = arith.addi %add3A_494, %mul3A_512 : vector<16xi32>
      %swap3A_514 = arith.index_cast %scan3A_253 : i32 to index
      %swap3A_515 = arith.constant 32 : index
      %swap3A_516 = tpu.vector_load %arg9[%swap3A_514, %swap3A_515] {strides = array<i32>} : memref<18x128xi32, #tpu.memory_space<vmem>>, vector<1x16xi32>,
      %swap3A_517 = vector.shape_cast %swap3A_516 : vector<1x16xi32> to vector<16xi32>
      %swap3A_518 = vector.shape_cast %add3A_513 : vector<16xi32> to vector<1x16xi32>
      tpu.vector_store %arg9[%swap3A_514, %swap3A_515], %swap3A_518 {strides = array<i32>} : memref<18x128xi32, #tpu.memory_space<vmem>>, vector<1x16xi32>,
      %mul3A_519 = arith.constant 8 : i32
      %mul3A_520 = arith.muli %scan3A_253, %mul3A_519 : i32
      %add3A_521 = arith.constant 3 : i32
      %add3A_522 = arith.addi %mul3A_520, %add3A_521 : i32
      %mul3A_523 = arith.constant 16 : i32
      %mul3A_524 = arith.muli %add3A_522, %mul3A_523 : i32
      %broadcast_in_dim3A_525 = arith.constant 0 : i32
      %broadcast_in_dim3A_526 = vector.broadcast %broadcast_in_dim3A_525 : i32 to vector<16xi32>
      %get3A_527 = arith.index_cast %mul3A_524 : i32 to index
      %get3A_528 = tpu.vector_load %arg5[%get3A_527] {strides = array<i32>} : memref<2304xf32, #tpu.memory_space<vmem>>, vector<16xf32>,
      %get3A_529 = vector.shape_cast %get3A_528 : vector<16xf32> to vector<16xf32>
      %add3A_530 = arith.addf %get3A_529, %get3A_529 : vector<16xf32>
      %exp3A_531 = math.exp %add3A_530 : vector<16xf32>
      %add3A_532 = arith.constant 1.000000e+00 : f32
      %add3A_533 = vector.broadcast %add3A_532 : f32 to vector<16xf32>
      %add3A_534 = arith.addf %exp3A_531, %add3A_533 : vector<16xf32>
      %div3A_535 = arith.constant 7.000000e+00 : f32
      %div3A_536 = vector.broadcast %div3A_535 : f32 to vector<16xf32>
      %div3A_537 = arith.divf %div3A_536, %add3A_534 : vector<16xf32>
      %sub3A_538 = arith.constant 7.500000e+00 : f32
      %sub3A_539 = vector.broadcast %sub3A_538 : f32 to vector<16xf32>
      %sub3A_540 = arith.subf %sub3A_539, %div3A_537 : vector<16xf32>
      %convert_element_type3A_541 = arith.fptosi %sub3A_540 : vector<16xf32> to vector<16xi32>
      %mul3A_542 = arith.constant 1 : i32
      %mul3A_543 = vector.broadcast %mul3A_542 : i32 to vector<16xi32>
      %mul3A_544 = arith.muli %convert_element_type3A_541, %mul3A_543 : vector<16xi32>
      %add3A_545 = arith.addi %broadcast_in_dim3A_526, %mul3A_544 : vector<16xi32>
      %get3A_546 = arith.index_cast %mul3A_524 : i32 to index
      %get3A_547 = tpu.vector_load %arg6[%get3A_546] {strides = array<i32>} : memref<2304xf32, #tpu.memory_space<vmem>>, vector<16xf32>,
      %get3A_548 = vector.shape_cast %get3A_547 : vector<16xf32> to vector<16xf32>
      %add3A_549 = arith.addf %get3A_548, %get3A_548 : vector<16xf32>
      %exp3A_550 = math.exp %add3A_549 : vector<16xf32>
      %add3A_551 = arith.constant 1.000000e+00 : f32
      %add3A_552 = vector.broadcast %add3A_551 : f32 to vector<16xf32>
      %add3A_553 = arith.addf %exp3A_550, %add3A_552 : vector<16xf32>
      %div3A_554 = arith.constant 7.000000e+00 : f32
      %div3A_555 = vector.broadcast %div3A_554 : f32 to vector<16xf32>
      %div3A_556 = arith.divf %div3A_555, %add3A_553 : vector<16xf32>
      %sub3A_557 = arith.constant 7.500000e+00 : f32
      %sub3A_558 = vector.broadcast %sub3A_557 : f32 to vector<16xf32>
      %sub3A_559 = arith.subf %sub3A_558, %div3A_556 : vector<16xf32>
      %convert_element_type3A_560 = arith.fptosi %sub3A_559 : vector<16xf32> to vector<16xi32>
      %mul3A_561 = arith.constant 8 : i32
      %mul3A_562 = vector.broadcast %mul3A_561 : i32 to vector<16xi32>
      %mul3A_563 = arith.muli %convert_element_type3A_560, %mul3A_562 : vector<16xi32>
      %add3A_564 = arith.addi %add3A_545, %mul3A_563 : vector<16xi32>
      %get3A_565 = arith.index_cast %mul3A_524 : i32 to index
      %get3A_566 = tpu.vector_load %arg7[%get3A_565] {strides = array<i32>} : memref<2304xf32, #tpu.memory_space<vmem>>, vector<16xf32>,
      %get3A_567 = vector.shape_cast %get3A_566 : vector<16xf32> to vector<16xf32>
      %add3A_568 = arith.addf %get3A_567, %get3A_567 : vector<16xf32>
      %exp3A_569 = math.exp %add3A_568 : vector<16xf32>
      %add3A_570 = arith.constant 1.000000e+00 : f32
      %add3A_571 = vector.broadcast %add3A_570 : f32 to vector<16xf32>
      %add3A_572 = arith.addf %exp3A_569, %add3A_571 : vector<16xf32>
      %div3A_573 = arith.constant 7.000000e+00 : f32
      %div3A_574 = vector.broadcast %div3A_573 : f32 to vector<16xf32>
      %div3A_575 = arith.divf %div3A_574, %add3A_572 : vector<16xf32>
      %sub3A_576 = arith.constant 7.500000e+00 : f32
      %sub3A_577 = vector.broadcast %sub3A_576 : f32 to vector<16xf32>
      %sub3A_578 = arith.subf %sub3A_577, %div3A_575 : vector<16xf32>
      %convert_element_type3A_579 = arith.fptosi %sub3A_578 : vector<16xf32> to vector<16xi32>
      %mul3A_580 = arith.constant 64 : i32
      %mul3A_581 = vector.broadcast %mul3A_580 : i32 to vector<16xi32>
      %mul3A_582 = arith.muli %convert_element_type3A_579, %mul3A_581 : vector<16xi32>
      %add3A_583 = arith.addi %add3A_564, %mul3A_582 : vector<16xi32>
      %get3A_584 = arith.index_cast %mul3A_524 : i32 to index
      %get3A_585 = tpu.vector_load %arg8[%get3A_584] {strides = array<i32>} : memref<2304xf32, #tpu.memory_space<vmem>>, vector<16xf32>,
      %get3A_586 = vector.shape_cast %get3A_585 : vector<16xf32> to vector<16xf32>
      %add3A_587 = arith.addf %get3A_586, %get3A_586 : vector<16xf32>
      %exp3A_588 = math.exp %add3A_587 : vector<16xf32>
      %add3A_589 = arith.constant 1.000000e+00 : f32
      %add3A_590 = vector.broadcast %add3A_589 : f32 to vector<16xf32>
      %add3A_591 = arith.addf %exp3A_588, %add3A_590 : vector<16xf32>
      %div3A_592 = arith.constant 7.000000e+00 : f32
      %div3A_593 = vector.broadcast %div3A_592 : f32 to vector<16xf32>
      %div3A_594 = arith.divf %div3A_593, %add3A_591 : vector<16xf32>
      %sub3A_595 = arith.constant 7.500000e+00 : f32
      %sub3A_596 = vector.broadcast %sub3A_595 : f32 to vector<16xf32>
      %sub3A_597 = arith.subf %sub3A_596, %div3A_594 : vector<16xf32>
      %convert_element_type3A_598 = arith.fptosi %sub3A_597 : vector<16xf32> to vector<16xi32>
      %mul3A_599 = arith.constant 512 : i32
      %mul3A_600 = vector.broadcast %mul3A_599 : i32 to vector<16xi32>
      %mul3A_601 = arith.muli %convert_element_type3A_598, %mul3A_600 : vector<16xi32>
      %add3A_602 = arith.addi %add3A_583, %mul3A_601 : vector<16xi32>
      %swap3A_603 = arith.index_cast %scan3A_253 : i32 to index
      %swap3A_604 = arith.constant 48 : index
      %swap3A_605 = tpu.vector_load %arg9[%swap3A_603, %swap3A_604] {strides = array<i32>} : memref<18x128xi32, #tpu.memory_space<vmem>>, vector<1x16xi32>,
      %swap3A_606 = vector.shape_cast %swap3A_605 : vector<1x16xi32> to vector<16xi32>
      %swap3A_607 = vector.shape_cast %add3A_602 : vector<16xi32> to vector<1x16xi32>
      tpu.vector_store %arg9[%swap3A_603, %swap3A_604], %swap3A_607 {strides = array<i32>} : memref<18x128xi32, #tpu.memory_space<vmem>>, vector<1x16xi32>,
      %mul3A_608 = arith.constant 8 : i32
      %mul3A_609 = arith.muli %scan3A_253, %mul3A_608 : i32
      %add3A_610 = arith.constant 4 : i32
      %add3A_611 = arith.addi %mul3A_609, %add3A_610 : i32
      %mul3A_612 = arith.constant 16 : i32
      %mul3A_613 = arith.muli %add3A_611, %mul3A_612 : i32
      %broadcast_in_dim3A_614 = arith.constant 0 : i32
      %broadcast_in_dim3A_615 = vector.broadcast %broadcast_in_dim3A_614 : i32 to vector<16xi32>
      %get3A_616 = arith.index_cast %mul3A_613 : i32 to index
      %get3A_617 = tpu.vector_load %arg5[%get3A_616] {strides = array<i32>} : memref<2304xf32, #tpu.memory_space<vmem>>, vector<16xf32>,
      %get3A_618 = vector.shape_cast %get3A_617 : vector<16xf32> to vector<16xf32>
      %add3A_619 = arith.addf %get3A_618, %get3A_618 : vector<16xf32>
      %exp3A_620 = math.exp %add3A_619 : vector<16xf32>
      %add3A_621 = arith.constant 1.000000e+00 : f32
      %add3A_622 = vector.broadcast %add3A_621 : f32 to vector<16xf32>
      %add3A_623 = arith.addf %exp3A_620, %add3A_622 : vector<16xf32>
      %div3A_624 = arith.constant 7.000000e+00 : f32
      %div3A_625 = vector.broadcast %div3A_624 : f32 to vector<16xf32>
      %div3A_626 = arith.divf %div3A_625, %add3A_623 : vector<16xf32>
      %sub3A_627 = arith.constant 7.500000e+00 : f32
      %sub3A_628 = vector.broadcast %sub3A_627 : f32 to vector<16xf32>
      %sub3A_629 = arith.subf %sub3A_628, %div3A_626 : vector<16xf32>
      %convert_element_type3A_630 = arith.fptosi %sub3A_629 : vector<16xf32> to vector<16xi32>
      %mul3A_631 = arith.constant 1 : i32
      %mul3A_632 = vector.broadcast %mul3A_631 : i32 to vector<16xi32>
      %mul3A_633 = arith.muli %convert_element_type3A_630, %mul3A_632 : vector<16xi32>
      %add3A_634 = arith.addi %broadcast_in_dim3A_615, %mul3A_633 : vector<16xi32>
      %get3A_635 = arith.index_cast %mul3A_613 : i32 to index
      %get3A_636 = tpu.vector_load %arg6[%get3A_635] {strides = array<i32>} : memref<2304xf32, #tpu.memory_space<vmem>>, vector<16xf32>,
      %get3A_637 = vector.shape_cast %get3A_636 : vector<16xf32> to vector<16xf32>
      %add3A_638 = arith.addf %get3A_637, %get3A_637 : vector<16xf32>
      %exp3A_639 = math.exp %add3A_638 : vector<16xf32>
      %add3A_640 = arith.constant 1.000000e+00 : f32
      %add3A_641 = vector.broadcast %add3A_640 : f32 to vector<16xf32>
      %add3A_642 = arith.addf %exp3A_639, %add3A_641 : vector<16xf32>
      %div3A_643 = arith.constant 7.000000e+00 : f32
      %div3A_644 = vector.broadcast %div3A_643 : f32 to vector<16xf32>
      %div3A_645 = arith.divf %div3A_644, %add3A_642 : vector<16xf32>
      %sub3A_646 = arith.constant 7.500000e+00 : f32
      %sub3A_647 = vector.broadcast %sub3A_646 : f32 to vector<16xf32>
      %sub3A_648 = arith.subf %sub3A_647, %div3A_645 : vector<16xf32>
      %convert_element_type3A_649 = arith.fptosi %sub3A_648 : vector<16xf32> to vector<16xi32>
      %mul3A_650 = arith.constant 8 : i32
      %mul3A_651 = vector.broadcast %mul3A_650 : i32 to vector<16xi32>
      %mul3A_652 = arith.muli %convert_element_type3A_649, %mul3A_651 : vector<16xi32>
      %add3A_653 = arith.addi %add3A_634, %mul3A_652 : vector<16xi32>
      %get3A_654 = arith.index_cast %mul3A_613 : i32 to index
      %get3A_655 = tpu.vector_load %arg7[%get3A_654] {strides = array<i32>} : memref<2304xf32, #tpu.memory_space<vmem>>, vector<16xf32>,
      %get3A_656 = vector.shape_cast %get3A_655 : vector<16xf32> to vector<16xf32>
      %add3A_657 = arith.addf %get3A_656, %get3A_656 : vector<16xf32>
      %exp3A_658 = math.exp %add3A_657 : vector<16xf32>
      %add3A_659 = arith.constant 1.000000e+00 : f32
      %add3A_660 = vector.broadcast %add3A_659 : f32 to vector<16xf32>
      %add3A_661 = arith.addf %exp3A_658, %add3A_660 : vector<16xf32>
      %div3A_662 = arith.constant 7.000000e+00 : f32
      %div3A_663 = vector.broadcast %div3A_662 : f32 to vector<16xf32>
      %div3A_664 = arith.divf %div3A_663, %add3A_661 : vector<16xf32>
      %sub3A_665 = arith.constant 7.500000e+00 : f32
      %sub3A_666 = vector.broadcast %sub3A_665 : f32 to vector<16xf32>
      %sub3A_667 = arith.subf %sub3A_666, %div3A_664 : vector<16xf32>
      %convert_element_type3A_668 = arith.fptosi %sub3A_667 : vector<16xf32> to vector<16xi32>
      %mul3A_669 = arith.constant 64 : i32
      %mul3A_670 = vector.broadcast %mul3A_669 : i32 to vector<16xi32>
      %mul3A_671 = arith.muli %convert_element_type3A_668, %mul3A_670 : vector<16xi32>
      %add3A_672 = arith.addi %add3A_653, %mul3A_671 : vector<16xi32>
      %get3A_673 = arith.index_cast %mul3A_613 : i32 to index
      %get3A_674 = tpu.vector_load %arg8[%get3A_673] {strides = array<i32>} : memref<2304xf32, #tpu.memory_space<vmem>>, vector<16xf32>,
      %get3A_675 = vector.shape_cast %get3A_674 : vector<16xf32> to vector<16xf32>
      %add3A_676 = arith.addf %get3A_675, %get3A_675 : vector<16xf32>
      %exp3A_677 = math.exp %add3A_676 : vector<16xf32>
      %add3A_678 = arith.constant 1.000000e+00 : f32
      %add3A_679 = vector.broadcast %add3A_678 : f32 to vector<16xf32>
      %add3A_680 = arith.addf %exp3A_677, %add3A_679 : vector<16xf32>
      %div3A_681 = arith.constant 7.000000e+00 : f32
      %div3A_682 = vector.broadcast %div3A_681 : f32 to vector<16xf32>
      %div3A_683 = arith.divf %div3A_682, %add3A_680 : vector<16xf32>
      %sub3A_684 = arith.constant 7.500000e+00 : f32
      %sub3A_685 = vector.broadcast %sub3A_684 : f32 to vector<16xf32>
      %sub3A_686 = arith.subf %sub3A_685, %div3A_683 : vector<16xf32>
      %convert_element_type3A_687 = arith.fptosi %sub3A_686 : vector<16xf32> to vector<16xi32>
      %mul3A_688 = arith.constant 512 : i32
      %mul3A_689 = vector.broadcast %mul3A_688 : i32 to vector<16xi32>
      %mul3A_690 = arith.muli %convert_element_type3A_687, %mul3A_689 : vector<16xi32>
      %add3A_691 = arith.addi %add3A_672, %mul3A_690 : vector<16xi32>
      %swap3A_692 = arith.index_cast %scan3A_253 : i32 to index
      %swap3A_693 = arith.constant 64 : index
      %swap3A_694 = tpu.vector_load %arg9[%swap3A_692, %swap3A_693] {strides = array<i32>} : memref<18x128xi32, #tpu.memory_space<vmem>>, vector<1x16xi32>,
      %swap3A_695 = vector.shape_cast %swap3A_694 : vector<1x16xi32> to vector<16xi32>
      %swap3A_696 = vector.shape_cast %add3A_691 : vector<16xi32> to vector<1x16xi32>
      tpu.vector_store %arg9[%swap3A_692, %swap3A_693], %swap3A_696 {strides = array<i32>} : memref<18x128xi32, #tpu.memory_space<vmem>>, vector<1x16xi32>,
      %mul3A_697 = arith.constant 8 : i32
      %mul3A_698 = arith.muli %scan3A_253, %mul3A_697 : i32
      %add3A_699 = arith.constant 5 : i32
      %add3A_700 = arith.addi %mul3A_698, %add3A_699 : i32
      %mul3A_701 = arith.constant 16 : i32
      %mul3A_702 = arith.muli %add3A_700, %mul3A_701 : i32
      %broadcast_in_dim3A_703 = arith.constant 0 : i32
      %broadcast_in_dim3A_704 = vector.broadcast %broadcast_in_dim3A_703 : i32 to vector<16xi32>
      %get3A_705 = arith.index_cast %mul3A_702 : i32 to index
      %get3A_706 = tpu.vector_load %arg5[%get3A_705] {strides = array<i32>} : memref<2304xf32, #tpu.memory_space<vmem>>, vector<16xf32>,
      %get3A_707 = vector.shape_cast %get3A_706 : vector<16xf32> to vector<16xf32>
      %add3A_708 = arith.addf %get3A_707, %get3A_707 : vector<16xf32>
      %exp3A_709 = math.exp %add3A_708 : vector<16xf32>
      %add3A_710 = arith.constant 1.000000e+00 : f32
      %add3A_711 = vector.broadcast %add3A_710 : f32 to vector<16xf32>
      %add3A_712 = arith.addf %exp3A_709, %add3A_711 : vector<16xf32>
      %div3A_713 = arith.constant 7.000000e+00 : f32
      %div3A_714 = vector.broadcast %div3A_713 : f32 to vector<16xf32>
      %div3A_715 = arith.divf %div3A_714, %add3A_712 : vector<16xf32>
      %sub3A_716 = arith.constant 7.500000e+00 : f32
      %sub3A_717 = vector.broadcast %sub3A_716 : f32 to vector<16xf32>
      %sub3A_718 = arith.subf %sub3A_717, %div3A_715 : vector<16xf32>
      %convert_element_type3A_719 = arith.fptosi %sub3A_718 : vector<16xf32> to vector<16xi32>
      %mul3A_720 = arith.constant 1 : i32
      %mul3A_721 = vector.broadcast %mul3A_720 : i32 to vector<16xi32>
      %mul3A_722 = arith.muli %convert_element_type3A_719, %mul3A_721 : vector<16xi32>
      %add3A_723 = arith.addi %broadcast_in_dim3A_704, %mul3A_722 : vector<16xi32>
      %get3A_724 = arith.index_cast %mul3A_702 : i32 to index
      %get3A_725 = tpu.vector_load %arg6[%get3A_724] {strides = array<i32>} : memref<2304xf32, #tpu.memory_space<vmem>>, vector<16xf32>,
      %get3A_726 = vector.shape_cast %get3A_725 : vector<16xf32> to vector<16xf32>
      %add3A_727 = arith.addf %get3A_726, %get3A_726 : vector<16xf32>
      %exp3A_728 = math.exp %add3A_727 : vector<16xf32>
      %add3A_729 = arith.constant 1.000000e+00 : f32
      %add3A_730 = vector.broadcast %add3A_729 : f32 to vector<16xf32>
      %add3A_731 = arith.addf %exp3A_728, %add3A_730 : vector<16xf32>
      %div3A_732 = arith.constant 7.000000e+00 : f32
      %div3A_733 = vector.broadcast %div3A_732 : f32 to vector<16xf32>
      %div3A_734 = arith.divf %div3A_733, %add3A_731 : vector<16xf32>
      %sub3A_735 = arith.constant 7.500000e+00 : f32
      %sub3A_736 = vector.broadcast %sub3A_735 : f32 to vector<16xf32>
      %sub3A_737 = arith.subf %sub3A_736, %div3A_734 : vector<16xf32>
      %convert_element_type3A_738 = arith.fptosi %sub3A_737 : vector<16xf32> to vector<16xi32>
      %mul3A_739 = arith.constant 8 : i32
      %mul3A_740 = vector.broadcast %mul3A_739 : i32 to vector<16xi32>
      %mul3A_741 = arith.muli %convert_element_type3A_738, %mul3A_740 : vector<16xi32>
      %add3A_742 = arith.addi %add3A_723, %mul3A_741 : vector<16xi32>
      %get3A_743 = arith.index_cast %mul3A_702 : i32 to index
      %get3A_744 = tpu.vector_load %arg7[%get3A_743] {strides = array<i32>} : memref<2304xf32, #tpu.memory_space<vmem>>, vector<16xf32>,
      %get3A_745 = vector.shape_cast %get3A_744 : vector<16xf32> to vector<16xf32>
      %add3A_746 = arith.addf %get3A_745, %get3A_745 : vector<16xf32>
      %exp3A_747 = math.exp %add3A_746 : vector<16xf32>
      %add3A_748 = arith.constant 1.000000e+00 : f32
      %add3A_749 = vector.broadcast %add3A_748 : f32 to vector<16xf32>
      %add3A_750 = arith.addf %exp3A_747, %add3A_749 : vector<16xf32>
      %div3A_751 = arith.constant 7.000000e+00 : f32
      %div3A_752 = vector.broadcast %div3A_751 : f32 to vector<16xf32>
      %div3A_753 = arith.divf %div3A_752, %add3A_750 : vector<16xf32>
      %sub3A_754 = arith.constant 7.500000e+00 : f32
      %sub3A_755 = vector.broadcast %sub3A_754 : f32 to vector<16xf32>
      %sub3A_756 = arith.subf %sub3A_755, %div3A_753 : vector<16xf32>
      %convert_element_type3A_757 = arith.fptosi %sub3A_756 : vector<16xf32> to vector<16xi32>
      %mul3A_758 = arith.constant 64 : i32
      %mul3A_759 = vector.broadcast %mul3A_758 : i32 to vector<16xi32>
      %mul3A_760 = arith.muli %convert_element_type3A_757, %mul3A_759 : vector<16xi32>
      %add3A_761 = arith.addi %add3A_742, %mul3A_760 : vector<16xi32>
      %get3A_762 = arith.index_cast %mul3A_702 : i32 to index
      %get3A_763 = tpu.vector_load %arg8[%get3A_762] {strides = array<i32>} : memref<2304xf32, #tpu.memory_space<vmem>>, vector<16xf32>,
      %get3A_764 = vector.shape_cast %get3A_763 : vector<16xf32> to vector<16xf32>
      %add3A_765 = arith.addf %get3A_764, %get3A_764 : vector<16xf32>
      %exp3A_766 = math.exp %add3A_765 : vector<16xf32>
      %add3A_767 = arith.constant 1.000000e+00 : f32
      %add3A_768 = vector.broadcast %add3A_767 : f32 to vector<16xf32>
      %add3A_769 = arith.addf %exp3A_766, %add3A_768 : vector<16xf32>
      %div3A_770 = arith.constant 7.000000e+00 : f32
      %div3A_771 = vector.broadcast %div3A_770 : f32 to vector<16xf32>
      %div3A_772 = arith.divf %div3A_771, %add3A_769 : vector<16xf32>
      %sub3A_773 = arith.constant 7.500000e+00 : f32
      %sub3A_774 = vector.broadcast %sub3A_773 : f32 to vector<16xf32>
      %sub3A_775 = arith.subf %sub3A_774, %div3A_772 : vector<16xf32>
      %convert_element_type3A_776 = arith.fptosi %sub3A_775 : vector<16xf32> to vector<16xi32>
      %mul3A_777 = arith.constant 512 : i32
      %mul3A_778 = vector.broadcast %mul3A_777 : i32 to vector<16xi32>
      %mul3A_779 = arith.muli %convert_element_type3A_776, %mul3A_778 : vector<16xi32>
      %add3A_780 = arith.addi %add3A_761, %mul3A_779 : vector<16xi32>
      %swap3A_781 = arith.index_cast %scan3A_253 : i32 to index
      %swap3A_782 = arith.constant 80 : index
      %swap3A_783 = tpu.vector_load %arg9[%swap3A_781, %swap3A_782] {strides = array<i32>} : memref<18x128xi32, #tpu.memory_space<vmem>>, vector<1x16xi32>,
      %swap3A_784 = vector.shape_cast %swap3A_783 : vector<1x16xi32> to vector<16xi32>
      %swap3A_785 = vector.shape_cast %add3A_780 : vector<16xi32> to vector<1x16xi32>
      tpu.vector_store %arg9[%swap3A_781, %swap3A_782], %swap3A_785 {strides = array<i32>} : memref<18x128xi32, #tpu.memory_space<vmem>>, vector<1x16xi32>,
      %mul3A_786 = arith.constant 8 : i32
      %mul3A_787 = arith.muli %scan3A_253, %mul3A_786 : i32
      %add3A_788 = arith.constant 6 : i32
      %add3A_789 = arith.addi %mul3A_787, %add3A_788 : i32
      %mul3A_790 = arith.constant 16 : i32
      %mul3A_791 = arith.muli %add3A_789, %mul3A_790 : i32
      %broadcast_in_dim3A_792 = arith.constant 0 : i32
      %broadcast_in_dim3A_793 = vector.broadcast %broadcast_in_dim3A_792 : i32 to vector<16xi32>
      %get3A_794 = arith.index_cast %mul3A_791 : i32 to index
      %get3A_795 = tpu.vector_load %arg5[%get3A_794] {strides = array<i32>} : memref<2304xf32, #tpu.memory_space<vmem>>, vector<16xf32>,
      %get3A_796 = vector.shape_cast %get3A_795 : vector<16xf32> to vector<16xf32>
      %add3A_797 = arith.addf %get3A_796, %get3A_796 : vector<16xf32>
      %exp3A_798 = math.exp %add3A_797 : vector<16xf32>
      %add3A_799 = arith.constant 1.000000e+00 : f32
      %add3A_800 = vector.broadcast %add3A_799 : f32 to vector<16xf32>
      %add3A_801 = arith.addf %exp3A_798, %add3A_800 : vector<16xf32>
      %div3A_802 = arith.constant 7.000000e+00 : f32
      %div3A_803 = vector.broadcast %div3A_802 : f32 to vector<16xf32>
      %div3A_804 = arith.divf %div3A_803, %add3A_801 : vector<16xf32>
      %sub3A_805 = arith.constant 7.500000e+00 : f32
      %sub3A_806 = vector.broadcast %sub3A_805 : f32 to vector<16xf32>
      %sub3A_807 = arith.subf %sub3A_806, %div3A_804 : vector<16xf32>
      %convert_element_type3A_808 = arith.fptosi %sub3A_807 : vector<16xf32> to vector<16xi32>
      %mul3A_809 = arith.constant 1 : i32
      %mul3A_810 = vector.broadcast %mul3A_809 : i32 to vector<16xi32>
      %mul3A_811 = arith.muli %convert_element_type3A_808, %mul3A_810 : vector<16xi32>
      %add3A_812 = arith.addi %broadcast_in_dim3A_793, %mul3A_811 : vector<16xi32>
      %get3A_813 = arith.index_cast %mul3A_791 : i32 to index
      %get3A_814 = tpu.vector_load %arg6[%get3A_813] {strides = array<i32>} : memref<2304xf32, #tpu.memory_space<vmem>>, vector<16xf32>,
      %get3A_815 = vector.shape_cast %get3A_814 : vector<16xf32> to vector<16xf32>
      %add3A_816 = arith.addf %get3A_815, %get3A_815 : vector<16xf32>
      %exp3A_817 = math.exp %add3A_816 : vector<16xf32>
      %add3A_818 = arith.constant 1.000000e+00 : f32
      %add3A_819 = vector.broadcast %add3A_818 : f32 to vector<16xf32>
      %add3A_820 = arith.addf %exp3A_817, %add3A_819 : vector<16xf32>
      %div3A_821 = arith.constant 7.000000e+00 : f32
      %div3A_822 = vector.broadcast %div3A_821 : f32 to vector<16xf32>
      %div3A_823 = arith.divf %div3A_822, %add3A_820 : vector<16xf32>
      %sub3A_824 = arith.constant 7.500000e+00 : f32
      %sub3A_825 = vector.broadcast %sub3A_824 : f32 to vector<16xf32>
      %sub3A_826 = arith.subf %sub3A_825, %div3A_823 : vector<16xf32>
      %convert_element_type3A_827 = arith.fptosi %sub3A_826 : vector<16xf32> to vector<16xi32>
      %mul3A_828 = arith.constant 8 : i32
      %mul3A_829 = vector.broadcast %mul3A_828 : i32 to vector<16xi32>
      %mul3A_830 = arith.muli %convert_element_type3A_827, %mul3A_829 : vector<16xi32>
      %add3A_831 = arith.addi %add3A_812, %mul3A_830 : vector<16xi32>
      %get3A_832 = arith.index_cast %mul3A_791 : i32 to index
      %get3A_833 = tpu.vector_load %arg7[%get3A_832] {strides = array<i32>} : memref<2304xf32, #tpu.memory_space<vmem>>, vector<16xf32>,
      %get3A_834 = vector.shape_cast %get3A_833 : vector<16xf32> to vector<16xf32>
      %add3A_835 = arith.addf %get3A_834, %get3A_834 : vector<16xf32>
      %exp3A_836 = math.exp %add3A_835 : vector<16xf32>
      %add3A_837 = arith.constant 1.000000e+00 : f32
      %add3A_838 = vector.broadcast %add3A_837 : f32 to vector<16xf32>
      %add3A_839 = arith.addf %exp3A_836, %add3A_838 : vector<16xf32>
      %div3A_840 = arith.constant 7.000000e+00 : f32
      %div3A_841 = vector.broadcast %div3A_840 : f32 to vector<16xf32>
      %div3A_842 = arith.divf %div3A_841, %add3A_839 : vector<16xf32>
      %sub3A_843 = arith.constant 7.500000e+00 : f32
      %sub3A_844 = vector.broadcast %sub3A_843 : f32 to vector<16xf32>
      %sub3A_845 = arith.subf %sub3A_844, %div3A_842 : vector<16xf32>
      %convert_element_type3A_846 = arith.fptosi %sub3A_845 : vector<16xf32> to vector<16xi32>
      %mul3A_847 = arith.constant 64 : i32
      %mul3A_848 = vector.broadcast %mul3A_847 : i32 to vector<16xi32>
      %mul3A_849 = arith.muli %convert_element_type3A_846, %mul3A_848 : vector<16xi32>
      %add3A_850 = arith.addi %add3A_831, %mul3A_849 : vector<16xi32>
      %get3A_851 = arith.index_cast %mul3A_791 : i32 to index
      %get3A_852 = tpu.vector_load %arg8[%get3A_851] {strides = array<i32>} : memref<2304xf32, #tpu.memory_space<vmem>>, vector<16xf32>,
      %get3A_853 = vector.shape_cast %get3A_852 : vector<16xf32> to vector<16xf32>
      %add3A_854 = arith.addf %get3A_853, %get3A_853 : vector<16xf32>
      %exp3A_855 = math.exp %add3A_854 : vector<16xf32>
      %add3A_856 = arith.constant 1.000000e+00 : f32
      %add3A_857 = vector.broadcast %add3A_856 : f32 to vector<16xf32>
      %add3A_858 = arith.addf %exp3A_855, %add3A_857 : vector<16xf32>
      %div3A_859 = arith.constant 7.000000e+00 : f32
      %div3A_860 = vector.broadcast %div3A_859 : f32 to vector<16xf32>
      %div3A_861 = arith.divf %div3A_860, %add3A_858 : vector<16xf32>
      %sub3A_862 = arith.constant 7.500000e+00 : f32
      %sub3A_863 = vector.broadcast %sub3A_862 : f32 to vector<16xf32>
      %sub3A_864 = arith.subf %sub3A_863, %div3A_861 : vector<16xf32>
      %convert_element_type3A_865 = arith.fptosi %sub3A_864 : vector<16xf32> to vector<16xi32>
      %mul3A_866 = arith.constant 512 : i32
      %mul3A_867 = vector.broadcast %mul3A_866 : i32 to vector<16xi32>
      %mul3A_868 = arith.muli %convert_element_type3A_865, %mul3A_867 : vector<16xi32>
      %add3A_869 = arith.addi %add3A_850, %mul3A_868 : vector<16xi32>
      %swap3A_870 = arith.index_cast %scan3A_253 : i32 to index
      %swap3A_871 = arith.constant 96 : index
      %swap3A_872 = tpu.vector_load %arg9[%swap3A_870, %swap3A_871] {strides = array<i32>} : memref<18x128xi32, #tpu.memory_space<vmem>>, vector<1x16xi32>,
      %swap3A_873 = vector.shape_cast %swap3A_872 : vector<1x16xi32> to vector<16xi32>
      %swap3A_874 = vector.shape_cast %add3A_869 : vector<16xi32> to vector<1x16xi32>
      tpu.vector_store %arg9[%swap3A_870, %swap3A_871], %swap3A_874 {strides = array<i32>} : memref<18x128xi32, #tpu.memory_space<vmem>>, vector<1x16xi32>,
      %mul3A_875 = arith.constant 8 : i32
      %mul3A_876 = arith.muli %scan3A_253, %mul3A_875 : i32
      %add3A_877 = arith.constant 7 : i32
      %add3A_878 = arith.addi %mul3A_876, %add3A_877 : i32
      %mul3A_879 = arith.constant 16 : i32
      %mul3A_880 = arith.muli %add3A_878, %mul3A_879 : i32
      %broadcast_in_dim3A_881 = arith.constant 0 : i32
      %broadcast_in_dim3A_882 = vector.broadcast %broadcast_in_dim3A_881 : i32 to vector<16xi32>
      %get3A_883 = arith.index_cast %mul3A_880 : i32 to index
      %get3A_884 = tpu.vector_load %arg5[%get3A_883] {strides = array<i32>} : memref<2304xf32, #tpu.memory_space<vmem>>, vector<16xf32>,
      %get3A_885 = vector.shape_cast %get3A_884 : vector<16xf32> to vector<16xf32>
      %add3A_886 = arith.addf %get3A_885, %get3A_885 : vector<16xf32>
      %exp3A_887 = math.exp %add3A_886 : vector<16xf32>
      %add3A_888 = arith.constant 1.000000e+00 : f32
      %add3A_889 = vector.broadcast %add3A_888 : f32 to vector<16xf32>
      %add3A_890 = arith.addf %exp3A_887, %add3A_889 : vector<16xf32>
      %div3A_891 = arith.constant 7.000000e+00 : f32
      %div3A_892 = vector.broadcast %div3A_891 : f32 to vector<16xf32>
      %div3A_893 = arith.divf %div3A_892, %add3A_890 : vector<16xf32>
      %sub3A_894 = arith.constant 7.500000e+00 : f32
      %sub3A_895 = vector.broadcast %sub3A_894 : f32 to vector<16xf32>
      %sub3A_896 = arith.subf %sub3A_895, %div3A_893 : vector<16xf32>
      %convert_element_type3A_897 = arith.fptosi %sub3A_896 : vector<16xf32> to vector<16xi32>
      %mul3A_898 = arith.constant 1 : i32
      %mul3A_899 = vector.broadcast %mul3A_898 : i32 to vector<16xi32>
      %mul3A_900 = arith.muli %convert_element_type3A_897, %mul3A_899 : vector<16xi32>
      %add3A_901 = arith.addi %broadcast_in_dim3A_882, %mul3A_900 : vector<16xi32>
      %get3A_902 = arith.index_cast %mul3A_880 : i32 to index
      %get3A_903 = tpu.vector_load %arg6[%get3A_902] {strides = array<i32>} : memref<2304xf32, #tpu.memory_space<vmem>>, vector<16xf32>,
      %get3A_904 = vector.shape_cast %get3A_903 : vector<16xf32> to vector<16xf32>
      %add3A_905 = arith.addf %get3A_904, %get3A_904 : vector<16xf32>
      %exp3A_906 = math.exp %add3A_905 : vector<16xf32>
      %add3A_907 = arith.constant 1.000000e+00 : f32
      %add3A_908 = vector.broadcast %add3A_907 : f32 to vector<16xf32>
      %add3A_909 = arith.addf %exp3A_906, %add3A_908 : vector<16xf32>
      %div3A_910 = arith.constant 7.000000e+00 : f32
      %div3A_911 = vector.broadcast %div3A_910 : f32 to vector<16xf32>
      %div3A_912 = arith.divf %div3A_911, %add3A_909 : vector<16xf32>
      %sub3A_913 = arith.constant 7.500000e+00 : f32
      %sub3A_914 = vector.broadcast %sub3A_913 : f32 to vector<16xf32>
      %sub3A_915 = arith.subf %sub3A_914, %div3A_912 : vector<16xf32>
      %convert_element_type3A_916 = arith.fptosi %sub3A_915 : vector<16xf32> to vector<16xi32>
      %mul3A_917 = arith.constant 8 : i32
      %mul3A_918 = vector.broadcast %mul3A_917 : i32 to vector<16xi32>
      %mul3A_919 = arith.muli %convert_element_type3A_916, %mul3A_918 : vector<16xi32>
      %add3A_920 = arith.addi %add3A_901, %mul3A_919 : vector<16xi32>
      %get3A_921 = arith.index_cast %mul3A_880 : i32 to index
      %get3A_922 = tpu.vector_load %arg7[%get3A_921] {strides = array<i32>} : memref<2304xf32, #tpu.memory_space<vmem>>, vector<16xf32>,
      %get3A_923 = vector.shape_cast %get3A_922 : vector<16xf32> to vector<16xf32>
      %add3A_924 = arith.addf %get3A_923, %get3A_923 : vector<16xf32>
      %exp3A_925 = math.exp %add3A_924 : vector<16xf32>
      %add3A_926 = arith.constant 1.000000e+00 : f32
      %add3A_927 = vector.broadcast %add3A_926 : f32 to vector<16xf32>
      %add3A_928 = arith.addf %exp3A_925, %add3A_927 : vector<16xf32>
      %div3A_929 = arith.constant 7.000000e+00 : f32
      %div3A_930 = vector.broadcast %div3A_929 : f32 to vector<16xf32>
      %div3A_931 = arith.divf %div3A_930, %add3A_928 : vector<16xf32>
      %sub3A_932 = arith.constant 7.500000e+00 : f32
      %sub3A_933 = vector.broadcast %sub3A_932 : f32 to vector<16xf32>
      %sub3A_934 = arith.subf %sub3A_933, %div3A_931 : vector<16xf32>
      %convert_element_type3A_935 = arith.fptosi %sub3A_934 : vector<16xf32> to vector<16xi32>
      %mul3A_936 = arith.constant 64 : i32
      %mul3A_937 = vector.broadcast %mul3A_936 : i32 to vector<16xi32>
      %mul3A_938 = arith.muli %convert_element_type3A_935, %mul3A_937 : vector<16xi32>
      %add3A_939 = arith.addi %add3A_920, %mul3A_938 : vector<16xi32>
      %get3A_940 = arith.index_cast %mul3A_880 : i32 to index
      %get3A_941 = tpu.vector_load %arg8[%get3A_940] {strides = array<i32>} : memref<2304xf32, #tpu.memory_space<vmem>>, vector<16xf32>,
      %get3A_942 = vector.shape_cast %get3A_941 : vector<16xf32> to vector<16xf32>
      %add3A_943 = arith.addf %get3A_942, %get3A_942 : vector<16xf32>
      %exp3A_944 = math.exp %add3A_943 : vector<16xf32>
      %add3A_945 = arith.constant 1.000000e+00 : f32
      %add3A_946 = vector.broadcast %add3A_945 : f32 to vector<16xf32>
      %add3A_947 = arith.addf %exp3A_944, %add3A_946 : vector<16xf32>
      %div3A_948 = arith.constant 7.000000e+00 : f32
      %div3A_949 = vector.broadcast %div3A_948 : f32 to vector<16xf32>
      %div3A_950 = arith.divf %div3A_949, %add3A_947 : vector<16xf32>
      %sub3A_951 = arith.constant 7.500000e+00 : f32
      %sub3A_952 = vector.broadcast %sub3A_951 : f32 to vector<16xf32>
      %sub3A_953 = arith.subf %sub3A_952, %div3A_950 : vector<16xf32>
      %convert_element_type3A_954 = arith.fptosi %sub3A_953 : vector<16xf32> to vector<16xi32>
      %mul3A_955 = arith.constant 512 : i32
      %mul3A_956 = vector.broadcast %mul3A_955 : i32 to vector<16xi32>
      %mul3A_957 = arith.muli %convert_element_type3A_954, %mul3A_956 : vector<16xi32>
      %add3A_958 = arith.addi %add3A_939, %mul3A_957 : vector<16xi32>
      %swap3A_959 = arith.index_cast %scan3A_253 : i32 to index
      %swap3A_960 = arith.constant 112 : index
      %swap3A_961 = tpu.vector_load %arg9[%swap3A_959, %swap3A_960] {strides = array<i32>} : memref<18x128xi32, #tpu.memory_space<vmem>>, vector<1x16xi32>,
      %swap3A_962 = vector.shape_cast %swap3A_961 : vector<1x16xi32> to vector<16xi32>
      %swap3A_963 = vector.shape_cast %add3A_958 : vector<16xi32> to vector<1x16xi32>
      tpu.vector_store %arg9[%swap3A_959, %swap3A_960], %swap3A_963 {strides = array<i32>} : memref<18x128xi32, #tpu.memory_space<vmem>>, vector<1x16xi32>,
      %scan3A_964 = arith.constant 0 : i32
      scf.yield %scan3A_964 : i32
    }
    %scan3A_109 = arith.constant 18 : i32
    %mul3A_110 = arith.constant 18 : i32
    %mul3A_111 = arith.muli %arg1, %mul3A_110 : i32
    "tpu.region"() ({
      %run_scoped3A_253 = tpu.sem_alloc : memref<!tpu.dma_semaphore, #tpu.memory_space<semaphore_mem>>
      %dma_start3A = arith.constant 0 : i32
      %dma_start3A_254 = tpu.memref_slice %arg3[%mul3A_111, %dma_start3A] : memref<288x128xi32, #tpu.memory_space<hbm>> -> memref<18x128xi32, #tpu.memory_space<hbm>>
      %dma_start3A_255 = arith.constant 0 : i32
      %dma_start3A_256 = tpu.memref_slice %arg3[%mul3A_111, %dma_start3A_255] : memref<288x128xi32, #tpu.memory_space<hbm>> -> memref<18x128xi32, #tpu.memory_space<hbm>>
      tpu.enqueue_dma source(%arg9 : memref<18x128xi32, #tpu.memory_space<vmem>>) target(%dma_start3A_256 : memref<18x128xi32, #tpu.memory_space<hbm>>) target_semaphore(%run_scoped3A_253 : memref<!tpu.dma_semaphore, #tpu.memory_space<semaphore_mem>>)
      %dma_wait3A = arith.constant 0 : i32
      %dma_wait3A_257 = tpu.memref_slice %arg3[%mul3A_111, %dma_wait3A] : memref<288x128xi32, #tpu.memory_space<hbm>> -> memref<18x128xi32, #tpu.memory_space<hbm>>
      %dma_wait3A_258 = arith.constant 0 : i32
      %dma_wait3A_259 = tpu.memref_slice %arg3[%mul3A_111, %dma_wait3A_258] : memref<288x128xi32, #tpu.memory_space<hbm>> -> memref<18x128xi32, #tpu.memory_space<hbm>>
      tpu.wait_dma2 semaphore(%run_scoped3A_253 : memref<!tpu.dma_semaphore, #tpu.memory_space<semaphore_mem>>) src(%arg9 : memref<18x128xi32, #tpu.memory_space<vmem>>) dst(%dma_wait3A_259 : memref<18x128xi32, #tpu.memory_space<hbm>>)
      tpu.yield
    }) : () -> ()
    %barrier3A = arith.constant 0 : index
    tpu.barrier barrier_id(%barrier3A)
    %run_scoped3A_112 = arith.constant 0 : i32
    "tpu.region"() ({
      %run_scoped3A_253 = tpu.sem_alloc : memref<!tpu.dma_semaphore, #tpu.memory_space<semaphore_mem>>
      %dma_start3A = arith.constant 0 : i32
      %dma_start3A_254 = tpu.memref_slice %arg9[%run_scoped3A_112, %dma_start3A] : memref<18x128xi32, #tpu.memory_space<vmem>> -> memref<1x128xi32, #tpu.memory_space<vmem>>
      %dma_start3A_255 = tpu.memref_squeeze %dma_start3A_254 : memref<1x128xi32, #tpu.memory_space<vmem>> -> memref<128xi32, #tpu.memory_space<vmem>>
      %dma_start3A_256 = arith.constant 0 : i32
      %dma_start3A_257 = tpu.memref_slice %arg15[%dma_start3A_256] : memref<4096xi32, #tpu.memory_space<vmem_shared>> -> memref<4096xi32, #tpu.memory_space<vmem_shared>>
      tpu.enqueue_indirect_dma source(%arg10 : memref<128xi32, #tpu.memory_space<vmem>>) target(%dma_start3A_257 : memref<4096xi32, #tpu.memory_space<vmem_shared>>) offsets(%dma_start3A_255 : memref<128xi32, #tpu.memory_space<vmem>>) semaphore(%run_scoped3A_253 : memref<!tpu.dma_semaphore, #tpu.memory_space<semaphore_mem>>) {add = true}
      %dma_wait3A = arith.constant 0 : i32
      %dma_wait3A_258 = tpu.memref_slice %arg9[%run_scoped3A_112, %dma_wait3A] : memref<18x128xi32, #tpu.memory_space<vmem>> -> memref<1x128xi32, #tpu.memory_space<vmem>>
      %dma_wait3A_259 = tpu.memref_squeeze %dma_wait3A_258 : memref<1x128xi32, #tpu.memory_space<vmem>> -> memref<128xi32, #tpu.memory_space<vmem>>
      %dma_wait3A_260 = arith.constant 0 : i32
      %dma_wait3A_261 = tpu.memref_slice %arg15[%dma_wait3A_260] : memref<4096xi32, #tpu.memory_space<vmem_shared>> -> memref<4096xi32, #tpu.memory_space<vmem_shared>>
      tpu.wait_indirect_dma semaphore(%run_scoped3A_253 : memref<!tpu.dma_semaphore, #tpu.memory_space<semaphore_mem>>) src(%arg10 : memref<128xi32, #tpu.memory_space<vmem>>) dst(%dma_wait3A_261 : memref<4096xi32, #tpu.memory_space<vmem_shared>>)
      tpu.yield
    }) : () -> ()
    %run_scoped3A_113 = arith.constant 1 : i32
    "tpu.region"() ({
      %run_scoped3A_253 = tpu.sem_alloc : memref<!tpu.dma_semaphore, #tpu.memory_space<semaphore_mem>>
      %dma_start3A = arith.constant 0 : i32
      %dma_start3A_254 = tpu.memref_slice %arg9[%run_scoped3A_113, %dma_start3A] : memref<18x128xi32, #tpu.memory_space<vmem>> -> memref<1x128xi32, #tpu.memory_space<vmem>>
      %dma_start3A_255 = tpu.memref_squeeze %dma_start3A_254 : memref<1x128xi32, #tpu.memory_space<vmem>> -> memref<128xi32, #tpu.memory_space<vmem>>
      %dma_start3A_256 = arith.constant 0 : i32
      %dma_start3A_257 = tpu.memref_slice %arg15[%dma_start3A_256] : memref<4096xi32, #tpu.memory_space<vmem_shared>> -> memref<4096xi32, #tpu.memory_space<vmem_shared>>
      tpu.enqueue_indirect_dma source(%arg10 : memref<128xi32, #tpu.memory_space<vmem>>) target(%dma_start3A_257 : memref<4096xi32, #tpu.memory_space<vmem_shared>>) offsets(%dma_start3A_255 : memref<128xi32, #tpu.memory_space<vmem>>) semaphore(%run_scoped3A_253 : memref<!tpu.dma_semaphore, #tpu.memory_space<semaphore_mem>>) {add = true}
      %dma_wait3A = arith.constant 0 : i32
      %dma_wait3A_258 = tpu.memref_slice %arg9[%run_scoped3A_113, %dma_wait3A] : memref<18x128xi32, #tpu.memory_space<vmem>> -> memref<1x128xi32, #tpu.memory_space<vmem>>
      %dma_wait3A_259 = tpu.memref_squeeze %dma_wait3A_258 : memref<1x128xi32, #tpu.memory_space<vmem>> -> memref<128xi32, #tpu.memory_space<vmem>>
      %dma_wait3A_260 = arith.constant 0 : i32
      %dma_wait3A_261 = tpu.memref_slice %arg15[%dma_wait3A_260] : memref<4096xi32, #tpu.memory_space<vmem_shared>> -> memref<4096xi32, #tpu.memory_space<vmem_shared>>
      tpu.wait_indirect_dma semaphore(%run_scoped3A_253 : memref<!tpu.dma_semaphore, #tpu.memory_space<semaphore_mem>>) src(%arg10 : memref<128xi32, #tpu.memory_space<vmem>>) dst(%dma_wait3A_261 : memref<4096xi32, #tpu.memory_space<vmem_shared>>)
      tpu.yield
    }) : () -> ()
    %run_scoped3A_114 = arith.constant 2 : i32
    "tpu.region"() ({
      %run_scoped3A_253 = tpu.sem_alloc : memref<!tpu.dma_semaphore, #tpu.memory_space<semaphore_mem>>
      %dma_start3A = arith.constant 0 : i32
      %dma_start3A_254 = tpu.memref_slice %arg9[%run_scoped3A_114, %dma_start3A] : memref<18x128xi32, #tpu.memory_space<vmem>> -> memref<1x128xi32, #tpu.memory_space<vmem>>
      %dma_start3A_255 = tpu.memref_squeeze %dma_start3A_254 : memref<1x128xi32, #tpu.memory_space<vmem>> -> memref<128xi32, #tpu.memory_space<vmem>>
      %dma_start3A_256 = arith.constant 0 : i32
      %dma_start3A_257 = tpu.memref_slice %arg15[%dma_start3A_256] : memref<4096xi32, #tpu.memory_space<vmem_shared>> -> memref<4096xi32, #tpu.memory_space<vmem_shared>>
      tpu.enqueue_indirect_dma source(%arg10 : memref<128xi32, #tpu.memory_space<vmem>>) target(%dma_start3A_257 : memref<4096xi32, #tpu.memory_space<vmem_shared>>) offsets(%dma_start3A_255 : memref<128xi32, #tpu.memory_space<vmem>>) semaphore(%run_scoped3A_253 : memref<!tpu.dma_semaphore, #tpu.memory_space<semaphore_mem>>) {add = true}
      %dma_wait3A = arith.constant 0 : i32
      %dma_wait3A_258 = tpu.memref_slice %arg9[%run_scoped3A_114, %dma_wait3A] : memref<18x128xi32, #tpu.memory_space<vmem>> -> memref<1x128xi32, #tpu.memory_space<vmem>>
      %dma_wait3A_259 = tpu.memref_squeeze %dma_wait3A_258 : memref<1x128xi32, #tpu.memory_space<vmem>> -> memref<128xi32, #tpu.memory_space<vmem>>
      %dma_wait3A_260 = arith.constant 0 : i32
      %dma_wait3A_261 = tpu.memref_slice %arg15[%dma_wait3A_260] : memref<4096xi32, #tpu.memory_space<vmem_shared>> -> memref<4096xi32, #tpu.memory_space<vmem_shared>>
      tpu.wait_indirect_dma semaphore(%run_scoped3A_253 : memref<!tpu.dma_semaphore, #tpu.memory_space<semaphore_mem>>) src(%arg10 : memref<128xi32, #tpu.memory_space<vmem>>) dst(%dma_wait3A_261 : memref<4096xi32, #tpu.memory_space<vmem_shared>>)
      tpu.yield
    }) : () -> ()
    %run_scoped3A_115 = arith.constant 3 : i32
    "tpu.region"() ({
      %run_scoped3A_253 = tpu.sem_alloc : memref<!tpu.dma_semaphore, #tpu.memory_space<semaphore_mem>>
      %dma_start3A = arith.constant 0 : i32
      %dma_start3A_254 = tpu.memref_slice %arg9[%run_scoped3A_115, %dma_start3A] : memref<18x128xi32, #tpu.memory_space<vmem>> -> memref<1x128xi32, #tpu.memory_space<vmem>>
      %dma_start3A_255 = tpu.memref_squeeze %dma_start3A_254 : memref<1x128xi32, #tpu.memory_space<vmem>> -> memref<128xi32, #tpu.memory_space<vmem>>
      %dma_start3A_256 = arith.constant 0 : i32
      %dma_start3A_257 = tpu.memref_slice %arg15[%dma_start3A_256] : memref<4096xi32, #tpu.memory_space<vmem_shared>> -> memref<4096xi32, #tpu.memory_space<vmem_shared>>
      tpu.enqueue_indirect_dma source(%arg10 : memref<128xi32, #tpu.memory_space<vmem>>) target(%dma_start3A_257 : memref<4096xi32, #tpu.memory_space<vmem_shared>>) offsets(%dma_start3A_255 : memref<128xi32, #tpu.memory_space<vmem>>) semaphore(%run_scoped3A_253 : memref<!tpu.dma_semaphore, #tpu.memory_space<semaphore_mem>>) {add = true}
      %dma_wait3A = arith.constant 0 : i32
      %dma_wait3A_258 = tpu.memref_slice %arg9[%run_scoped3A_115, %dma_wait3A] : memref<18x128xi32, #tpu.memory_space<vmem>> -> memref<1x128xi32, #tpu.memory_space<vmem>>
      %dma_wait3A_259 = tpu.memref_squeeze %dma_wait3A_258 : memref<1x128xi32, #tpu.memory_space<vmem>> -> memref<128xi32, #tpu.memory_space<vmem>>
      %dma_wait3A_260 = arith.constant 0 : i32
      %dma_wait3A_261 = tpu.memref_slice %arg15[%dma_wait3A_260] : memref<4096xi32, #tpu.memory_space<vmem_shared>> -> memref<4096xi32, #tpu.memory_space<vmem_shared>>
      tpu.wait_indirect_dma semaphore(%run_scoped3A_253 : memref<!tpu.dma_semaphore, #tpu.memory_space<semaphore_mem>>) src(%arg10 : memref<128xi32, #tpu.memory_space<vmem>>) dst(%dma_wait3A_261 : memref<4096xi32, #tpu.memory_space<vmem_shared>>)
      tpu.yield
    }) : () -> ()
    %run_scoped3A_116 = arith.constant 4 : i32
    "tpu.region"() ({
      %run_scoped3A_253 = tpu.sem_alloc : memref<!tpu.dma_semaphore, #tpu.memory_space<semaphore_mem>>
      %dma_start3A = arith.constant 0 : i32
      %dma_start3A_254 = tpu.memref_slice %arg9[%run_scoped3A_116, %dma_start3A] : memref<18x128xi32, #tpu.memory_space<vmem>> -> memref<1x128xi32, #tpu.memory_space<vmem>>
      %dma_start3A_255 = tpu.memref_squeeze %dma_start3A_254 : memref<1x128xi32, #tpu.memory_space<vmem>> -> memref<128xi32, #tpu.memory_space<vmem>>
      %dma_start3A_256 = arith.constant 0 : i32
      %dma_start3A_257 = tpu.memref_slice %arg15[%dma_start3A_256] : memref<4096xi32, #tpu.memory_space<vmem_shared>> -> memref<4096xi32, #tpu.memory_space<vmem_shared>>
      tpu.enqueue_indirect_dma source(%arg10 : memref<128xi32, #tpu.memory_space<vmem>>) target(%dma_start3A_257 : memref<4096xi32, #tpu.memory_space<vmem_shared>>) offsets(%dma_start3A_255 : memref<128xi32, #tpu.memory_space<vmem>>) semaphore(%run_scoped3A_253 : memref<!tpu.dma_semaphore, #tpu.memory_space<semaphore_mem>>) {add = true}
      %dma_wait3A = arith.constant 0 : i32
      %dma_wait3A_258 = tpu.memref_slice %arg9[%run_scoped3A_116, %dma_wait3A] : memref<18x128xi32, #tpu.memory_space<vmem>> -> memref<1x128xi32, #tpu.memory_space<vmem>>
      %dma_wait3A_259 = tpu.memref_squeeze %dma_wait3A_258 : memref<1x128xi32, #tpu.memory_space<vmem>> -> memref<128xi32, #tpu.memory_space<vmem>>
      %dma_wait3A_260 = arith.constant 0 : i32
      %dma_wait3A_261 = tpu.memref_slice %arg15[%dma_wait3A_260] : memref<4096xi32, #tpu.memory_space<vmem_shared>> -> memref<4096xi32, #tpu.memory_space<vmem_shared>>
      tpu.wait_indirect_dma semaphore(%run_scoped3A_253 : memref<!tpu.dma_semaphore, #tpu.memory_space<semaphore_mem>>) src(%arg10 : memref<128xi32, #tpu.memory_space<vmem>>) dst(%dma_wait3A_261 : memref<4096xi32, #tpu.memory_space<vmem_shared>>)
      tpu.yield
    }) : () -> ()
    %run_scoped3A_117 = arith.constant 5 : i32
    "tpu.region"() ({
      %run_scoped3A_253 = tpu.sem_alloc : memref<!tpu.dma_semaphore, #tpu.memory_space<semaphore_mem>>
      %dma_start3A = arith.constant 0 : i32
      %dma_start3A_254 = tpu.memref_slice %arg9[%run_scoped3A_117, %dma_start3A] : memref<18x128xi32, #tpu.memory_space<vmem>> -> memref<1x128xi32, #tpu.memory_space<vmem>>
      %dma_start3A_255 = tpu.memref_squeeze %dma_start3A_254 : memref<1x128xi32, #tpu.memory_space<vmem>> -> memref<128xi32, #tpu.memory_space<vmem>>
      %dma_start3A_256 = arith.constant 0 : i32
      %dma_start3A_257 = tpu.memref_slice %arg15[%dma_start3A_256] : memref<4096xi32, #tpu.memory_space<vmem_shared>> -> memref<4096xi32, #tpu.memory_space<vmem_shared>>
      tpu.enqueue_indirect_dma source(%arg10 : memref<128xi32, #tpu.memory_space<vmem>>) target(%dma_start3A_257 : memref<4096xi32, #tpu.memory_space<vmem_shared>>) offsets(%dma_start3A_255 : memref<128xi32, #tpu.memory_space<vmem>>) semaphore(%run_scoped3A_253 : memref<!tpu.dma_semaphore, #tpu.memory_space<semaphore_mem>>) {add = true}
      %dma_wait3A = arith.constant 0 : i32
      %dma_wait3A_258 = tpu.memref_slice %arg9[%run_scoped3A_117, %dma_wait3A] : memref<18x128xi32, #tpu.memory_space<vmem>> -> memref<1x128xi32, #tpu.memory_space<vmem>>
      %dma_wait3A_259 = tpu.memref_squeeze %dma_wait3A_258 : memref<1x128xi32, #tpu.memory_space<vmem>> -> memref<128xi32, #tpu.memory_space<vmem>>
      %dma_wait3A_260 = arith.constant 0 : i32
      %dma_wait3A_261 = tpu.memref_slice %arg15[%dma_wait3A_260] : memref<4096xi32, #tpu.memory_space<vmem_shared>> -> memref<4096xi32, #tpu.memory_space<vmem_shared>>
      tpu.wait_indirect_dma semaphore(%run_scoped3A_253 : memref<!tpu.dma_semaphore, #tpu.memory_space<semaphore_mem>>) src(%arg10 : memref<128xi32, #tpu.memory_space<vmem>>) dst(%dma_wait3A_261 : memref<4096xi32, #tpu.memory_space<vmem_shared>>)
      tpu.yield
    }) : () -> ()
    %run_scoped3A_118 = arith.constant 6 : i32
    "tpu.region"() ({
      %run_scoped3A_253 = tpu.sem_alloc : memref<!tpu.dma_semaphore, #tpu.memory_space<semaphore_mem>>
      %dma_start3A = arith.constant 0 : i32
      %dma_start3A_254 = tpu.memref_slice %arg9[%run_scoped3A_118, %dma_start3A] : memref<18x128xi32, #tpu.memory_space<vmem>> -> memref<1x128xi32, #tpu.memory_space<vmem>>
      %dma_start3A_255 = tpu.memref_squeeze %dma_start3A_254 : memref<1x128xi32, #tpu.memory_space<vmem>> -> memref<128xi32, #tpu.memory_space<vmem>>
      %dma_start3A_256 = arith.constant 0 : i32
      %dma_start3A_257 = tpu.memref_slice %arg15[%dma_start3A_256] : memref<4096xi32, #tpu.memory_space<vmem_shared>> -> memref<4096xi32, #tpu.memory_space<vmem_shared>>
      tpu.enqueue_indirect_dma source(%arg10 : memref<128xi32, #tpu.memory_space<vmem>>) target(%dma_start3A_257 : memref<4096xi32, #tpu.memory_space<vmem_shared>>) offsets(%dma_start3A_255 : memref<128xi32, #tpu.memory_space<vmem>>) semaphore(%run_scoped3A_253 : memref<!tpu.dma_semaphore, #tpu.memory_space<semaphore_mem>>) {add = true}
      %dma_wait3A = arith.constant 0 : i32
      %dma_wait3A_258 = tpu.memref_slice %arg9[%run_scoped3A_118, %dma_wait3A] : memref<18x128xi32, #tpu.memory_space<vmem>> -> memref<1x128xi32, #tpu.memory_space<vmem>>
      %dma_wait3A_259 = tpu.memref_squeeze %dma_wait3A_258 : memref<1x128xi32, #tpu.memory_space<vmem>> -> memref<128xi32, #tpu.memory_space<vmem>>
      %dma_wait3A_260 = arith.constant 0 : i32
      %dma_wait3A_261 = tpu.memref_slice %arg15[%dma_wait3A_260] : memref<4096xi32, #tpu.memory_space<vmem_shared>> -> memref<4096xi32, #tpu.memory_space<vmem_shared>>
      tpu.wait_indirect_dma semaphore(%run_scoped3A_253 : memref<!tpu.dma_semaphore, #tpu.memory_space<semaphore_mem>>) src(%arg10 : memref<128xi32, #tpu.memory_space<vmem>>) dst(%dma_wait3A_261 : memref<4096xi32, #tpu.memory_space<vmem_shared>>)
      tpu.yield
    }) : () -> ()
    %run_scoped3A_119 = arith.constant 7 : i32
    "tpu.region"() ({
      %run_scoped3A_253 = tpu.sem_alloc : memref<!tpu.dma_semaphore, #tpu.memory_space<semaphore_mem>>
      %dma_start3A = arith.constant 0 : i32
      %dma_start3A_254 = tpu.memref_slice %arg9[%run_scoped3A_119, %dma_start3A] : memref<18x128xi32, #tpu.memory_space<vmem>> -> memref<1x128xi32, #tpu.memory_space<vmem>>
      %dma_start3A_255 = tpu.memref_squeeze %dma_start3A_254 : memref<1x128xi32, #tpu.memory_space<vmem>> -> memref<128xi32, #tpu.memory_space<vmem>>
      %dma_start3A_256 = arith.constant 0 : i32
      %dma_start3A_257 = tpu.memref_slice %arg15[%dma_start3A_256] : memref<4096xi32, #tpu.memory_space<vmem_shared>> -> memref<4096xi32, #tpu.memory_space<vmem_shared>>
      tpu.enqueue_indirect_dma source(%arg10 : memref<128xi32, #tpu.memory_space<vmem>>) target(%dma_start3A_257 : memref<4096xi32, #tpu.memory_space<vmem_shared>>) offsets(%dma_start3A_255 : memref<128xi32, #tpu.memory_space<vmem>>) semaphore(%run_scoped3A_253 : memref<!tpu.dma_semaphore, #tpu.memory_space<semaphore_mem>>) {add = true}
      %dma_wait3A = arith.constant 0 : i32
      %dma_wait3A_258 = tpu.memref_slice %arg9[%run_scoped3A_119, %dma_wait3A] : memref<18x128xi32, #tpu.memory_space<vmem>> -> memref<1x128xi32, #tpu.memory_space<vmem>>
      %dma_wait3A_259 = tpu.memref_squeeze %dma_wait3A_258 : memref<1x128xi32, #tpu.memory_space<vmem>> -> memref<128xi32, #tpu.memory_space<vmem>>
      %dma_wait3A_260 = arith.constant 0 : i32
      %dma_wait3A_261 = tpu.memref_slice %arg15[%dma_wait3A_260] : memref<4096xi32, #tpu.memory_space<vmem_shared>> -> memref<4096xi32, #tpu.memory_space<vmem_shared>>
      tpu.wait_indirect_dma semaphore(%run_scoped3A_253 : memref<!tpu.dma_semaphore, #tpu.memory_space<semaphore_mem>>) src(%arg10 : memref<128xi32, #tpu.memory_space<vmem>>) dst(%dma_wait3A_261 : memref<4096xi32, #tpu.memory_space<vmem_shared>>)
      tpu.yield
    }) : () -> ()
    %run_scoped3A_120 = arith.constant 8 : i32
    "tpu.region"() ({
      %run_scoped3A_253 = tpu.sem_alloc : memref<!tpu.dma_semaphore, #tpu.memory_space<semaphore_mem>>
      %dma_start3A = arith.constant 0 : i32
      %dma_start3A_254 = tpu.memref_slice %arg9[%run_scoped3A_120, %dma_start3A] : memref<18x128xi32, #tpu.memory_space<vmem>> -> memref<1x128xi32, #tpu.memory_space<vmem>>
      %dma_start3A_255 = tpu.memref_squeeze %dma_start3A_254 : memref<1x128xi32, #tpu.memory_space<vmem>> -> memref<128xi32, #tpu.memory_space<vmem>>
      %dma_start3A_256 = arith.constant 0 : i32
      %dma_start3A_257 = tpu.memref_slice %arg15[%dma_start3A_256] : memref<4096xi32, #tpu.memory_space<vmem_shared>> -> memref<4096xi32, #tpu.memory_space<vmem_shared>>
      tpu.enqueue_indirect_dma source(%arg10 : memref<128xi32, #tpu.memory_space<vmem>>) target(%dma_start3A_257 : memref<4096xi32, #tpu.memory_space<vmem_shared>>) offsets(%dma_start3A_255 : memref<128xi32, #tpu.memory_space<vmem>>) semaphore(%run_scoped3A_253 : memref<!tpu.dma_semaphore, #tpu.memory_space<semaphore_mem>>) {add = true}
      %dma_wait3A = arith.constant 0 : i32
      %dma_wait3A_258 = tpu.memref_slice %arg9[%run_scoped3A_120, %dma_wait3A] : memref<18x128xi32, #tpu.memory_space<vmem>> -> memref<1x128xi32, #tpu.memory_space<vmem>>
      %dma_wait3A_259 = tpu.memref_squeeze %dma_wait3A_258 : memref<1x128xi32, #tpu.memory_space<vmem>> -> memref<128xi32, #tpu.memory_space<vmem>>
      %dma_wait3A_260 = arith.constant 0 : i32
      %dma_wait3A_261 = tpu.memref_slice %arg15[%dma_wait3A_260] : memref<4096xi32, #tpu.memory_space<vmem_shared>> -> memref<4096xi32, #tpu.memory_space<vmem_shared>>
      tpu.wait_indirect_dma semaphore(%run_scoped3A_253 : memref<!tpu.dma_semaphore, #tpu.memory_space<semaphore_mem>>) src(%arg10 : memref<128xi32, #tpu.memory_space<vmem>>) dst(%dma_wait3A_261 : memref<4096xi32, #tpu.memory_space<vmem_shared>>)
      tpu.yield
    }) : () -> ()
    %run_scoped3A_121 = arith.constant 9 : i32
    "tpu.region"() ({
      %run_scoped3A_253 = tpu.sem_alloc : memref<!tpu.dma_semaphore, #tpu.memory_space<semaphore_mem>>
      %dma_start3A = arith.constant 0 : i32
      %dma_start3A_254 = tpu.memref_slice %arg9[%run_scoped3A_121, %dma_start3A] : memref<18x128xi32, #tpu.memory_space<vmem>> -> memref<1x128xi32, #tpu.memory_space<vmem>>
      %dma_start3A_255 = tpu.memref_squeeze %dma_start3A_254 : memref<1x128xi32, #tpu.memory_space<vmem>> -> memref<128xi32, #tpu.memory_space<vmem>>
      %dma_start3A_256 = arith.constant 0 : i32
      %dma_start3A_257 = tpu.memref_slice %arg15[%dma_start3A_256] : memref<4096xi32, #tpu.memory_space<vmem_shared>> -> memref<4096xi32, #tpu.memory_space<vmem_shared>>
      tpu.enqueue_indirect_dma source(%arg10 : memref<128xi32, #tpu.memory_space<vmem>>) target(%dma_start3A_257 : memref<4096xi32, #tpu.memory_space<vmem_shared>>) offsets(%dma_start3A_255 : memref<128xi32, #tpu.memory_space<vmem>>) semaphore(%run_scoped3A_253 : memref<!tpu.dma_semaphore, #tpu.memory_space<semaphore_mem>>) {add = true}
      %dma_wait3A = arith.constant 0 : i32
      %dma_wait3A_258 = tpu.memref_slice %arg9[%run_scoped3A_121, %dma_wait3A] : memref<18x128xi32, #tpu.memory_space<vmem>> -> memref<1x128xi32, #tpu.memory_space<vmem>>
      %dma_wait3A_259 = tpu.memref_squeeze %dma_wait3A_258 : memref<1x128xi32, #tpu.memory_space<vmem>> -> memref<128xi32, #tpu.memory_space<vmem>>
      %dma_wait3A_260 = arith.constant 0 : i32
      %dma_wait3A_261 = tpu.memref_slice %arg15[%dma_wait3A_260] : memref<4096xi32, #tpu.memory_space<vmem_shared>> -> memref<4096xi32, #tpu.memory_space<vmem_shared>>
      tpu.wait_indirect_dma semaphore(%run_scoped3A_253 : memref<!tpu.dma_semaphore, #tpu.memory_space<semaphore_mem>>) src(%arg10 : memref<128xi32, #tpu.memory_space<vmem>>) dst(%dma_wait3A_261 : memref<4096xi32, #tpu.memory_space<vmem_shared>>)
      tpu.yield
    }) : () -> ()
    %run_scoped3A_122 = arith.constant 10 : i32
    "tpu.region"() ({
      %run_scoped3A_253 = tpu.sem_alloc : memref<!tpu.dma_semaphore, #tpu.memory_space<semaphore_mem>>
      %dma_start3A = arith.constant 0 : i32
      %dma_start3A_254 = tpu.memref_slice %arg9[%run_scoped3A_122, %dma_start3A] : memref<18x128xi32, #tpu.memory_space<vmem>> -> memref<1x128xi32, #tpu.memory_space<vmem>>
      %dma_start3A_255 = tpu.memref_squeeze %dma_start3A_254 : memref<1x128xi32, #tpu.memory_space<vmem>> -> memref<128xi32, #tpu.memory_space<vmem>>
      %dma_start3A_256 = arith.constant 0 : i32
      %dma_start3A_257 = tpu.memref_slice %arg15[%dma_start3A_256] : memref<4096xi32, #tpu.memory_space<vmem_shared>> -> memref<4096xi32, #tpu.memory_space<vmem_shared>>
      tpu.enqueue_indirect_dma source(%arg10 : memref<128xi32, #tpu.memory_space<vmem>>) target(%dma_start3A_257 : memref<4096xi32, #tpu.memory_space<vmem_shared>>) offsets(%dma_start3A_255 : memref<128xi32, #tpu.memory_space<vmem>>) semaphore(%run_scoped3A_253 : memref<!tpu.dma_semaphore, #tpu.memory_space<semaphore_mem>>) {add = true}
      %dma_wait3A = arith.constant 0 : i32
      %dma_wait3A_258 = tpu.memref_slice %arg9[%run_scoped3A_122, %dma_wait3A] : memref<18x128xi32, #tpu.memory_space<vmem>> -> memref<1x128xi32, #tpu.memory_space<vmem>>
      %dma_wait3A_259 = tpu.memref_squeeze %dma_wait3A_258 : memref<1x128xi32, #tpu.memory_space<vmem>> -> memref<128xi32, #tpu.memory_space<vmem>>
      %dma_wait3A_260 = arith.constant 0 : i32
      %dma_wait3A_261 = tpu.memref_slice %arg15[%dma_wait3A_260] : memref<4096xi32, #tpu.memory_space<vmem_shared>> -> memref<4096xi32, #tpu.memory_space<vmem_shared>>
      tpu.wait_indirect_dma semaphore(%run_scoped3A_253 : memref<!tpu.dma_semaphore, #tpu.memory_space<semaphore_mem>>) src(%arg10 : memref<128xi32, #tpu.memory_space<vmem>>) dst(%dma_wait3A_261 : memref<4096xi32, #tpu.memory_space<vmem_shared>>)
      tpu.yield
    }) : () -> ()
    %run_scoped3A_123 = arith.constant 11 : i32
    "tpu.region"() ({
      %run_scoped3A_253 = tpu.sem_alloc : memref<!tpu.dma_semaphore, #tpu.memory_space<semaphore_mem>>
      %dma_start3A = arith.constant 0 : i32
      %dma_start3A_254 = tpu.memref_slice %arg9[%run_scoped3A_123, %dma_start3A] : memref<18x128xi32, #tpu.memory_space<vmem>> -> memref<1x128xi32, #tpu.memory_space<vmem>>
      %dma_start3A_255 = tpu.memref_squeeze %dma_start3A_254 : memref<1x128xi32, #tpu.memory_space<vmem>> -> memref<128xi32, #tpu.memory_space<vmem>>
      %dma_start3A_256 = arith.constant 0 : i32
      %dma_start3A_257 = tpu.memref_slice %arg15[%dma_start3A_256] : memref<4096xi32, #tpu.memory_space<vmem_shared>> -> memref<4096xi32, #tpu.memory_space<vmem_shared>>
      tpu.enqueue_indirect_dma source(%arg10 : memref<128xi32, #tpu.memory_space<vmem>>) target(%dma_start3A_257 : memref<4096xi32, #tpu.memory_space<vmem_shared>>) offsets(%dma_start3A_255 : memref<128xi32, #tpu.memory_space<vmem>>) semaphore(%run_scoped3A_253 : memref<!tpu.dma_semaphore, #tpu.memory_space<semaphore_mem>>) {add = true}
      %dma_wait3A = arith.constant 0 : i32
      %dma_wait3A_258 = tpu.memref_slice %arg9[%run_scoped3A_123, %dma_wait3A] : memref<18x128xi32, #tpu.memory_space<vmem>> -> memref<1x128xi32, #tpu.memory_space<vmem>>
      %dma_wait3A_259 = tpu.memref_squeeze %dma_wait3A_258 : memref<1x128xi32, #tpu.memory_space<vmem>> -> memref<128xi32, #tpu.memory_space<vmem>>
      %dma_wait3A_260 = arith.constant 0 : i32
      %dma_wait3A_261 = tpu.memref_slice %arg15[%dma_wait3A_260] : memref<4096xi32, #tpu.memory_space<vmem_shared>> -> memref<4096xi32, #tpu.memory_space<vmem_shared>>
      tpu.wait_indirect_dma semaphore(%run_scoped3A_253 : memref<!tpu.dma_semaphore, #tpu.memory_space<semaphore_mem>>) src(%arg10 : memref<128xi32, #tpu.memory_space<vmem>>) dst(%dma_wait3A_261 : memref<4096xi32, #tpu.memory_space<vmem_shared>>)
      tpu.yield
    }) : () -> ()
    %run_scoped3A_124 = arith.constant 12 : i32
    "tpu.region"() ({
      %run_scoped3A_253 = tpu.sem_alloc : memref<!tpu.dma_semaphore, #tpu.memory_space<semaphore_mem>>
      %dma_start3A = arith.constant 0 : i32
      %dma_start3A_254 = tpu.memref_slice %arg9[%run_scoped3A_124, %dma_start3A] : memref<18x128xi32, #tpu.memory_space<vmem>> -> memref<1x128xi32, #tpu.memory_space<vmem>>
      %dma_start3A_255 = tpu.memref_squeeze %dma_start3A_254 : memref<1x128xi32, #tpu.memory_space<vmem>> -> memref<128xi32, #tpu.memory_space<vmem>>
      %dma_start3A_256 = arith.constant 0 : i32
      %dma_start3A_257 = tpu.memref_slice %arg15[%dma_start3A_256] : memref<4096xi32, #tpu.memory_space<vmem_shared>> -> memref<4096xi32, #tpu.memory_space<vmem_shared>>
      tpu.enqueue_indirect_dma source(%arg10 : memref<128xi32, #tpu.memory_space<vmem>>) target(%dma_start3A_257 : memref<4096xi32, #tpu.memory_space<vmem_shared>>) offsets(%dma_start3A_255 : memref<128xi32, #tpu.memory_space<vmem>>) semaphore(%run_scoped3A_253 : memref<!tpu.dma_semaphore, #tpu.memory_space<semaphore_mem>>) {add = true}
      %dma_wait3A = arith.constant 0 : i32
      %dma_wait3A_258 = tpu.memref_slice %arg9[%run_scoped3A_124, %dma_wait3A] : memref<18x128xi32, #tpu.memory_space<vmem>> -> memref<1x128xi32, #tpu.memory_space<vmem>>
      %dma_wait3A_259 = tpu.memref_squeeze %dma_wait3A_258 : memref<1x128xi32, #tpu.memory_space<vmem>> -> memref<128xi32, #tpu.memory_space<vmem>>
      %dma_wait3A_260 = arith.constant 0 : i32
      %dma_wait3A_261 = tpu.memref_slice %arg15[%dma_wait3A_260] : memref<4096xi32, #tpu.memory_space<vmem_shared>> -> memref<4096xi32, #tpu.memory_space<vmem_shared>>
      tpu.wait_indirect_dma semaphore(%run_scoped3A_253 : memref<!tpu.dma_semaphore, #tpu.memory_space<semaphore_mem>>) src(%arg10 : memref<128xi32, #tpu.memory_space<vmem>>) dst(%dma_wait3A_261 : memref<4096xi32, #tpu.memory_space<vmem_shared>>)
      tpu.yield
    }) : () -> ()
    %run_scoped3A_125 = arith.constant 13 : i32
    "tpu.region"() ({
      %run_scoped3A_253 = tpu.sem_alloc : memref<!tpu.dma_semaphore, #tpu.memory_space<semaphore_mem>>
      %dma_start3A = arith.constant 0 : i32
      %dma_start3A_254 = tpu.memref_slice %arg9[%run_scoped3A_125, %dma_start3A] : memref<18x128xi32, #tpu.memory_space<vmem>> -> memref<1x128xi32, #tpu.memory_space<vmem>>
      %dma_start3A_255 = tpu.memref_squeeze %dma_start3A_254 : memref<1x128xi32, #tpu.memory_space<vmem>> -> memref<128xi32, #tpu.memory_space<vmem>>
      %dma_start3A_256 = arith.constant 0 : i32
      %dma_start3A_257 = tpu.memref_slice %arg15[%dma_start3A_256] : memref<4096xi32, #tpu.memory_space<vmem_shared>> -> memref<4096xi32, #tpu.memory_space<vmem_shared>>
      tpu.enqueue_indirect_dma source(%arg10 : memref<128xi32, #tpu.memory_space<vmem>>) target(%dma_start3A_257 : memref<4096xi32, #tpu.memory_space<vmem_shared>>) offsets(%dma_start3A_255 : memref<128xi32, #tpu.memory_space<vmem>>) semaphore(%run_scoped3A_253 : memref<!tpu.dma_semaphore, #tpu.memory_space<semaphore_mem>>) {add = true}
      %dma_wait3A = arith.constant 0 : i32
      %dma_wait3A_258 = tpu.memref_slice %arg9[%run_scoped3A_125, %dma_wait3A] : memref<18x128xi32, #tpu.memory_space<vmem>> -> memref<1x128xi32, #tpu.memory_space<vmem>>
      %dma_wait3A_259 = tpu.memref_squeeze %dma_wait3A_258 : memref<1x128xi32, #tpu.memory_space<vmem>> -> memref<128xi32, #tpu.memory_space<vmem>>
      %dma_wait3A_260 = arith.constant 0 : i32
      %dma_wait3A_261 = tpu.memref_slice %arg15[%dma_wait3A_260] : memref<4096xi32, #tpu.memory_space<vmem_shared>> -> memref<4096xi32, #tpu.memory_space<vmem_shared>>
      tpu.wait_indirect_dma semaphore(%run_scoped3A_253 : memref<!tpu.dma_semaphore, #tpu.memory_space<semaphore_mem>>) src(%arg10 : memref<128xi32, #tpu.memory_space<vmem>>) dst(%dma_wait3A_261 : memref<4096xi32, #tpu.memory_space<vmem_shared>>)
      tpu.yield
    }) : () -> ()
    %run_scoped3A_126 = arith.constant 14 : i32
    "tpu.region"() ({
      %run_scoped3A_253 = tpu.sem_alloc : memref<!tpu.dma_semaphore, #tpu.memory_space<semaphore_mem>>
      %dma_start3A = arith.constant 0 : i32
      %dma_start3A_254 = tpu.memref_slice %arg9[%run_scoped3A_126, %dma_start3A] : memref<18x128xi32, #tpu.memory_space<vmem>> -> memref<1x128xi32, #tpu.memory_space<vmem>>
      %dma_start3A_255 = tpu.memref_squeeze %dma_start3A_254 : memref<1x128xi32, #tpu.memory_space<vmem>> -> memref<128xi32, #tpu.memory_space<vmem>>
      %dma_start3A_256 = arith.constant 0 : i32
      %dma_start3A_257 = tpu.memref_slice %arg15[%dma_start3A_256] : memref<4096xi32, #tpu.memory_space<vmem_shared>> -> memref<4096xi32, #tpu.memory_space<vmem_shared>>
      tpu.enqueue_indirect_dma source(%arg10 : memref<128xi32, #tpu.memory_space<vmem>>) target(%dma_start3A_257 : memref<4096xi32, #tpu.memory_space<vmem_shared>>) offsets(%dma_start3A_255 : memref<128xi32, #tpu.memory_space<vmem>>) semaphore(%run_scoped3A_253 : memref<!tpu.dma_semaphore, #tpu.memory_space<semaphore_mem>>) {add = true}
      %dma_wait3A = arith.constant 0 : i32
      %dma_wait3A_258 = tpu.memref_slice %arg9[%run_scoped3A_126, %dma_wait3A] : memref<18x128xi32, #tpu.memory_space<vmem>> -> memref<1x128xi32, #tpu.memory_space<vmem>>
      %dma_wait3A_259 = tpu.memref_squeeze %dma_wait3A_258 : memref<1x128xi32, #tpu.memory_space<vmem>> -> memref<128xi32, #tpu.memory_space<vmem>>
      %dma_wait3A_260 = arith.constant 0 : i32
      %dma_wait3A_261 = tpu.memref_slice %arg15[%dma_wait3A_260] : memref<4096xi32, #tpu.memory_space<vmem_shared>> -> memref<4096xi32, #tpu.memory_space<vmem_shared>>
      tpu.wait_indirect_dma semaphore(%run_scoped3A_253 : memref<!tpu.dma_semaphore, #tpu.memory_space<semaphore_mem>>) src(%arg10 : memref<128xi32, #tpu.memory_space<vmem>>) dst(%dma_wait3A_261 : memref<4096xi32, #tpu.memory_space<vmem_shared>>)
      tpu.yield
    }) : () -> ()
    %run_scoped3A_127 = arith.constant 15 : i32
    "tpu.region"() ({
      %run_scoped3A_253 = tpu.sem_alloc : memref<!tpu.dma_semaphore, #tpu.memory_space<semaphore_mem>>
      %dma_start3A = arith.constant 0 : i32
      %dma_start3A_254 = tpu.memref_slice %arg9[%run_scoped3A_127, %dma_start3A] : memref<18x128xi32, #tpu.memory_space<vmem>> -> memref<1x128xi32, #tpu.memory_space<vmem>>
      %dma_start3A_255 = tpu.memref_squeeze %dma_start3A_254 : memref<1x128xi32, #tpu.memory_space<vmem>> -> memref<128xi32, #tpu.memory_space<vmem>>
      %dma_start3A_256 = arith.constant 0 : i32
      %dma_start3A_257 = tpu.memref_slice %arg15[%dma_start3A_256] : memref<4096xi32, #tpu.memory_space<vmem_shared>> -> memref<4096xi32, #tpu.memory_space<vmem_shared>>
      tpu.enqueue_indirect_dma source(%arg10 : memref<128xi32, #tpu.memory_space<vmem>>) target(%dma_start3A_257 : memref<4096xi32, #tpu.memory_space<vmem_shared>>) offsets(%dma_start3A_255 : memref<128xi32, #tpu.memory_space<vmem>>) semaphore(%run_scoped3A_253 : memref<!tpu.dma_semaphore, #tpu.memory_space<semaphore_mem>>) {add = true}
      %dma_wait3A = arith.constant 0 : i32
      %dma_wait3A_258 = tpu.memref_slice %arg9[%run_scoped3A_127, %dma_wait3A] : memref<18x128xi32, #tpu.memory_space<vmem>> -> memref<1x128xi32, #tpu.memory_space<vmem>>
      %dma_wait3A_259 = tpu.memref_squeeze %dma_wait3A_258 : memref<1x128xi32, #tpu.memory_space<vmem>> -> memref<128xi32, #tpu.memory_space<vmem>>
      %dma_wait3A_260 = arith.constant 0 : i32
      %dma_wait3A_261 = tpu.memref_slice %arg15[%dma_wait3A_260] : memref<4096xi32, #tpu.memory_space<vmem_shared>> -> memref<4096xi32, #tpu.memory_space<vmem_shared>>
      tpu.wait_indirect_dma semaphore(%run_scoped3A_253 : memref<!tpu.dma_semaphore, #tpu.memory_space<semaphore_mem>>) src(%arg10 : memref<128xi32, #tpu.memory_space<vmem>>) dst(%dma_wait3A_261 : memref<4096xi32, #tpu.memory_space<vmem_shared>>)
      tpu.yield
    }) : () -> ()
    %run_scoped3A_128 = arith.constant 16 : i32
    "tpu.region"() ({
      %run_scoped3A_253 = tpu.sem_alloc : memref<!tpu.dma_semaphore, #tpu.memory_space<semaphore_mem>>
      %dma_start3A = arith.constant 0 : i32
      %dma_start3A_254 = tpu.memref_slice %arg9[%run_scoped3A_128, %dma_start3A] : memref<18x128xi32, #tpu.memory_space<vmem>> -> memref<1x128xi32, #tpu.memory_space<vmem>>
      %dma_start3A_255 = tpu.memref_squeeze %dma_start3A_254 : memref<1x128xi32, #tpu.memory_space<vmem>> -> memref<128xi32, #tpu.memory_space<vmem>>
      %dma_start3A_256 = arith.constant 0 : i32
      %dma_start3A_257 = tpu.memref_slice %arg15[%dma_start3A_256] : memref<4096xi32, #tpu.memory_space<vmem_shared>> -> memref<4096xi32, #tpu.memory_space<vmem_shared>>
      tpu.enqueue_indirect_dma source(%arg10 : memref<128xi32, #tpu.memory_space<vmem>>) target(%dma_start3A_257 : memref<4096xi32, #tpu.memory_space<vmem_shared>>) offsets(%dma_start3A_255 : memref<128xi32, #tpu.memory_space<vmem>>) semaphore(%run_scoped3A_253 : memref<!tpu.dma_semaphore, #tpu.memory_space<semaphore_mem>>) {add = true}
      %dma_wait3A = arith.constant 0 : i32
      %dma_wait3A_258 = tpu.memref_slice %arg9[%run_scoped3A_128, %dma_wait3A] : memref<18x128xi32, #tpu.memory_space<vmem>> -> memref<1x128xi32, #tpu.memory_space<vmem>>
      %dma_wait3A_259 = tpu.memref_squeeze %dma_wait3A_258 : memref<1x128xi32, #tpu.memory_space<vmem>> -> memref<128xi32, #tpu.memory_space<vmem>>
      %dma_wait3A_260 = arith.constant 0 : i32
      %dma_wait3A_261 = tpu.memref_slice %arg15[%dma_wait3A_260] : memref<4096xi32, #tpu.memory_space<vmem_shared>> -> memref<4096xi32, #tpu.memory_space<vmem_shared>>
      tpu.wait_indirect_dma semaphore(%run_scoped3A_253 : memref<!tpu.dma_semaphore, #tpu.memory_space<semaphore_mem>>) src(%arg10 : memref<128xi32, #tpu.memory_space<vmem>>) dst(%dma_wait3A_261 : memref<4096xi32, #tpu.memory_space<vmem_shared>>)
      tpu.yield
    }) : () -> ()
    %run_scoped3A_129 = arith.constant 17 : i32
    "tpu.region"() ({
      %run_scoped3A_253 = tpu.sem_alloc : memref<!tpu.dma_semaphore, #tpu.memory_space<semaphore_mem>>
      %dma_start3A = arith.constant 0 : i32
      %dma_start3A_254 = tpu.memref_slice %arg9[%run_scoped3A_129, %dma_start3A] : memref<18x128xi32, #tpu.memory_space<vmem>> -> memref<1x128xi32, #tpu.memory_space<vmem>>
      %dma_start3A_255 = tpu.memref_squeeze %dma_start3A_254 : memref<1x128xi32, #tpu.memory_space<vmem>> -> memref<128xi32, #tpu.memory_space<vmem>>
      %dma_start3A_256 = arith.constant 0 : i32
      %dma_start3A_257 = tpu.memref_slice %arg15[%dma_start3A_256] : memref<4096xi32, #tpu.memory_space<vmem_shared>> -> memref<4096xi32, #tpu.memory_space<vmem_shared>>
      tpu.enqueue_indirect_dma source(%arg10 : memref<128xi32, #tpu.memory_space<vmem>>) target(%dma_start3A_257 : memref<4096xi32, #tpu.memory_space<vmem_shared>>) offsets(%dma_start3A_255 : memref<128xi32, #tpu.memory_space<vmem>>) semaphore(%run_scoped3A_253 : memref<!tpu.dma_semaphore, #tpu.memory_space<semaphore_mem>>) {add = true}
      %dma_wait3A = arith.constant 0 : i32
      %dma_wait3A_258 = tpu.memref_slice %arg9[%run_scoped3A_129, %dma_wait3A] : memref<18x128xi32, #tpu.memory_space<vmem>> -> memref<1x128xi32, #tpu.memory_space<vmem>>
      %dma_wait3A_259 = tpu.memref_squeeze %dma_wait3A_258 : memref<1x128xi32, #tpu.memory_space<vmem>> -> memref<128xi32, #tpu.memory_space<vmem>>
      %dma_wait3A_260 = arith.constant 0 : i32
      %dma_wait3A_261 = tpu.memref_slice %arg15[%dma_wait3A_260] : memref<4096xi32, #tpu.memory_space<vmem_shared>> -> memref<4096xi32, #tpu.memory_space<vmem_shared>>
      tpu.wait_indirect_dma semaphore(%run_scoped3A_253 : memref<!tpu.dma_semaphore, #tpu.memory_space<semaphore_mem>>) src(%arg10 : memref<128xi32, #tpu.memory_space<vmem>>) dst(%dma_wait3A_261 : memref<4096xi32, #tpu.memory_space<vmem_shared>>)
      tpu.yield
    }) : () -> ()
    %barrier3A_130 = arith.constant 0 : index
    tpu.barrier barrier_id(%barrier3A_130)
    %mul3A_131 = arith.constant 256 : i32
    %mul3A_132 = arith.muli %arg1, %mul3A_131 : i32
    "tpu.region"() ({
      %run_scoped3A_253 = tpu.sem_alloc : memref<!tpu.dma_semaphore, #tpu.memory_space<semaphore_mem>>
      %dma_start3A = tpu.memref_slice %arg15[%mul3A_132] : memref<4096xi32, #tpu.memory_space<vmem_shared>> -> memref<256xi32, #tpu.memory_space<vmem_shared>>
      %dma_start3A_254 = tpu.memref_slice %arg15[%mul3A_132] : memref<4096xi32, #tpu.memory_space<vmem_shared>> -> memref<256xi32, #tpu.memory_space<vmem_shared>>
      tpu.enqueue_dma source(%dma_start3A_254 : memref<256xi32, #tpu.memory_space<vmem_shared>>) target(%arg11 : memref<256xi32, #tpu.memory_space<vmem>>) target_semaphore(%run_scoped3A_253 : memref<!tpu.dma_semaphore, #tpu.memory_space<semaphore_mem>>)
      %dma_wait3A = tpu.memref_slice %arg15[%mul3A_132] : memref<4096xi32, #tpu.memory_space<vmem_shared>> -> memref<256xi32, #tpu.memory_space<vmem_shared>>
      %dma_wait3A_255 = tpu.memref_slice %arg15[%mul3A_132] : memref<4096xi32, #tpu.memory_space<vmem_shared>> -> memref<256xi32, #tpu.memory_space<vmem_shared>>
      tpu.wait_dma2 semaphore(%run_scoped3A_253 : memref<!tpu.dma_semaphore, #tpu.memory_space<semaphore_mem>>) src(%dma_wait3A_255 : memref<256xi32, #tpu.memory_space<vmem_shared>>) dst(%arg11 : memref<256xi32, #tpu.memory_space<vmem>>)
      tpu.yield
    }) : () -> ()
    %broadcast_in_dim3A_133 = arith.constant 0 : i32
    %broadcast_in_dim3A_134 = vector.broadcast %broadcast_in_dim3A_133 : i32 to vector<16xi32>
    %get3A = arith.constant 0 : index
    %get3A_135 = tpu.vector_load %arg11[%get3A] {strides = array<i32>} : memref<256xi32, #tpu.memory_space<vmem>>, vector<16xi32>,
    %get3A_136 = vector.shape_cast %get3A_135 : vector<16xi32> to vector<16xi32>
    %min3A = arith.constant 1 : i32
    %min3A_137 = vector.broadcast %min3A : i32 to vector<16xi32>
    %min3A_138 = arith.minsi %get3A_136, %min3A_137 : vector<16xi32>
    %add3A = arith.addi %broadcast_in_dim3A_134, %min3A_138 : vector<16xi32>
    %get3A_139 = arith.constant 16 : index
    %get3A_140 = tpu.vector_load %arg11[%get3A_139] {strides = array<i32>} : memref<256xi32, #tpu.memory_space<vmem>>, vector<16xi32>,
    %get3A_141 = vector.shape_cast %get3A_140 : vector<16xi32> to vector<16xi32>
    %min3A_142 = arith.constant 1 : i32
    %min3A_143 = vector.broadcast %min3A_142 : i32 to vector<16xi32>
    %min3A_144 = arith.minsi %get3A_141, %min3A_143 : vector<16xi32>
    %add3A_145 = arith.addi %add3A, %min3A_144 : vector<16xi32>
    %get3A_146 = arith.constant 32 : index
    %get3A_147 = tpu.vector_load %arg11[%get3A_146] {strides = array<i32>} : memref<256xi32, #tpu.memory_space<vmem>>, vector<16xi32>,
    %get3A_148 = vector.shape_cast %get3A_147 : vector<16xi32> to vector<16xi32>
    %min3A_149 = arith.constant 1 : i32
    %min3A_150 = vector.broadcast %min3A_149 : i32 to vector<16xi32>
    %min3A_151 = arith.minsi %get3A_148, %min3A_150 : vector<16xi32>
    %add3A_152 = arith.addi %add3A_145, %min3A_151 : vector<16xi32>
    %get3A_153 = arith.constant 48 : index
    %get3A_154 = tpu.vector_load %arg11[%get3A_153] {strides = array<i32>} : memref<256xi32, #tpu.memory_space<vmem>>, vector<16xi32>,
    %get3A_155 = vector.shape_cast %get3A_154 : vector<16xi32> to vector<16xi32>
    %min3A_156 = arith.constant 1 : i32
    %min3A_157 = vector.broadcast %min3A_156 : i32 to vector<16xi32>
    %min3A_158 = arith.minsi %get3A_155, %min3A_157 : vector<16xi32>
    %add3A_159 = arith.addi %add3A_152, %min3A_158 : vector<16xi32>
    %get3A_160 = arith.constant 64 : index
    %get3A_161 = tpu.vector_load %arg11[%get3A_160] {strides = array<i32>} : memref<256xi32, #tpu.memory_space<vmem>>, vector<16xi32>,
    %get3A_162 = vector.shape_cast %get3A_161 : vector<16xi32> to vector<16xi32>
    %min3A_163 = arith.constant 1 : i32
    %min3A_164 = vector.broadcast %min3A_163 : i32 to vector<16xi32>
    %min3A_165 = arith.minsi %get3A_162, %min3A_164 : vector<16xi32>
    %add3A_166 = arith.addi %add3A_159, %min3A_165 : vector<16xi32>
    %get3A_167 = arith.constant 80 : index
    %get3A_168 = tpu.vector_load %arg11[%get3A_167] {strides = array<i32>} : memref<256xi32, #tpu.memory_space<vmem>>, vector<16xi32>,
    %get3A_169 = vector.shape_cast %get3A_168 : vector<16xi32> to vector<16xi32>
    %min3A_170 = arith.constant 1 : i32
    %min3A_171 = vector.broadcast %min3A_170 : i32 to vector<16xi32>
    %min3A_172 = arith.minsi %get3A_169, %min3A_171 : vector<16xi32>
    %add3A_173 = arith.addi %add3A_166, %min3A_172 : vector<16xi32>
    %get3A_174 = arith.constant 96 : index
    %get3A_175 = tpu.vector_load %arg11[%get3A_174] {strides = array<i32>} : memref<256xi32, #tpu.memory_space<vmem>>, vector<16xi32>,
    %get3A_176 = vector.shape_cast %get3A_175 : vector<16xi32> to vector<16xi32>
    %min3A_177 = arith.constant 1 : i32
    %min3A_178 = vector.broadcast %min3A_177 : i32 to vector<16xi32>
    %min3A_179 = arith.minsi %get3A_176, %min3A_178 : vector<16xi32>
    %add3A_180 = arith.addi %add3A_173, %min3A_179 : vector<16xi32>
    %get3A_181 = arith.constant 112 : index
    %get3A_182 = tpu.vector_load %arg11[%get3A_181] {strides = array<i32>} : memref<256xi32, #tpu.memory_space<vmem>>, vector<16xi32>,
    %get3A_183 = vector.shape_cast %get3A_182 : vector<16xi32> to vector<16xi32>
    %min3A_184 = arith.constant 1 : i32
    %min3A_185 = vector.broadcast %min3A_184 : i32 to vector<16xi32>
    %min3A_186 = arith.minsi %get3A_183, %min3A_185 : vector<16xi32>
    %add3A_187 = arith.addi %add3A_180, %min3A_186 : vector<16xi32>
    %get3A_188 = arith.constant 128 : index
    %get3A_189 = tpu.vector_load %arg11[%get3A_188] {strides = array<i32>} : memref<256xi32, #tpu.memory_space<vmem>>, vector<16xi32>,
    %get3A_190 = vector.shape_cast %get3A_189 : vector<16xi32> to vector<16xi32>
    %min3A_191 = arith.constant 1 : i32
    %min3A_192 = vector.broadcast %min3A_191 : i32 to vector<16xi32>
    %min3A_193 = arith.minsi %get3A_190, %min3A_192 : vector<16xi32>
    %add3A_194 = arith.addi %add3A_187, %min3A_193 : vector<16xi32>
    %get3A_195 = arith.constant 144 : index
    %get3A_196 = tpu.vector_load %arg11[%get3A_195] {strides = array<i32>} : memref<256xi32, #tpu.memory_space<vmem>>, vector<16xi32>,
    %get3A_197 = vector.shape_cast %get3A_196 : vector<16xi32> to vector<16xi32>
    %min3A_198 = arith.constant 1 : i32
    %min3A_199 = vector.broadcast %min3A_198 : i32 to vector<16xi32>
    %min3A_200 = arith.minsi %get3A_197, %min3A_199 : vector<16xi32>
    %add3A_201 = arith.addi %add3A_194, %min3A_200 : vector<16xi32>
    %get3A_202 = arith.constant 160 : index
    %get3A_203 = tpu.vector_load %arg11[%get3A_202] {strides = array<i32>} : memref<256xi32, #tpu.memory_space<vmem>>, vector<16xi32>,
    %get3A_204 = vector.shape_cast %get3A_203 : vector<16xi32> to vector<16xi32>
    %min3A_205 = arith.constant 1 : i32
    %min3A_206 = vector.broadcast %min3A_205 : i32 to vector<16xi32>
    %min3A_207 = arith.minsi %get3A_204, %min3A_206 : vector<16xi32>
    %add3A_208 = arith.addi %add3A_201, %min3A_207 : vector<16xi32>
    %get3A_209 = arith.constant 176 : index
    %get3A_210 = tpu.vector_load %arg11[%get3A_209] {strides = array<i32>} : memref<256xi32, #tpu.memory_space<vmem>>, vector<16xi32>,
    %get3A_211 = vector.shape_cast %get3A_210 : vector<16xi32> to vector<16xi32>
    %min3A_212 = arith.constant 1 : i32
    %min3A_213 = vector.broadcast %min3A_212 : i32 to vector<16xi32>
    %min3A_214 = arith.minsi %get3A_211, %min3A_213 : vector<16xi32>
    %add3A_215 = arith.addi %add3A_208, %min3A_214 : vector<16xi32>
    %get3A_216 = arith.constant 192 : index
    %get3A_217 = tpu.vector_load %arg11[%get3A_216] {strides = array<i32>} : memref<256xi32, #tpu.memory_space<vmem>>, vector<16xi32>,
    %get3A_218 = vector.shape_cast %get3A_217 : vector<16xi32> to vector<16xi32>
    %min3A_219 = arith.constant 1 : i32
    %min3A_220 = vector.broadcast %min3A_219 : i32 to vector<16xi32>
    %min3A_221 = arith.minsi %get3A_218, %min3A_220 : vector<16xi32>
    %add3A_222 = arith.addi %add3A_215, %min3A_221 : vector<16xi32>
    %get3A_223 = arith.constant 208 : index
    %get3A_224 = tpu.vector_load %arg11[%get3A_223] {strides = array<i32>} : memref<256xi32, #tpu.memory_space<vmem>>, vector<16xi32>,
    %get3A_225 = vector.shape_cast %get3A_224 : vector<16xi32> to vector<16xi32>
    %min3A_226 = arith.constant 1 : i32
    %min3A_227 = vector.broadcast %min3A_226 : i32 to vector<16xi32>
    %min3A_228 = arith.minsi %get3A_225, %min3A_227 : vector<16xi32>
    %add3A_229 = arith.addi %add3A_222, %min3A_228 : vector<16xi32>
    %get3A_230 = arith.constant 224 : index
    %get3A_231 = tpu.vector_load %arg11[%get3A_230] {strides = array<i32>} : memref<256xi32, #tpu.memory_space<vmem>>, vector<16xi32>,
    %get3A_232 = vector.shape_cast %get3A_231 : vector<16xi32> to vector<16xi32>
    %min3A_233 = arith.constant 1 : i32
    %min3A_234 = vector.broadcast %min3A_233 : i32 to vector<16xi32>
    %min3A_235 = arith.minsi %get3A_232, %min3A_234 : vector<16xi32>
    %add3A_236 = arith.addi %add3A_229, %min3A_235 : vector<16xi32>
    %get3A_237 = arith.constant 240 : index
    %get3A_238 = tpu.vector_load %arg11[%get3A_237] {strides = array<i32>} : memref<256xi32, #tpu.memory_space<vmem>>, vector<16xi32>,
    %get3A_239 = vector.shape_cast %get3A_238 : vector<16xi32> to vector<16xi32>
    %min3A_240 = arith.constant 1 : i32
    %min3A_241 = vector.broadcast %min3A_240 : i32 to vector<16xi32>
    %min3A_242 = arith.minsi %get3A_239, %min3A_241 : vector<16xi32>
    %add3A_243 = arith.addi %add3A_236, %min3A_242 : vector<16xi32>
    %swap3A_244 = arith.constant 0 : index
    %swap3A_245 = tpu.vector_load %arg12[%swap3A_244] {strides = array<i32>} : memref<16xi32, #tpu.memory_space<vmem>>, vector<16xi32>,
    %swap3A_246 = vector.shape_cast %swap3A_245 : vector<16xi32> to vector<16xi32>
    %swap3A_247 = vector.shape_cast %add3A_243 : vector<16xi32> to vector<16xi32>
    tpu.vector_store %arg12[%swap3A_244], %swap3A_247 {strides = array<i32>} : memref<16xi32, #tpu.memory_space<vmem>>, vector<16xi32>,
    %mul3A_248 = arith.constant 16 : i32
    %mul3A_249 = arith.muli %arg1, %mul3A_248 : i32
    "tpu.region"() ({
      %run_scoped3A_253 = tpu.sem_alloc : memref<!tpu.dma_semaphore, #tpu.memory_space<semaphore_mem>>
      %dma_start3A = tpu.memref_slice %arg16[%mul3A_249] : memref<256xi32, #tpu.memory_space<vmem_shared>> -> memref<16xi32, #tpu.memory_space<vmem_shared>>
      %dma_start3A_254 = tpu.memref_slice %arg16[%mul3A_249] : memref<256xi32, #tpu.memory_space<vmem_shared>> -> memref<16xi32, #tpu.memory_space<vmem_shared>>
      tpu.enqueue_dma source(%arg12 : memref<16xi32, #tpu.memory_space<vmem>>) target(%dma_start3A_254 : memref<16xi32, #tpu.memory_space<vmem_shared>>) target_semaphore(%run_scoped3A_253 : memref<!tpu.dma_semaphore, #tpu.memory_space<semaphore_mem>>)
      %dma_wait3A = tpu.memref_slice %arg16[%mul3A_249] : memref<256xi32, #tpu.memory_space<vmem_shared>> -> memref<16xi32, #tpu.memory_space<vmem_shared>>
      %dma_wait3A_255 = tpu.memref_slice %arg16[%mul3A_249] : memref<256xi32, #tpu.memory_space<vmem_shared>> -> memref<16xi32, #tpu.memory_space<vmem_shared>>
      tpu.wait_dma2 semaphore(%run_scoped3A_253 : memref<!tpu.dma_semaphore, #tpu.memory_space<semaphore_mem>>) src(%arg12 : memref<16xi32, #tpu.memory_space<vmem>>) dst(%dma_wait3A_255 : memref<16xi32, #tpu.memory_space<vmem_shared>>)
      tpu.yield
    }) : () -> ()
    %barrier3A_250 = arith.constant 0 : index
    tpu.barrier barrier_id(%barrier3A_250)
    %eq3A = arith.constant 0 : i32
    %eq3A_251 = arith.cmpi eq, %arg1, %eq3A : i32
    %convert_element_type3A = arith.extui %eq3A_251 : i1 to i32
    %cond3A = arith.constant 0 : i32
    %cond3A_252 = arith.cmpi ne, %convert_element_type3A, %cond3A : i32
    scf.if %cond3A_252 {
      "tpu.region"() ({
        %run_scoped3A_372 = tpu.sem_alloc : memref<!tpu.dma_semaphore, #tpu.memory_space<semaphore_mem>>
        tpu.enqueue_dma source(%arg16 : memref<256xi32, #tpu.memory_space<vmem_shared>>) target(%arg13 : memref<256xi32, #tpu.memory_space<vmem>>) target_semaphore(%run_scoped3A_372 : memref<!tpu.dma_semaphore, #tpu.memory_space<semaphore_mem>>)
        tpu.wait_dma2 semaphore(%run_scoped3A_372 : memref<!tpu.dma_semaphore, #tpu.memory_space<semaphore_mem>>) src(%arg16 : memref<256xi32, #tpu.memory_space<vmem_shared>>) dst(%arg13 : memref<256xi32, #tpu.memory_space<vmem>>)
        tpu.yield
      }) : () -> ()
      %broadcast_in_dim3A_253 = arith.constant 0 : i32
      %broadcast_in_dim3A_254 = vector.broadcast %broadcast_in_dim3A_253 : i32 to vector<16xi32>
      %get3A_255 = arith.constant 0 : index
      %get3A_256 = tpu.vector_load %arg13[%get3A_255] {strides = array<i32>} : memref<256xi32, #tpu.memory_space<vmem>>, vector<16xi32>,
      %get3A_257 = vector.shape_cast %get3A_256 : vector<16xi32> to vector<16xi32>
      %add3A_258 = arith.addi %broadcast_in_dim3A_254, %get3A_257 : vector<16xi32>
      %get3A_259 = arith.constant 16 : index
      %get3A_260 = tpu.vector_load %arg13[%get3A_259] {strides = array<i32>} : memref<256xi32, #tpu.memory_space<vmem>>, vector<16xi32>,
      %get3A_261 = vector.shape_cast %get3A_260 : vector<16xi32> to vector<16xi32>
      %add3A_262 = arith.addi %add3A_258, %get3A_261 : vector<16xi32>
      %get3A_263 = arith.constant 32 : index
      %get3A_264 = tpu.vector_load %arg13[%get3A_263] {strides = array<i32>} : memref<256xi32, #tpu.memory_space<vmem>>, vector<16xi32>,
      %get3A_265 = vector.shape_cast %get3A_264 : vector<16xi32> to vector<16xi32>
      %add3A_266 = arith.addi %add3A_262, %get3A_265 : vector<16xi32>
      %get3A_267 = arith.constant 48 : index
      %get3A_268 = tpu.vector_load %arg13[%get3A_267] {strides = array<i32>} : memref<256xi32, #tpu.memory_space<vmem>>, vector<16xi32>,
      %get3A_269 = vector.shape_cast %get3A_268 : vector<16xi32> to vector<16xi32>
      %add3A_270 = arith.addi %add3A_266, %get3A_269 : vector<16xi32>
      %get3A_271 = arith.constant 64 : index
      %get3A_272 = tpu.vector_load %arg13[%get3A_271] {strides = array<i32>} : memref<256xi32, #tpu.memory_space<vmem>>, vector<16xi32>,
      %get3A_273 = vector.shape_cast %get3A_272 : vector<16xi32> to vector<16xi32>
      %add3A_274 = arith.addi %add3A_270, %get3A_273 : vector<16xi32>
      %get3A_275 = arith.constant 80 : index
      %get3A_276 = tpu.vector_load %arg13[%get3A_275] {strides = array<i32>} : memref<256xi32, #tpu.memory_space<vmem>>, vector<16xi32>,
      %get3A_277 = vector.shape_cast %get3A_276 : vector<16xi32> to vector<16xi32>
      %add3A_278 = arith.addi %add3A_274, %get3A_277 : vector<16xi32>
      %get3A_279 = arith.constant 96 : index
      %get3A_280 = tpu.vector_load %arg13[%get3A_279] {strides = array<i32>} : memref<256xi32, #tpu.memory_space<vmem>>, vector<16xi32>,
      %get3A_281 = vector.shape_cast %get3A_280 : vector<16xi32> to vector<16xi32>
      %add3A_282 = arith.addi %add3A_278, %get3A_281 : vector<16xi32>
      %get3A_283 = arith.constant 112 : index
      %get3A_284 = tpu.vector_load %arg13[%get3A_283] {strides = array<i32>} : memref<256xi32, #tpu.memory_space<vmem>>, vector<16xi32>,
      %get3A_285 = vector.shape_cast %get3A_284 : vector<16xi32> to vector<16xi32>
      %add3A_286 = arith.addi %add3A_282, %get3A_285 : vector<16xi32>
      %get3A_287 = arith.constant 128 : index
      %get3A_288 = tpu.vector_load %arg13[%get3A_287] {strides = array<i32>} : memref<256xi32, #tpu.memory_space<vmem>>, vector<16xi32>,
      %get3A_289 = vector.shape_cast %get3A_288 : vector<16xi32> to vector<16xi32>
      %add3A_290 = arith.addi %add3A_286, %get3A_289 : vector<16xi32>
      %get3A_291 = arith.constant 144 : index
      %get3A_292 = tpu.vector_load %arg13[%get3A_291] {strides = array<i32>} : memref<256xi32, #tpu.memory_space<vmem>>, vector<16xi32>,
      %get3A_293 = vector.shape_cast %get3A_292 : vector<16xi32> to vector<16xi32>
      %add3A_294 = arith.addi %add3A_290, %get3A_293 : vector<16xi32>
      %get3A_295 = arith.constant 160 : index
      %get3A_296 = tpu.vector_load %arg13[%get3A_295] {strides = array<i32>} : memref<256xi32, #tpu.memory_space<vmem>>, vector<16xi32>,
      %get3A_297 = vector.shape_cast %get3A_296 : vector<16xi32> to vector<16xi32>
      %add3A_298 = arith.addi %add3A_294, %get3A_297 : vector<16xi32>
      %get3A_299 = arith.constant 176 : index
      %get3A_300 = tpu.vector_load %arg13[%get3A_299] {strides = array<i32>} : memref<256xi32, #tpu.memory_space<vmem>>, vector<16xi32>,
      %get3A_301 = vector.shape_cast %get3A_300 : vector<16xi32> to vector<16xi32>
      %add3A_302 = arith.addi %add3A_298, %get3A_301 : vector<16xi32>
      %get3A_303 = arith.constant 192 : index
      %get3A_304 = tpu.vector_load %arg13[%get3A_303] {strides = array<i32>} : memref<256xi32, #tpu.memory_space<vmem>>, vector<16xi32>,
      %get3A_305 = vector.shape_cast %get3A_304 : vector<16xi32> to vector<16xi32>
      %add3A_306 = arith.addi %add3A_302, %get3A_305 : vector<16xi32>
      %get3A_307 = arith.constant 208 : index
      %get3A_308 = tpu.vector_load %arg13[%get3A_307] {strides = array<i32>} : memref<256xi32, #tpu.memory_space<vmem>>, vector<16xi32>,
      %get3A_309 = vector.shape_cast %get3A_308 : vector<16xi32> to vector<16xi32>
      %add3A_310 = arith.addi %add3A_306, %get3A_309 : vector<16xi32>
      %get3A_311 = arith.constant 224 : index
      %get3A_312 = tpu.vector_load %arg13[%get3A_311] {strides = array<i32>} : memref<256xi32, #tpu.memory_space<vmem>>, vector<16xi32>,
      %get3A_313 = vector.shape_cast %get3A_312 : vector<16xi32> to vector<16xi32>
      %add3A_314 = arith.addi %add3A_310, %get3A_313 : vector<16xi32>
      %get3A_315 = arith.constant 240 : index
      %get3A_316 = tpu.vector_load %arg13[%get3A_315] {strides = array<i32>} : memref<256xi32, #tpu.memory_space<vmem>>, vector<16xi32>,
      %get3A_317 = vector.shape_cast %get3A_316 : vector<16xi32> to vector<16xi32>
      %add3A_318 = arith.addi %add3A_314, %get3A_317 : vector<16xi32>
      %slice3A = vector.extract_strided_slice %add3A_318 {offsets = [0], sizes = [1], strides = [1]} : vector<16xi32> to vector<1xi32>
      %squeeze3A = vector.extract %slice3A[0] : i32 from vector<1xi32>
      %slice3A_319 = vector.extract_strided_slice %add3A_318 {offsets = [1], sizes = [1], strides = [1]} : vector<16xi32> to vector<1xi32>
      %squeeze3A_320 = vector.extract %slice3A_319[0] : i32 from vector<1xi32>
      %add3A_321 = arith.addi %squeeze3A, %squeeze3A_320 : i32
      %slice3A_322 = vector.extract_strided_slice %add3A_318 {offsets = [2], sizes = [1], strides = [1]} : vector<16xi32> to vector<1xi32>
      %squeeze3A_323 = vector.extract %slice3A_322[0] : i32 from vector<1xi32>
      %add3A_324 = arith.addi %add3A_321, %squeeze3A_323 : i32
      %slice3A_325 = vector.extract_strided_slice %add3A_318 {offsets = [3], sizes = [1], strides = [1]} : vector<16xi32> to vector<1xi32>
      %squeeze3A_326 = vector.extract %slice3A_325[0] : i32 from vector<1xi32>
      %add3A_327 = arith.addi %add3A_324, %squeeze3A_326 : i32
      %slice3A_328 = vector.extract_strided_slice %add3A_318 {offsets = [4], sizes = [1], strides = [1]} : vector<16xi32> to vector<1xi32>
      %squeeze3A_329 = vector.extract %slice3A_328[0] : i32 from vector<1xi32>
      %add3A_330 = arith.addi %add3A_327, %squeeze3A_329 : i32
      %slice3A_331 = vector.extract_strided_slice %add3A_318 {offsets = [5], sizes = [1], strides = [1]} : vector<16xi32> to vector<1xi32>
      %squeeze3A_332 = vector.extract %slice3A_331[0] : i32 from vector<1xi32>
      %add3A_333 = arith.addi %add3A_330, %squeeze3A_332 : i32
      %slice3A_334 = vector.extract_strided_slice %add3A_318 {offsets = [6], sizes = [1], strides = [1]} : vector<16xi32> to vector<1xi32>
      %squeeze3A_335 = vector.extract %slice3A_334[0] : i32 from vector<1xi32>
      %add3A_336 = arith.addi %add3A_333, %squeeze3A_335 : i32
      %slice3A_337 = vector.extract_strided_slice %add3A_318 {offsets = [7], sizes = [1], strides = [1]} : vector<16xi32> to vector<1xi32>
      %squeeze3A_338 = vector.extract %slice3A_337[0] : i32 from vector<1xi32>
      %add3A_339 = arith.addi %add3A_336, %squeeze3A_338 : i32
      %slice3A_340 = vector.extract_strided_slice %add3A_318 {offsets = [8], sizes = [1], strides = [1]} : vector<16xi32> to vector<1xi32>
      %squeeze3A_341 = vector.extract %slice3A_340[0] : i32 from vector<1xi32>
      %add3A_342 = arith.addi %add3A_339, %squeeze3A_341 : i32
      %slice3A_343 = vector.extract_strided_slice %add3A_318 {offsets = [9], sizes = [1], strides = [1]} : vector<16xi32> to vector<1xi32>
      %squeeze3A_344 = vector.extract %slice3A_343[0] : i32 from vector<1xi32>
      %add3A_345 = arith.addi %add3A_342, %squeeze3A_344 : i32
      %slice3A_346 = vector.extract_strided_slice %add3A_318 {offsets = [10], sizes = [1], strides = [1]} : vector<16xi32> to vector<1xi32>
      %squeeze3A_347 = vector.extract %slice3A_346[0] : i32 from vector<1xi32>
      %add3A_348 = arith.addi %add3A_345, %squeeze3A_347 : i32
      %slice3A_349 = vector.extract_strided_slice %add3A_318 {offsets = [11], sizes = [1], strides = [1]} : vector<16xi32> to vector<1xi32>
      %squeeze3A_350 = vector.extract %slice3A_349[0] : i32 from vector<1xi32>
      %add3A_351 = arith.addi %add3A_348, %squeeze3A_350 : i32
      %slice3A_352 = vector.extract_strided_slice %add3A_318 {offsets = [12], sizes = [1], strides = [1]} : vector<16xi32> to vector<1xi32>
      %squeeze3A_353 = vector.extract %slice3A_352[0] : i32 from vector<1xi32>
      %add3A_354 = arith.addi %add3A_351, %squeeze3A_353 : i32
      %slice3A_355 = vector.extract_strided_slice %add3A_318 {offsets = [13], sizes = [1], strides = [1]} : vector<16xi32> to vector<1xi32>
      %squeeze3A_356 = vector.extract %slice3A_355[0] : i32 from vector<1xi32>
      %add3A_357 = arith.addi %add3A_354, %squeeze3A_356 : i32
      %slice3A_358 = vector.extract_strided_slice %add3A_318 {offsets = [14], sizes = [1], strides = [1]} : vector<16xi32> to vector<1xi32>
      %squeeze3A_359 = vector.extract %slice3A_358[0] : i32 from vector<1xi32>
      %add3A_360 = arith.addi %add3A_357, %squeeze3A_359 : i32
      %slice3A_361 = vector.extract_strided_slice %add3A_318 {offsets = [15], sizes = [1], strides = [1]} : vector<16xi32> to vector<1xi32>
      %squeeze3A_362 = vector.extract %slice3A_361[0] : i32 from vector<1xi32>
      %add3A_363 = arith.addi %add3A_360, %squeeze3A_362 : i32
      %convert_element_type3A_364 = arith.sitofp %add3A_363 : i32 to f32
      %mul3A_365 = arith.constant 2.71267363E-5 : f32
      %mul3A_366 = arith.mulf %convert_element_type3A_364, %mul3A_365 : f32
      %broadcast_in_dim3A_367 = vector.broadcast %mul3A_366 : f32 to vector<16xf32>
      %swap3A_368 = arith.constant 0 : index
      %swap3A_369 = tpu.vector_load %arg14[%swap3A_368] {strides = array<i32>} : memref<16xf32, #tpu.memory_space<vmem>>, vector<16xf32>,
      %swap3A_370 = vector.shape_cast %swap3A_369 : vector<16xf32> to vector<16xf32>
      %swap3A_371 = vector.shape_cast %broadcast_in_dim3A_367 : vector<16xf32> to vector<16xf32>
      tpu.vector_store %arg14[%swap3A_368], %swap3A_371 {strides = array<i32>} : memref<16xf32, #tpu.memory_space<vmem>>, vector<16xf32>,
      "tpu.region"() ({
        %run_scoped3A_372 = tpu.sem_alloc : memref<!tpu.dma_semaphore, #tpu.memory_space<semaphore_mem>>
        tpu.enqueue_dma source(%arg14 : memref<16xf32, #tpu.memory_space<vmem>>) target(%arg4 : memref<16xf32, #tpu.memory_space<hbm>>) target_semaphore(%run_scoped3A_372 : memref<!tpu.dma_semaphore, #tpu.memory_space<semaphore_mem>>)
        tpu.wait_dma2 semaphore(%run_scoped3A_372 : memref<!tpu.dma_semaphore, #tpu.memory_space<semaphore_mem>>) src(%arg14 : memref<16xf32, #tpu.memory_space<vmem>>) dst(%arg4 : memref<16xf32, #tpu.memory_space<hbm>>)
        tpu.yield
      }) : () -> ()
    } else {
    }
    return
  }
}

module attributes {stable_mosaic.version = 14 : i64} {
  func.func @body(%arg0: i32, %arg1: memref<4608x64xf32, #tpu.memory_space<vmem>>, %arg2: memref<1x8xf32, #tpu.memory_space<vmem>>, %arg3: memref<4608x64xf32, #tpu.memory_space<vmem>>, %arg4: memref<1x1xf32, #tpu.memory_space<vmem>>, %arg5: memref<1x64xf32, #tpu.memory_space<vmem>>) attributes {dimension_semantics = [#tpu.dimension_semantics<arbitrary>], iteration_bounds = array<i64: 8>, scalar_prefetch = 0 : i64, scratch_operands = 1 : i64, tpu.core_type = #tpu.core_type<tc>, window_params = [{transform_indices = @transform_0, window_bounds = array<i64: 4608, 64>}, {pipeline_mode = #tpu.pipeline_mode<synchronous>, transform_indices = @transform_1, window_bounds = array<i64: 1, 8>}, {transform_indices = @transform_2, window_bounds = array<i64: 4608, 64>}, {pipeline_mode = #tpu.pipeline_mode<synchronous>, transform_indices = @transform_3, window_bounds = array<i64: 1, 1>}]} {
    %get3A = arith.constant 0 : index
    %get3A_0 = arith.constant 0 : index
    %get3A_1 = vector.load %arg1[%get3A, %get3A_0] : memref<4608x64xf32, #tpu.memory_space<vmem>>, vector<4608x64xf32>
    %get3A_2 = arith.constant 0 : index
    %get3A_3 = arith.constant 0 : index
    %get3A_4 = vector.load %arg2[%get3A_2, %get3A_3] : memref<1x8xf32, #tpu.memory_space<vmem>>, vector<1x1xf32>
    %get3A_5 = vector.extract %get3A_4[0, 0] : f32 from vector<1x1xf32>
    %get3A_6 = arith.constant 0 : index
    %get3A_7 = arith.constant 7 : index
    %get3A_8 = vector.load %arg2[%get3A_6, %get3A_7] : memref<1x8xf32, #tpu.memory_space<vmem>>, vector<1x1xf32>
    %get3A_9 = vector.extract %get3A_8[0, 0] : f32 from vector<1x1xf32>
    %sub3A = arith.subf %get3A_9, %get3A_5 : f32
    %mul3A = arith.constant 0.142857149 : f32
    %mul3A_10 = arith.mulf %sub3A, %mul3A : f32
    %add3A = arith.addf %get3A_1, %get3A_1 : vector<4608x64xf32>
    %exp3A = math.exp %add3A : vector<4608x64xf32>
    %add3A_11 = arith.constant 1.000000e+00 : f32
    %add3A_12 = vector.broadcast %add3A_11 : f32 to vector<4608x64xf32>
    %add3A_13 = arith.addf %exp3A, %add3A_12 : vector<4608x64xf32>
    %div3A = arith.constant 1.000000e+00 : f32
    %div3A_14 = vector.broadcast %div3A : f32 to vector<4608x64xf32>
    %div3A_15 = arith.divf %div3A_14, %add3A_13 : vector<4608x64xf32>
    %add3A_16 = arith.addf %div3A_15, %div3A_15 : vector<4608x64xf32>
    %sub3A_17 = arith.constant 1.000000e+00 : f32
    %sub3A_18 = vector.broadcast %sub3A_17 : f32 to vector<4608x64xf32>
    %sub3A_19 = arith.subf %sub3A_18, %add3A_16 : vector<4608x64xf32>
    %mul3A_20 = arith.constant 7.000000e+00 : f32
    %mul3A_21 = vector.broadcast %mul3A_20 : f32 to vector<4608x64xf32>
    %mul3A_22 = arith.mulf %mul3A_21, %div3A_15 : vector<4608x64xf32>
    %sub3A_23 = arith.constant 7.500000e+00 : f32
    %sub3A_24 = vector.broadcast %sub3A_23 : f32 to vector<4608x64xf32>
    %sub3A_25 = arith.subf %sub3A_24, %mul3A_22 : vector<4608x64xf32>
    %floor3A = math.floor %sub3A_25 : vector<4608x64xf32>
    %mul3A_26 = vector.broadcast %mul3A_10 : f32 to vector<4608x64xf32>
    %mul3A_27 = arith.mulf %floor3A, %mul3A_26 : vector<4608x64xf32>
    %add3A_28 = vector.broadcast %get3A_5 : f32 to vector<4608x64xf32>
    %add3A_29 = arith.addf %add3A_28, %mul3A_27 : vector<4608x64xf32>
    %sub3A_30 = arith.subf %add3A_29, %sub3A_19 : vector<4608x64xf32>
    %add3A_31 = arith.addf %sub3A_19, %sub3A_30 : vector<4608x64xf32>
    %swap3A = arith.constant 0 : index
    %swap3A_32 = arith.constant 0 : index
    %swap3A_33 = vector.load %arg3[%swap3A, %swap3A_32] : memref<4608x64xf32, #tpu.memory_space<vmem>>, vector<4608x64xf32>
    tpu.vector_store %arg3[%swap3A, %swap3A_32], %add3A_31 {strides = array<i32>} : memref<4608x64xf32, #tpu.memory_space<vmem>>, vector<4608x64xf32>,
    %sub3A_34 = arith.subf %add3A_29, %sub3A_19 : vector<4608x64xf32>
    %eq3A = arith.constant 0 : i32
    %eq3A_35 = arith.cmpi eq, %arg0, %eq3A : i32
    %convert_element_type3A = arith.extui %eq3A_35 : i1 to i32
    %cond3A = arith.constant 0 : i32
    %cond3A_36 = arith.cmpi ne, %convert_element_type3A, %cond3A : i32
    scf.if %cond3A_36 {
      %broadcast_in_dim3A_51 = arith.constant 0.000000e+00 : f32
      %broadcast_in_dim3A_52 = vector.broadcast %broadcast_in_dim3A_51 : f32 to vector<1x64xf32>
      %swap3A_53 = arith.constant 0 : index
      %swap3A_54 = arith.constant 0 : index
      %swap3A_55 = vector.load %arg5[%swap3A_53, %swap3A_54] : memref<1x64xf32, #tpu.memory_space<vmem>>, vector<1x64xf32>
      tpu.vector_store %arg5[%swap3A_53, %swap3A_54], %broadcast_in_dim3A_52 {strides = array<i32>} : memref<1x64xf32, #tpu.memory_space<vmem>>, vector<1x64xf32>,
    } else {
    }
    %get3A_37 = arith.constant 0 : index
    %get3A_38 = arith.constant 0 : index
    %get3A_39 = vector.load %arg5[%get3A_37, %get3A_38] : memref<1x64xf32, #tpu.memory_space<vmem>>, vector<1x64xf32>
    %mul3A_40 = arith.mulf %sub3A_34, %sub3A_34 : vector<4608x64xf32>
    %reduce_sum3A = arith.constant dense<0.000000e+00> : vector<64xf32>
    %reduce_sum3A_41 = vector.multi_reduction <add>, %mul3A_40, %reduce_sum3A [0] : vector<4608x64xf32> to vector<64xf32>
    %broadcast_in_dim3A = vector.shape_cast %reduce_sum3A_41 : vector<64xf32> to vector<1x64xf32>
    %add3A_42 = arith.addf %get3A_39, %broadcast_in_dim3A : vector<1x64xf32>
    %swap3A_43 = arith.constant 0 : index
    %swap3A_44 = arith.constant 0 : index
    %swap3A_45 = vector.load %arg5[%swap3A_43, %swap3A_44] : memref<1x64xf32, #tpu.memory_space<vmem>>, vector<1x64xf32>
    tpu.vector_store %arg5[%swap3A_43, %swap3A_44], %add3A_42 {strides = array<i32>} : memref<1x64xf32, #tpu.memory_space<vmem>>, vector<1x64xf32>,
    %eq3A_46 = arith.constant 7 : i32
    %eq3A_47 = arith.cmpi eq, %arg0, %eq3A_46 : i32
    %convert_element_type3A_48 = arith.extui %eq3A_47 : i1 to i32
    %cond3A_49 = arith.constant 0 : i32
    %cond3A_50 = arith.cmpi ne, %convert_element_type3A_48, %cond3A_49 : i32
    scf.if %cond3A_50 {
      %get3A_51 = arith.constant 0 : index
      %get3A_52 = arith.constant 0 : index
      %get3A_53 = vector.load %arg5[%get3A_51, %get3A_52] : memref<1x64xf32, #tpu.memory_space<vmem>>, vector<1x64xf32>
      %reduce_sum3A_54 = vector.shape_cast %get3A_53 : vector<1x64xf32> to vector<1x1x64xf32>
      %reduce_sum3A_55 = arith.constant dense<0.000000e+00> : vector<1xf32>
      %reduce_sum3A_56 = vector.multi_reduction <add>, %reduce_sum3A_54, %reduce_sum3A_55 [1, 2] : vector<1x1x64xf32> to vector<1xf32>
      %reduce_sum3A_57 = vector.shape_cast %reduce_sum3A_56 : vector<1xf32> to vector<1x1x1xf32>
      %reduce_sum3A_58 = vector.extract %reduce_sum3A_57[0, 0, 0] : f32 from vector<1x1x1xf32>
      %broadcast_in_dim3A_59 = vector.broadcast %reduce_sum3A_58 : f32 to vector<1x1xf32>
      %mul3A_60 = arith.constant 5.2981909E-7 : f32
      %mul3A_61 = vector.broadcast %mul3A_60 : f32 to vector<1x1xf32>
      %mul3A_62 = arith.mulf %broadcast_in_dim3A_59, %mul3A_61 : vector<1x1xf32>
      %swap3A_63 = arith.constant 0 : index
      %swap3A_64 = arith.constant 0 : index
      %swap3A_65 = vector.load %arg4[%swap3A_63, %swap3A_64] : memref<1x1xf32, #tpu.memory_space<vmem>>, vector<1x1xf32>
      tpu.vector_store %arg4[%swap3A_63, %swap3A_64], %mul3A_62 {strides = array<i32>} : memref<1x1xf32, #tpu.memory_space<vmem>>, vector<1x1xf32>,
    } else {
    }
    return
  }
  func.func @transform_0(%arg0: i32) -> (i32, i32) {
    %c0_i32 = arith.constant 0 : i32
    %c0_i32_0 = arith.constant 0 : i32
    return %arg0, %c0_i32 : i32, i32
  }
  func.func @transform_1(%arg0: i32) -> (i32, i32) {
    %c0_i32 = arith.constant 0 : i32
    %c0_i32_0 = arith.constant 0 : i32
    %c0_i32_1 = arith.constant 0 : i32
    return %c0_i32, %c0_i32_0 : i32, i32
  }
  func.func @transform_2(%arg0: i32) -> (i32, i32) {
    %c0_i32 = arith.constant 0 : i32
    %c0_i32_0 = arith.constant 0 : i32
    return %arg0, %c0_i32 : i32, i32
  }
  func.func @transform_3(%arg0: i32) -> (i32, i32) {
    %c0_i32 = arith.constant 0 : i32
    %c0_i32_0 = arith.constant 0 : i32
    %c0_i32_1 = arith.constant 0 : i32
    return %c0_i32, %c0_i32_0 : i32, i32
  }
}

</mosaic_0001>

<sc_bundles>
// kernel: kernel.4.cloned.1.call-start
scs
__scs_entry_jumppad:
0x0: {  	(pc) =	sbr.rel $0x88, $3  }
0x1: {  	(tag) =	ssettag $0x0;
	lr =	simm.s32 $0x1  }
0x2: {  	[smem:$0x3F9F] =	sst lr;
	_ =	strace $0xD0000000  }
0x3: {  	_ = 	snop  }
0x4: {  	_ = 	snop  }
0x5: {  	_ = 	snop  }
0x6: {  	_ = 	snop  }
0x7: {  	_ = 	snop  }
__scs_overlays_trampoline_lowered:
0x8: {  	[smem:$0x3FAE] =	sst s0  }
0x9: {  	[smem:$0x3FAF] =	sst s1  }
0xa: {  	[smem:$0x3FB0] =	sst s2  }
0xb: {  	[smem:$0x3FB1] =	sst s3  }
0xc: {  	[smem:$0x3FB2] =	sst s4  }
0xd: {  	[smem:$0x3FB3] =	sst s5  }
0xe: {  	[smem:$0x3FB4] =	sst s6  }
0xf: {  	[smem:$0x3FB5] =	sst s7  }
0x10: {  	[smem:$0x3FB6] =	sst s8  }
0x11: {  	[smem:$0x3FB7] =	sst s9;
	s0 =	simm.s32 @!p0 $0x0  }
0x12: {  	s1 =	sld [smem:$0x3F9D];
	s0 =	simm.s32 @p0 $0x1  }
0x13: {  	[smem:$0x3FB8] =	sst s0;
	s0 =	simm.s32 @!p1 $0x0  }
0x14: {  	s2 =	sld [smem:$0x3F9C];
	s0 =	simm.s32 @p1 $0x1  }
0x15: {  	[smem:$0x3FB9] =	sst s0;
	s0 =	simm.s32 @!p2 $0x0  }
0x16: {  	s3 =	sld [smem:$0x3FDB];
	s0 =	simm.s32 @p2 $0x1  }
0x17: {  	s4 =	simm.s32 $0x1BF5;
	[smem:$0x3FBB] =	sst s0  }
0x18: {  	s0 =	sld [smem:$0x3F9E];
	_ =	swait.ge [sflag:s4], $0x0  }
0x19: {  	s7 =	sld [smem:$0x3F9F]  }
0x1a: {  	s8 =	sadd.s32 $0xFFFFE003, lr  }
0x1b: {  	s9 =	sadd.s32 $0xFFFFFEF7, lr;
	s5 =	simm.s32 $0xFFFFFFFF;
	p2 =	slt.u32 s8, $0xFFFFF086  }
0x1c: {  	p1 =	slt.u32 s9, $0xF7A;
	s5 =	simm.s32 @!p2 $0x0  }
0x1d: {  	s5 =	simm.s32 @p1 $0x1;
	p0 =	seq.s32 s7, s2  }
0x1e: {  	s7 =	smul.u32 @!p0 $0xF7A, s2;
	p2 =	seq.s32 @!p0 s5, $0x0  }
0x1f: {  	s9 =	smul.u32 $0xF7A, s1;
	s8 =	simm.s32 @!p0 $0x1BF5;
	p2 =	por !p2, p0  }
0x20: {  	[sflag:s8] =	ssyncset.s32 @!p0 $0xFFFFF086;
	s6 =	sadd.s32 @!p0 s3, s7;
	s7 =	simm.s32 @!p0 $0x108  }
0x21: {  	s3 =	sadd.s32 s3, s9;
	s6 =	sadd.s32 @!p0 $0x88, s6;
	s7 =	simm.s32 @p2 $0x1082  }
0x22: {  	[simem:s7], [sflag:s8] =	dma.local @!p0 [hbm:s6], $0xF7A  }
0x23: {  	s9 =	sor.u32 $0xD0000000, s2;
	s6 =	simm.s32 $0x108;
	_ =	swait.ge @!p0 [sflag:s8], $0x0  }
0x24: {  	s3 =	sadd.s32 $0x88, s3;
	s6 =	simm.s32 @!p1 $0x1082;
	[sflag:s4] =	ssyncset.s32 $0xFFFFF086  }
0x25: {  	[simem:s6], [sflag:s4] =	dma.local [hbm:s3], $0xF7A  }
0x26: {  	[smem:$0x3F9F] =	sst s1;
	(tag) =	ssettag s2;
	_ =	strace s9  }
0x27: {  	s1 =	sld [smem:$0x3FAF]  }
0x28: {  	s2 =	sld [smem:$0x3FB0]  }
0x29: {  	s4 =	sld [smem:$0x3FB2]  }
0x2a: {  	p0 =	seq.s32 s5, $0x0;
	s5 =	sld [smem:$0x3FB3]  }
0x2b: {  	s6 =	sld [smem:$0x3FB4]  }
0x2c: {  	s7 =	sld [smem:$0x3FB5]  }
0x2d: {  	s3 =	simm.s32 $0x108;
	s8 =	sld [smem:$0x3FB6]  }
0x2e: {  	s3 =	simm.s32 @!p0 $0x1082;
	s9 =	sld [smem:$0x3FB7]  }
0x2f: {  	lr =	sadd.s32 s0, s3;
	s0 =	sld [smem:$0x3FAE]  }
0x30: {  	s3 =	sld [smem:$0x3FB1]  }
0x31: {  	[smem:$0x3FBA] =	sst s10  }
0x32: {  	s10 =	sld [smem:$0x3FB8];
	_ =	sdelay $0x3  }
0x33: {  	p0 =	seq.s32 s10, $0x1;
	s10 =	sld [smem:$0x3FBA];
	_ =	sdelay $0x3  }
0x34: {  	[smem:$0x3FBA] =	sst s10  }
0x35: {  	s10 =	sld [smem:$0x3FB9];
	_ =	sdelay $0x3  }
0x36: {  	p1 =	seq.s32 s10, $0x1;
	s10 =	sld [smem:$0x3FBA];
	_ =	sdelay $0x3  }
0x37: {  	[smem:$0x3FBA] =	sst s10  }
0x38: {  	s10 =	sld [smem:$0x3FBB]  }
0x39: {  	_ = 	snop;
	(pc) =	sbr.ind lr, $3  }
0x3a: {  	_ = 	snop  }
0x3b: {  	_ = 	snop  }
0x3c: {  	p2 =	seq.s32 s10, $0x1;
	s10 =	sld [smem:$0x3FBA]  }
0x3d: {  	_ =	shalt  }
0x3e: {  	_ =	shalt  }
0x3f: {  	_ =	shalt  }
0x40: {  	_ =	shalt  }
0x41: {  	_ =	shalt  }
0x42: {  	_ =	shalt  }
0x43: {  	_ =	shalt  }
0x44: {  	_ =	shalt  }
0x45: {  	_ =	shalt  }
0x46: {  	_ =	shalt  }
0x47: {  	_ =	shalt  }
0x48: {  	_ =	shalt  }
0x49: {  	_ =	shalt  }
0x4a: {  	_ =	shalt  }
0x4b: {  	_ =	shalt  }
0x4c: {  	_ =	shalt  }
0x4d: {  	_ =	shalt  }
0x4e: {  	_ =	shalt  }
0x4f: {  	_ =	shalt  }
0x50: {  	_ =	shalt  }
0x51: {  	_ =	shalt  }
0x52: {  	_ =	shalt  }
0x53: {  	_ =	shalt  }
0x54: {  	_ =	shalt  }
0x55: {  	_ =	shalt  }
0x56: {  	_ =	shalt  }
0x57: {  	_ =	shalt  }
0x58: {  	_ =	shalt  }
0x59: {  	_ =	shalt  }
0x5a: {  	_ =	shalt  }
0x5b: {  	_ =	shalt  }
0x5c: {  	_ =	shalt  }
0x5d: {  	_ =	shalt  }
0x5e: {  	_ =	shalt  }
0x5f: {  	_ =	shalt  }
0x60: {  	_ =	shalt  }
0x61: {  	_ =	shalt  }
0x62: {  	_ =	shalt  }
0x63: {  	_ =	shalt  }
0x64: {  	_ =	shalt  }
0x65: {  	_ =	shalt  }
0x66: {  	_ =	shalt  }
0x67: {  	_ =	shalt  }
0x68: {  	_ =	shalt  }
0x69: {  	_ =	shalt  }
0x6a: {  	_ =	shalt  }
0x6b: {  	_ =	shalt  }
0x6c: {  	_ =	shalt  }
0x6d: {  	_ =	shalt  }
0x6e: {  	_ =	shalt  }
0x6f: {  	_ =	shalt  }
0x70: {  	_ =	shalt  }
0x71: {  	_ =	shalt  }
0x72: {  	_ =	shalt  }
0x73: {  	_ =	shalt  }
0x74: {  	_ =	shalt  }
0x75: {  	_ =	shalt  }
0x76: {  	_ =	shalt  }
0x77: {  	_ =	shalt  }
0x78: {  	_ =	shalt  }
0x79: {  	_ =	shalt  }
0x7a: {  	_ =	shalt  }
0x7b: {  	_ =	shalt  }
0x7c: {  	_ =	shalt  }
0x7d: {  	_ =	shalt  }
0x7e: {  	_ =	shalt  }
0x7f: {  	_ =	shalt  }
0x80: {  	_ =	shalt  }
0x81: {  	_ =	shalt  }
0x82: {  	_ =	shalt  }
0x83: {  	_ =	shalt  }
0x84: {  	_ =	shalt  }
0x85: {  	_ =	shalt  }
0x86: {  	_ =	shalt  }
0x87: {  	_ =	shalt  }
.Lfunc_end0:
.L_simem_size_0:
called_computation_lowered:
.L_overlay_start_0:
0x88: {  	s0 =	sld [smem:$0x3FD9]  }
0x89: {  	s1 =	sld [smem:$0x3FFE];
	_ =	sdelay $0x3  }
0x8a: {  	s0 =	sadd.s32 s1, s0  }
0x8b: {  	[smem:$0x3FC6] =	sst s0  }
0x8c: {  	_ = 	snop  }
0x8d: {  	s0 =	sld [smem:$0x3FD0];
	_ =	sdelay $0x2  }
0x8e: {  	s13 =	simm.s32 $0xA;
	s2 =	simm.s32 $0x10  }
0x8f: {  	[smem:s2], [sflag:s13] =	dma.local [hbm:s0], $0x1  }
0x90: {  	_ =	swait.eq [sflag:s13], $0x1  }
0x91: {  	[sflag:s13] =	ssyncset.done $0x0  }
0x92: {  	s14 =	sld [smem:$0x11];
	[sflag:s13] =	ssyncadd.s32 $0xFFFFFFFF  }
0x93: {  	s15 =	sld [smem:$0x13];
	(tm) =	ssettm $0x1  }
0x94: {  	s16 =	sld [smem:$0x3FFB];
	_ =	sdelay $0x3  }
0x95: {  	_ =	strace s16  }
0x96: {  	s2 =	sld [smem:$0x3FFC];
	_ =	sdelay $0x3  }
0x97: {  	_ =	strace s2  }
0x98: {  	s2 =	sld [smem:$0x3FFD];
	_ =	sdelay $0x3  }
0x99: {  	_ =	strace s2  }
0x9a: {  	_ =	strace $0x8FFFFFFF  }
0x9b: {  	s17 =	sld [smem:$0x3FDB];
	_ =	sdelay $0x1  }
0x9c: {  	s3 =	simm.s32 $_scs_section_size  }
0x9d: {  	s4 =	simm.s32 $_size__tile_overlayer_lowered;
	s5 =	simm.s32 $_tile_overlayer_lowered  }
0x9e: {  	s20 =	simm.s32 $0x1BFF;
	s19 =	sshll.u32 s5, $0x1;
	s2 =	sadd.s32 s3, s17  }
0x9f: {  	s6 =	simm.s32 $0x0;
	s18 =	sshll.u32 s4, $0x1;
	s4 =	sadd.s32 s19, s2  }
0xa0: {  	[timem:s6], [sflag:s20] =	dma.local [hbm:s4], s18  }
0xa1: {  	_ =	swait.ge [sflag:s20], s18  }
0xa2: {  	s3 =	ssub.s32 $0x0, s18;
	[sflag:s20] =	ssyncset.done $0x0  }
0xa3: {  	[sflag:s20] =	ssyncadd.s32 s3;
	_ =	sdelay $0x1  }
0xa4: {  	s21 =	simm.s32 $0x1B8B  }
0xa5: {  	_ =	swait.ge [sflag:s21], $0x1  }
0xa6: {  	[sflag:s21] =	ssyncset.done $0x0  }
0xa7: {  	s23 =	simm.s32 $0x1B8E;
	s22 =	sld [smem:$0x3FFE];
	[sflag:s21] =	ssyncadd.s32 $0xFFFFFFFF  }
0xa8: {  	s24 =	simm.s32 $execute0_lowered;
	[smem:$0x3FD2] =	sst s23  }
0xa9: {  	s4 =	sshll.u32 s24, $0x1;
	_ =	strace $0x80000046;
	[dreg:$0x1] =	wrdreg $0xFFFFFFFF  }
0xaa: {  	s25 =	simm.s32 $_size_execute0_lowered;
	s2 =	sadd.s32 s2, s4;
	[dreg:$0x0] =	wrdreg $0x0  }
0xab: {  	s4 =	sshll.u32 s25, $0x1;
	[dreg:$0x2] =	wrdreg s2  }
0xac: {  	[dreg:$0x3] =	wrdreg s4  }
0xad: {  	[dreg:$0x4] =	wrdreg $0xC0  }
0xae: {  	_ =	task [dreg:s6], $0x5FFFF  }
0xaf: {  	[dreg:$0x1] =	wrdreg $0xFFFFFFFF  }
0xb0: {  	[dreg:$0x0] =	wrdreg $0x60  }
0xb1: {  	[dreg:$0x2] =	wrdreg s22  }
0xb2: {  	[dreg:$0x3] =	wrdreg s14  }
0xb3: {  	[dreg:$0x4] =	wrdreg s15  }
0xb4: {  	[dreg:$0x5] =	wrdreg $0x2FA00  }
0xb5: {  	[dreg:$0x6] =	wrdreg $0x30A00  }
0xb6: {  	[dreg:$0x7] =	wrdreg $0x9  }
0xb7: {  	_ =	task.clear_ibuf [dreg:s6], $0x8FFFF;
	_ =	strace $0x90000046  }
0xb8: {  	s26 =	simm.s32 $0x9;
	_ =	strace $0x80000048  }
0xb9: {  	_ =	swait.ge [sflag:s26], $0x1  }
0xba: {  	[sflag:s26] =	ssyncadd.s32 $0xFFFFFFFF  }
0xbb: {  	_ =	strace $0x90000048  }
0xbc: {  	_ =	sfence  }
0xbd: {  	s28 =	sld [smem:$0x0];
	_ =	sdelay $0x1  }
0xbe: {  	s29 =	srdreg.scid  }
0xbf: {  	s30 =	sshll.u32 s29, $0xD;
	s31 =	sshrl.u32 s29, $0x2  }
0xc0: {  	s1 =	sand.u32 $0x1, s29;
	s2 =	sand.u32 $0x4000, s30;
	s0 =	sadd.s32 s31, s28  }
0xc1: {  	s1 =	sor.u32 s2, s1;
	s0 =	sshll.u32 s0, $0x11  }
0xc2: {  	s0 =	sor.u32 s0, s1  }
0xc3: {  	s0 =	sadd.s32 $0x8F2B, s0  }
0xc4: {  	[sflag:s0] =	ssyncadd.remote.s32 $0x1  }
0xc5: {  	_ =	sfence.sel $0xFFFF  }
0xc6: {  	[dreg:$0x0] =	wrdreg $0xFFFFFFFF;
	(pc) =	sbr.abs _section_cstart, $3  }
0xc7: {  	[dreg:$0x1] =	wrdreg $0xFFFFFFFF  }
0xc8: {  	_ =	task.clear_ibuf [dreg:s6], $0x2FFFF;
	_ =	strace $0x9FFFFFFF  }
0xc9: {  	(tm) =	ssettm $0x7FFFFFFF  }
tec
execute0_lowered:
.L_overlay_start_1:
0x0: {  	(tag) =	ssettag $0x1  }
0x1: {  	s5 =	rddreg [dreg:$0x0]  }
0x2: {  	s6 =	rddreg [dreg:$0x1]  }
0x3: {  	s1 =	rddreg [dreg:$0x2];
	s3 =	stileid.u32  }
0x4: {  	s4 =	rddreg [dreg:$0x3];
	s7 =	smul.u32 $0x900, s3  }
0x5: {  	s2 =	rddreg [dreg:$0x4]  }
0x6: {  	s0 =	rddreg [dreg:$0x5];
	s8 =	simm.s32 $0x0;
	s7 =	sshrl.u32 s7, $0x3  }
0x7: {  	[smem:$0x7FF] =	sst s8;
	s5 =	sadd.s32 s7, s5  }
0x8: {  	s25 =	simm.s32 $0x1;
	_ =	strace $0x80000047;
	s7 =	sadd.s32 $0xC00, s5  }
0x9: {  	[tilespmem:s8], [sflag:$0x1] =	stream.linear.gather [hbm4b:s7+s8], $0x900, $0x38;
	[tilespmem:$0x30B0] =	vst v63  }
0xa: {  	_ =	swait.ge [sflag:s25], $0x900  }
0xb: {  	[sflag:s25] =	ssyncset.done $0x0  }
0xc: {  	s10 =	simm.s32 $0x900;
	s9 =	sadd.s32 $0x1E00, s5;
	[sflag:s25] =	ssyncadd.s32 $0xFFFFF700  }
0xd: {  	[tilespmem:s10], [sflag:$0x1] =	stream.linear.gather [hbm4b:s9+s8], $0x900, $0x38;
	[tilespmem:$0x30B0] =	vst v63  }
0xe: {  	_ =	swait.ge [sflag:s25], $0x900  }
0xf: {  	[sflag:s25] =	ssyncset.done $0x0  }
0x10: {  	s28 =	simm.s32 $0x1200;
	s26 =	sadd.s32 $0x3000, s5;
	[sflag:s25] =	ssyncadd.s32 $0xFFFFF700  }
0x11: {  	[tilespmem:s28], [sflag:$0x1] =	stream.linear.gather [hbm4b:s26+s8], $0x900, $0x38;
	[tilespmem:$0x30B0] =	vst v63  }
0x12: {  	_ =	swait.ge [sflag:s25], $0x900  }
0x13: {  	[sflag:s25] =	ssyncset.done $0x0  }
0x14: {  	s29 =	simm.s32 $0x1B00;
	s5 =	sadd.s32 $0x4200, s5;
	[sflag:s25] =	ssyncadd.s32 $0xFFFFF700  }
0x15: {  	[tilespmem:s29], [sflag:$0x1] =	stream.linear.gather [hbm4b:s5+s8], $0x900, $0x38;
	[tilespmem:$0x30B0] =	vst v63  }
0x16: {  	_ =	swait.ge [sflag:s25], $0x900  }
0x17: {  	[sflag:s25] =	ssyncset.done $0x0  }
0x18: {  	v0 =	vimm.s32 $0x1;
	[sflag:s25] =	ssyncadd.s32 $0xFFFFF700  }
0x19: {  	[tilespmem:$0x2D00] =	vst v0  }
0x1a: {  	[tilespmem:$0x2D10] =	vst v0  }
0x1b: {  	[tilespmem:$0x2D20] =	vst v0  }
0x1c: {  	[tilespmem:$0x2D30] =	vst v0  }
0x1d: {  	[tilespmem:$0x2D40] =	vst v0  }
0x1e: {  	[tilespmem:$0x2D50] =	vst v0  }
0x1f: {  	[tilespmem:$0x2D60] =	vst v0  }
0x20: {  	[tilespmem:$0x2D70] =	vst v0;
	v0 =	vimm.s32 $0x0  }
0x21: {  	[tilespmem:$0x2D80] =	vst v0  }
0x22: {  	[tilespmem:$0x2D90] =	vst v0  }
0x23: {  	[tilespmem:$0x2DA0] =	vst v0  }
0x24: {  	[tilespmem:$0x2DB0] =	vst v0  }
0x25: {  	[tilespmem:$0x2DC0] =	vst v0  }
0x26: {  	[tilespmem:$0x2DD0] =	vst v0  }
0x27: {  	[tilespmem:$0x2DE0] =	vst v0  }
0x28: {  	[tilespmem:$0x2DF0] =	vst v0  }
0x29: {  	[tilespmem:$0x2E00] =	vst v0  }
0x2a: {  	[tilespmem:$0x2E10] =	vst v0  }
0x2b: {  	[tilespmem:$0x2E20] =	vst v0  }
0x2c: {  	[tilespmem:$0x2E30] =	vst v0  }
0x2d: {  	[tilespmem:$0x2E40] =	vst v0  }
0x2e: {  	[tilespmem:$0x2E50] =	vst v0  }
0x2f: {  	s30 =	sshll.u32 s3, $0x8;
	[tilespmem:$0x2E60] =	vst v0  }
0x30: {  	s31 =	simm.s32 $0x2D80;
	s5 =	sadd.s32 s30, s4;
	[tilespmem:$0x2E70] =	vst v0  }
0x31: {  	[spmem:s5] =	stream.linear.scatter [tilespmem:s31], [sflag:$0x1], $0x100, $0x38;
	[tilespmem:$0x30B0] =	vst v63  }
0x32: {  	_ =	swait.ge [sflag:s25], $0x100  }
0x33: {  	[sflag:s25] =	ssyncset.done $0x0  }
0x34: {  	s7 =	simm.s32 $0x0;
	[sflag:s25] =	ssyncadd.s32 $0xFFFFFF00  }
0x35: {  	v0 =	vld [tilespmem:s7+$0x1B70]  }
0x36: {  	v1 =	vld [tilespmem:s7+$0x70]  }
0x37: {  	v2 =	vld [tilespmem:s7+$0x970]  }
0x38: {  	v3 =	vld [tilespmem:s7+$0x1270]  }
0x39: {  	v4 =	vld [tilespmem:s7+$0x900]  }
0x3a: {  	v6 =	vld [tilespmem:s7+$0x920]  }
0x3b: {  	v5 =	vld [tilespmem:s7+$0x910];
	v0 =	vadd.f32 v0, v0  }
0x3c: {  	v7 =	vld [tilespmem:s7+$0x930];
	v1 =	vadd.f32 v1, v1;
	v2 =	vadd.f32 v2, v2  }
0x3d: {  	v9 =	vld [tilespmem:s7+$0x950];
	v3 =	vadd.f32 v3, v3;
	v0 =	vmul.f32 $1.442695020e+00, v0  }
0x3e: {  	v8 =	vld [tilespmem:s7+$0x940];
	v4 =	vadd.f32 v4, v4;
	v1 =	vmul.f32 $1.442695020e+00, v1;
	v2 =	vmul.f32 $1.442695020e+00, v2  }
0x3f: {  	v10 =	vld [tilespmem:s7+$0x40];
	v6 =	vadd.f32 v6, v6;
	v3 =	vmul.f32 $1.442695020e+00, v3;
	(erf) = vpow2.f32 v0  }
0x40: {  	v12 =	vld [tilespmem:s7+$0x1240];
	v4 =	vmul.f32 $1.442695020e+00, v4;
	v0 =	vadd.f32 v5, v5;
	(erf) = vpow2.f32 v1  }
0x41: {  	v14 =	vld [tilespmem:s7+$0x50];
	v7 =	vadd.f32 v7, v7;
	v6 =	vmul.f32 $1.442695020e+00, v6;
	(erf) = vpow2.f32 v2  }
0x42: {  	v9 =	vadd.f32 v9, v9;
	v5 =	vld [tilespmem:s7+$0x960];
	v0 =	vmul.f32 $1.442695020e+00, v0;
	(erf) = vpow2.f32 v3  }
0x43: {  	v8 =	vadd.f32 v8, v8;
	v7 =	vmul.f32 $1.442695020e+00, v7;
	v1 =	vld [tilespmem:s7+$0x0];
	(erf) = vpow2.f32 v4  }
0x44: {  	v9 =	vmul.f32 $1.442695020e+00, v9;
	v2 =	vld [tilespmem:s7+$0x1200];
	(erf) = vpow2.f32 v0  }
0x45: {  	v10 =	vadd.f32 v10, v10;
	v8 =	vmul.f32 $1.442695020e+00, v8;
	v3 =	vld [tilespmem:s7+$0x10];
	(erf) = vpow2.f32 v6  }
0x46: {  	v12 =	vadd.f32 v12, v12;
	(erf) = vpow2.f32 v7  }
0x47: {  	v14 =	vadd.f32 v14, v14;
	v10 =	vmul.f32 $1.442695020e+00, v10;
	v4 =	vld [tilespmem:s7+$0x1210];
	(erf) = vpow2.f32 v8  }
0x48: {  	v12 =	vmul.f32 $1.442695020e+00, v12;
	v0 =	vld [tilespmem:s7+$0x20];
	v5 =	vadd.f32 v5, v5;
	(erf) = vpow2.f32 v9;
	v9 =	vpop (erf)  }
0x49: {  	v14 =	vmul.f32 $1.442695020e+00, v14;
	v1 =	vadd.f32 v1, v1;
	v6 =	vld [tilespmem:s7+$0x1220];
	v2 =	vadd.f32 v2, v2;
	v11 =	vpop (erf)  }
0x4a: {  	v7 =	vld [tilespmem:s7+$0x30];
	v5 =	vmul.f32 $1.442695020e+00, v5;
	v3 =	vadd.f32 v3, v3;
	v9 =	vadd.f32 $1.000000000e+00, v9;
	v13 =	vpop (erf)  }
0x4b: {  	v1 =	vmul.f32 $1.442695020e+00, v1;
	v8 =	vld [tilespmem:s7+$0x1230];
	v11 =	vadd.f32 $1.000000000e+00, v11;
	v13 =	vadd.f32 $1.000000000e+00, v13;
	v15 =	vpop (erf)  }
0x4c: {  	v17 =	vld [tilespmem:s7+$0x1B00];
	v2 =	vmul.f32 $1.442695020e+00, v2;
	(erf) = vrcp.f32 v9;
	v15 =	vadd.f32 $1.000000000e+00, v15  }
0x4d: {  	v4 =	vadd.f32 v4, v4;
	v3 =	vmul.f32 $1.442695020e+00, v3;
	v9 =	vld [tilespmem:s7+$0x1250];
	(erf) = vrcp.f32 v11  }
0x4e: {  	v0 =	vadd.f32 v0, v0;
	v6 =	vadd.f32 v6, v6;
	v11 =	vld [tilespmem:s7+$0x60];
	(erf) = vrcp.f32 v13  }
0x4f: {  	v16 =	vld [tilespmem:s7+$0x1260];
	v4 =	vmul.f32 $1.442695020e+00, v4;
	v7 =	vadd.f32 v7, v7;
	(erf) = vrcp.f32 v15;
	v13 =	vpop (erf)  }
0x50: {  	v0 =	vmul.f32 $1.442695020e+00, v0;
	v8 =	vadd.f32 v8, v8;
	v6 =	vmul.f32 $1.442695020e+00, v6;
	v15 =	vpop (erf)  }
0x51: {  	v7 =	vmul.f32 $1.442695020e+00, v7;
	(erf) = vpow2.f32 v5;
	v18 =	vpop (erf)  }
0x52: {  	v8 =	vmul.f32 $1.442695020e+00, v8;
	v9 =	vadd.f32 v9, v9;
	(erf) = vpow2.f32 v1;
	v19 =	vpop (erf)  }
0x53: {  	v5 =	vld [tilespmem:s7+$0x1B10];
	v11 =	vadd.f32 v11, v11;
	(erf) = vpow2.f32 v2;
	v2 =	vadd.f32 v17, v17;
	v20 =	vpop (erf)  }
0x54: {  	v1 =	vmul.f32 $1.442695020e+00, v9;
	v9 =	vadd.f32 v16, v16;
	(erf) = vpow2.f32 v3;
	v21 =	vpop (erf)  }
0x55: {  	v11 =	vmul.f32 $1.442695020e+00, v11;
	v2 =	vmul.f32 $1.442695020e+00, v2;
	v3 =	vpop (erf)  }
0x56: {  	v9 =	vmul.f32 $1.442695020e+00, v9;
	(erf) = vpow2.f32 v4;
	v4 =	vpop (erf)  }
0x57: {  	v3 =	vmul.f32 $7.000000000e+00, v3;
	(erf) = vpow2.f32 v0;
	v17 =	vpop (erf)  }
0x58: {  	v16 =	vld [tilespmem:s7+$0x1B20];
	v5 =	vadd.f32 v5, v5;
	v4 =	vmul.f32 $7.000000000e+00, v4;
	(erf) = vpow2.f32 v6;
	v22 =	vpop (erf)  }
0x59: {  	v23 =	vld [tilespmem:s7+$0x1B30];
	v17 =	vmul.f32 $7.000000000e+00, v17;
	v3 =	vsub.f32 $7.500000000e+00, v3;
	v22 =	vmul.f32 $7.000000000e+00, v22  }
0x5a: {  	v0 =	vld [tilespmem:s7+$0x1B40];
	v5 =	vmul.f32 $1.442695020e+00, v5;
	(erf) = vpow2.f32 v7;
	v4 =	vsub.f32 $7.500000000e+00, v4  }
0x5b: {  	v7 =	vld [tilespmem:s7+$0x1B60];
	(erf) = vpow2.f32 v8;
	v17 =	vsub.f32 $7.500000000e+00, v17;
	v3 =	vtrunc.f32 v3  }
0x5c: {  	v4 =	vtrunc.f32 v4;
	v8 =	vsub.f32 $7.500000000e+00, v22;
	v3 =	vcvt.f32.s32 v3  }
0x5d: {  	v16 =	vadd.f32 v16, v16;
	v17 =	vtrunc.f32 v17;
	v22 =	vpop (erf);
	(erf) = vpow2.f32 v10  }
0x5e: {  	v10 =	vadd.f32 v23, v23;
	v8 =	vtrunc.f32 v8;
	v23 =	vpop (erf);
	(erf) = vpow2.f32 v12  }
0x5f: {  	v6 =	vld [tilespmem:s7+$0x1B50];
	v0 =	vadd.f32 v0, v0;
	v4 =	vcvt.f32.s32 v4;
	v12 =	vpop (erf);
	(erf) = vpow2.f32 v14  }
0x60: {  	v17 =	vcvt.f32.s32 v17;
	v14 =	vpop (erf);
	(erf) = vpow2.f32 v1;
	v1 =	vadd.f32 v7, v7  }
0x61: {  	v7 =	vcvt.f32.s32 v8;
	v8 =	vpop (erf);
	(erf) = vpow2.f32 v11;
	v11 =	vadd.f32 $1.000000000e+00, v13  }
0x62: {  	v13 =	vmul.f32 $1.442695020e+00, v16;
	v16 =	vpop (erf);
	(erf) = vpow2.f32 v9;
	v9 =	vshll.u32 v17, $0x3  }
0x63: {  	v0 =	vmul.f32 $1.442695020e+00, v0;
	v7 =	vshll.u32 v7, $0x6;
	(erf) = vpow2.f32 v2;
	v2 =	vpop (erf)  }
0x64: {  	v6 =	vadd.f32 v6, v6;
	v10 =	vmul.f32 $1.442695020e+00, v10;
	(erf) = vpow2.f32 v5;
	v5 =	vpop (erf)  }
0x65: {  	v3 =	vshll.u32 v3, $0x9;
	v4 =	vadd.s32 v4, v9;
	(erf) = vpow2.f32 v13;
	v9 =	vpop (erf)  }
0x66: {  	v6 =	vmul.f32 $1.442695020e+00, v6;
	v4 =	vadd.s32 v7, v4;
	(erf) = vpow2.f32 v10;
	v7 =	vpop (erf)  }
0x67: {  	v10 =	vmul.f32 $1.442695020e+00, v1;
	v13 =	vpop (erf);
	(erf) = vpow2.f32 v0;
	v0 =	vadd.f32 $1.000000000e+00, v15  }
0x68: {  	v1 =	vadd.s32 v3, v4;
	v3 =	vpop (erf);
	(erf) = vpow2.f32 v6  }
0x69: {  	v15 =	vpop (erf);
	(erf) = vpow2.f32 v10  }
0x6a: {  	v4 =	vadd.f32 $1.000000000e+00, v18;
	v6 =	vadd.f32 $1.000000000e+00, v19;
	(erf) = vrcp.f32 v11;
	v11 =	vpop (erf)  }
0x6b: {  	v10 =	vadd.f32 $1.000000000e+00, v20;
	(erf) = vrcp.f32 v0;
	v0 =	vpop (erf)  }
0x6c: {  	v17 =	vadd.f32 $1.000000000e+00, v21;
	v18 =	vadd.f32 $1.000000000e+00, v23;
	v20 =	vpop (erf);
	(erf) = vrcp.f32 v4  }
0x6d: {  	v4 =	vadd.f32 $1.000000000e+00, v8;
	v8 =	vadd.f32 $1.000000000e+00, v16;
	v16 =	vpop (erf);
	(erf) = vrcp.f32 v6  }
0x6e: {  	v12 =	vadd.f32 $1.000000000e+00, v12;
	v19 =	vadd.f32 $1.000000000e+00, v22;
	v6 =	vpop (erf);
	(erf) = vrcp.f32 v10  }
0x6f: {  	v10 =	vpop (erf);
	(erf) = vrcp.f32 v17  }
0x70: {  	v14 =	vadd.f32 $1.000000000e+00, v14;
	v17 =	vpop (erf);
	(erf) = vrcp.f32 v19  }
0x71: {  	v2 =	vadd.f32 $1.000000000e+00, v2;
	v5 =	vadd.f32 $1.000000000e+00, v5;
	(erf) = vrcp.f32 v18;
	v18 =	vpop (erf)  }
0x72: {  	v9 =	vadd.f32 $1.000000000e+00, v9;
	v7 =	vadd.f32 $1.000000000e+00, v7;
	(erf) = vrcp.f32 v12;
	v12 =	vpop (erf)  }
0x73: {  	v13 =	vadd.f32 $1.000000000e+00, v13;
	v19 =	vadd.f32 $1.000000000e+00, v20;
	v20 =	vpop (erf);
	(erf) = vrcp.f32 v14  }
0x74: {  	v3 =	vadd.f32 $1.000000000e+00, v3;
	v14 =	vmul.f32 $7.000000000e+00, v20;
	v20 =	vpop (erf);
	(erf) = vrcp.f32 v4  }
0x75: {  	v4 =	vadd.f32 $1.000000000e+00, v17;
	v17 =	vmul.f32 $7.000000000e+00, v20;
	(erf) = vrcp.f32 v8;
	v8 =	vpop (erf)  }
0x76: {  	v15 =	vadd.f32 $1.000000000e+00, v15;
	v8 =	vmul.f32 $7.000000000e+00, v8;
	(erf) = vrcp.f32 v2;
	v2 =	vpop (erf)  }
0x77: {  	v11 =	vadd.f32 $1.000000000e+00, v11;
	v2 =	vmul.f32 $7.000000000e+00, v2;
	(erf) = vrcp.f32 v5;
	v5 =	vpop (erf)  }
0x78: {  	v17 =	vsub.f32 $7.500000000e+00, v17;
	v5 =	vmul.f32 $7.000000000e+00, v5;
	(erf) = vrcp.f32 v9;
	v9 =	vpop (erf)  }
0x79: {  	v8 =	vsub.f32 $7.500000000e+00, v8;
	v9 =	vmul.f32 $7.000000000e+00, v9;
	(erf) = vrcp.f32 v7;
	v7 =	vpop (erf)  }
0x7a: {  	v0 =	vadd.f32 $1.000000000e+00, v0;
	v17 =	vtrunc.f32 v17;
	v7 =	vmul.f32 $7.000000000e+00, v7  }
0x7b: {  	v2 =	vsub.f32 $7.500000000e+00, v2;
	v20 =	vpop (erf);
	(erf) = vrcp.f32 v13;
	v8 =	vtrunc.f32 v8  }
0x7c: {  	v16 =	vadd.f32 $1.000000000e+00, v16;
	v17 =	vcvt.f32.s32 v17;
	v13 =	vmul.f32 $7.000000000e+00, v20  }
0x7d: {  	v6 =	vadd.f32 $1.000000000e+00, v6;
	v20 =	vpop (erf);
	(erf) = vrcp.f32 v3;
	v2 =	vtrunc.f32 v2  }
0x7e: {  	v3 =	vsub.f32 $7.500000000e+00, v5;
	v8 =	vcvt.f32.s32 v8;
	v5 =	vmul.f32 $7.000000000e+00, v20  }
0x7f: {  	v9 =	vsub.f32 $7.500000000e+00, v9;
	v20 =	vpop (erf);
	(erf) = vrcp.f32 v15;
	v2 =	vcvt.f32.s32 v2  }
0x80: {  	v10 =	vadd.f32 $1.000000000e+00, v10;
	v15 =	vmul.f32 $7.000000000e+00, v20;
	v20 =	vpop (erf);
	(erf) = vrcp.f32 v11  }
0x81: {  	v7 =	vsub.f32 $7.500000000e+00, v7;
	v3 =	vtrunc.f32 v3;
	v9 =	vtrunc.f32 v9  }
0x82: {  	v18 =	vadd.f32 $1.000000000e+00, v18;
	v11 =	vmul.f32 $7.000000000e+00, v20;
	v20 =	vpop (erf);
	(erf) = vrcp.f32 v0  }
0x83: {  	v12 =	vadd.f32 $1.000000000e+00, v12;
	v7 =	vtrunc.f32 v7;
	v3 =	vcvt.f32.s32 v3  }
0x84: {  	v0 =	vsub.f32 $7.500000000e+00, v13;
	v9 =	vcvt.f32.s32 v9;
	v13 =	vmul.f32 $7.000000000e+00, v20  }
0x85: {  	v5 =	vsub.f32 $7.500000000e+00, v5;
	(erf) = vrcp.f32 v19;
	v19 =	vpop (erf);
	v7 =	vcvt.f32.s32 v7  }
0x86: {  	v14 =	vsub.f32 $7.500000000e+00, v14;
	v19 =	vmul.f32 $7.000000000e+00, v19;
	(erf) = vrcp.f32 v16  }
0x87: {  	v20 =	vsub.f32 $7.500000000e+00, v15;
	v16 =	vpop (erf);
	v0 =	vtrunc.f32 v0;
	v5 =	vtrunc.f32 v5  }
0x88: {  	v31 =	vshll.u32 v17, $0x3;
	v15 =	vmul.f32 $7.000000000e+00, v16;
	(erf) = vrcp.f32 v6  }
0x89: {  	v35 =	vshll.u32 v2, $0x3;
	v6 =	vpop (erf);
	v20 =	vtrunc.f32 v20;
	v0 =	vcvt.f32.s32 v0  }
0x8a: {  	v16 =	vsub.f32 $7.500000000e+00, v11;
	v6 =	vmul.f32 $7.000000000e+00, v6;
	(erf) = vrcp.f32 v10;
	v10 =	vpop (erf)  }
0x8b: {  	v21 =	vsub.f32 $7.500000000e+00, v13;
	v2 =	vcvt.f32.s32 v20;
	v10 =	vmul.f32 $7.000000000e+00, v10  }
0x8c: {  	v8 =	vshll.u32 v8, $0x3;
	v11 =	vpop (erf);
	(erf) = vrcp.f32 v4;
	v62 =	vtrunc.f32 v16  }
0x8d: {  	v4 =	vsub.f32 $7.500000000e+00, v19;
	v21 =	vtrunc.f32 v21;
	v11 =	vmul.f32 $7.000000000e+00, v11;
	v13 =	vpop (erf)  }
0x8e: {  	v19 =	vsub.f32 $7.500000000e+00, v15;
	(erf) = vrcp.f32 v18;
	v13 =	vmul.f32 $7.000000000e+00, v13  }
0x8f: {  	v17 =	vshll.u32 v7, $0x3;
	v15 =	vpop (erf);
	(erf) = vrcp.f32 v12;
	v12 =	vtrunc.f32 v14  }
0x90: {  	v6 =	vsub.f32 $7.500000000e+00, v6;
	v63 =	vtrunc.f32 v4;
	v19 =	vtrunc.f32 v19  }
0x91: {  	[tilespmem:s7+$0x2470] =	vst v1;
	v1 =	vadd.s32 v2, v31;
	v4 =	vcvt.f32.s32 v5;
	v5 =	vcvt.f32.s32 v62  }
0x92: {  	v10 =	vsub.f32 $7.500000000e+00, v10;
	v14 =	vmul.f32 $7.000000000e+00, v15;
	v28 =	vcvt.f32.s32 v12  }
0x93: {  	v15 =	vpop (erf);
	v24 =	vsub.f32 $7.500000000e+00, v11;
	v32 =	vtrunc.f32 v6;
	v6 =	vcvt.f32.s32 v63  }
0x94: {  	v15 =	vmul.f32 $7.000000000e+00, v15;
	v25 =	vsub.f32 $7.500000000e+00, v13;
	v33 =	vtrunc.f32 v10  }
0x95: {  	v18 =	vpop (erf);
	v10 =	vshll.u32 v3, $0x3;
	v3 =	vcvt.f32.s32 v21;
	v7 =	vcvt.f32.s32 v32  }
0x96: {  	v11 =	vmul.f32 $7.000000000e+00, v18;
	v14 =	vsub.f32 $7.500000000e+00, v14;
	v28 =	vshll.u32 v28, $0x3  }
0x97: {  	v18 =	vpop (erf);
	v34 =	vtrunc.f32 v24;
	v24 =	vshll.u32 v9, $0x3;
	v9 =	vcvt.f32.s32 v19  }
0x98: {  	v19 =	vcvt.f32.s32 v33;
	v13 =	vmul.f32 $7.000000000e+00, v18;
	v18 =	vpop (erf);
	v26 =	vsub.f32 $7.500000000e+00, v15  }
0x99: {  	v36 =	vtrunc.f32 v25;
	v0 =	vadd.s32 v0, v28;
	v18 =	vmul.f32 $7.000000000e+00, v18;
	v22 =	vpop (erf)  }
0x9a: {  	v2 =	vadd.s32 v3, v8;
	v8 =	vcvt.f32.s32 v34;
	v15 =	vmul.f32 $7.000000000e+00, v22;
	v22 =	vpop (erf)  }
0x9b: {  	v27 =	vsub.f32 $7.500000000e+00, v11;
	v37 =	vtrunc.f32 v14;
	v3 =	vadd.s32 v9, v35;
	v23 =	vpop (erf)  }
0x9c: {  	v11 =	vsub.f32 $7.500000000e+00, v13;
	v14 =	vtrunc.f32 v26;
	v26 =	vcvt.f32.s32 v36;
	v13 =	vpop (erf)  }
0x9d: {  	v22 =	vmul.f32 $7.000000000e+00, v22;
	v12 =	vsub.f32 $7.500000000e+00, v18;
	v23 =	vmul.f32 $7.000000000e+00, v23;
	v18 =	vpop (erf)  }
0x9e: {  	s8 =	simm.s32 $0x80;
	v29 =	vmul.f32 $7.000000000e+00, v13;
	v13 =	vsub.f32 $7.500000000e+00, v15;
	v30 =	vmul.f32 $7.000000000e+00, v18  }
0x9f: {  	v21 =	vld [tilespmem:s8+$0x1B70];
	v9 =	vcvt.f32.s32 v37;
	v15 =	vsub.f32 $7.500000000e+00, v22;
	v18 =	vsub.f32 $7.500000000e+00, v23  }
0xa0: {  	s9 =	simm.s32 $0x400;
	v25 =	vld [tilespmem:s8+$0x70];
	v16 =	vtrunc.f32 v27;
	v23 =	vsub.f32 $7.500000000e+00, v29;
	v22 =	vsub.f32 $7.500000000e+00, v30  }
.LBB2_1:
0xa1: {  	p0 =	sne.s32 s9, $0x2200;
	v27 =	vld [tilespmem:s8+$0x970];
	v10 =	vadd.s32 v19, v10;
	v14 =	vcvt.f32.s32 v14;
	v16 =	vcvt.f32.s32 v16  }
0xa2: {  	v29 =	vtrunc.f32 v11;
	v30 =	vtrunc.f32 v12;
	v28 =	vld [tilespmem:s8+$0x1270];
	v11 =	vadd.s32 v26, v24  }
0xa3: {  	v19 =	vtrunc.f32 v15;
	v26 =	vtrunc.f32 v13;
	v24 =	vld [tilespmem:s8+$0x900];
	v12 =	vadd.s32 v14, v17  }
0xa4: {  	v20 =	vtrunc.f32 v18;
	v17 =	vtrunc.f32 v23;
	v31 =	vld [tilespmem:s8+$0x910];
	v14 =	vadd.f32 v21, v21  }
0xa5: {  	v18 =	vtrunc.f32 v22;
	v13 =	vcvt.f32.s32 v29;
	v21 =	vld [tilespmem:s8+$0x920];
	v15 =	vadd.f32 v25, v25  }
0xa6: {  	v22 =	vld [tilespmem:s8+$0x930];
	v23 =	vadd.f32 v27, v27;
	v25 =	vmul.f32 $1.442695020e+00, v14;
	v14 =	vcvt.f32.s32 v30  }
0xa7: {  	v27 =	vld [tilespmem:s8+$0x940];
	v29 =	vmul.f32 $1.442695020e+00, v15;
	v28 =	vadd.f32 v28, v28;
	v15 =	vcvt.f32.s32 v26  }
0xa8: {  	v24 =	vadd.f32 v24, v24;
	v26 =	vld [tilespmem:s8+$0x950];
	v23 =	vmul.f32 $1.442695020e+00, v23;
	(erf) = vpow2.f32 v25  }
0xa9: {  	v25 =	vadd.f32 v31, v31;
	v30 =	vld [tilespmem:s8+$0x960];
	v28 =	vmul.f32 $1.442695020e+00, v28;
	(erf) = vpow2.f32 v29  }
0xaa: {  	v29 =	vld [tilespmem:s8+$0x0];
	v24 =	vmul.f32 $1.442695020e+00, v24;
	v21 =	vadd.f32 v21, v21;
	(erf) = vpow2.f32 v23  }
0xab: {  	v23 =	vld [tilespmem:s8+$0x1200];
	v25 =	vmul.f32 $1.442695020e+00, v25;
	v22 =	vadd.f32 v22, v22;
	(erf) = vpow2.f32 v28  }
0xac: {  	v28 =	vld [tilespmem:s8+$0x10];
	v21 =	vmul.f32 $1.442695020e+00, v21;
	v27 =	vadd.f32 v27, v27;
	(erf) = vpow2.f32 v24  }
0xad: {  	v24 =	vld [tilespmem:s8+$0x1210];
	v22 =	vmul.f32 $1.442695020e+00, v22;
	v26 =	vadd.f32 v26, v26;
	(erf) = vpow2.f32 v25  }
0xae: {  	v25 =	vld [tilespmem:s8+$0x20];
	v27 =	vmul.f32 $1.442695020e+00, v27;
	v30 =	vadd.f32 v30, v30;
	(erf) = vpow2.f32 v21  }
0xaf: {  	v21 =	vadd.f32 v29, v29;
	v29 =	vld [tilespmem:s8+$0x1220];
	v31 =	vmul.f32 $1.442695020e+00, v26;
	(erf) = vpow2.f32 v22  }
0xb0: {  	v22 =	vadd.f32 v23, v23;
	v23 =	vld [tilespmem:s8+$0x30];
	v30 =	vmul.f32 $1.442695020e+00, v30;
	(erf) = vpow2.f32 v27  }
0xb1: {  	v21 =	vmul.f32 $1.442695020e+00, v21;
	v27 =	vadd.f32 v28, v28;
	v28 =	vld [tilespmem:s8+$0x1230];
	(erf) = vpow2.f32 v31;
	v26 =	vpop (erf)  }
0xb2: {  	v22 =	vmul.f32 $1.442695020e+00, v22;
	v24 =	vadd.f32 v24, v24;
	v31 =	vld [tilespmem:s8+$0x40];
	v26 =	vadd.f32 $1.000000000e+00, v26;
	v32 =	vpop (erf)  }
0xb3: {  	v27 =	vmul.f32 $1.442695020e+00, v27;
	v25 =	vadd.f32 v25, v25;
	v33 =	vld [tilespmem:s8+$0x1240];
	v32 =	vadd.f32 $1.000000000e+00, v32;
	v34 =	vpop (erf)  }
0xb4: {  	v29 =	vadd.f32 v29, v29;
	v35 =	vld [tilespmem:s8+$0x50];
	v34 =	vadd.f32 $1.000000000e+00, v34;
	v36 =	vpop (erf);
	(erf) = vrcp.f32 v26  }
0xb5: {  	v23 =	vadd.f32 v23, v23;
	v26 =	vld [tilespmem:s8+$0x1250];
	v36 =	vadd.f32 $1.000000000e+00, v36;
	v37 =	vpop (erf);
	(erf) = vrcp.f32 v32  }
0xb6: {  	v24 =	vmul.f32 $1.442695020e+00, v24;
	v28 =	vadd.f32 v28, v28;
	v32 =	vld [tilespmem:s8+$0x60];
	v38 =	vpop (erf);
	(erf) = vrcp.f32 v34  }
0xb7: {  	v25 =	vmul.f32 $1.442695020e+00, v25;
	v31 =	vadd.f32 v31, v31;
	v34 =	vld [tilespmem:s8+$0x1260];
	v39 =	vpop (erf);
	(erf) = vrcp.f32 v36  }
0xb8: {  	v29 =	vmul.f32 $1.442695020e+00, v29;
	v23 =	vmul.f32 $1.442695020e+00, v23;
	v36 =	vld [tilespmem:s8+$0x1B00];
	v33 =	vadd.f32 v33, v33;
	v40 =	vpop (erf)  }
0xb9: {  	v28 =	vmul.f32 $1.442695020e+00, v28;
	v41 =	vld [tilespmem:s8+$0x1B10];
	v31 =	vmul.f32 $1.442695020e+00, v31;
	v35 =	vadd.f32 v35, v35;
	v42 =	vpop (erf)  }
0xba: {  	v43 =	vld [tilespmem:s8+$0x1B20];
	v33 =	vmul.f32 $1.442695020e+00, v33;
	v26 =	vadd.f32 v26, v26;
	v44 =	vpop (erf);
	(erf) = vpow2.f32 v30  }
0xbb: {  	v30 =	vld [tilespmem:s8+$0x1B30];
	v35 =	vmul.f32 $1.442695020e+00, v35;
	v32 =	vadd.f32 v32, v32;
	(erf) = vpow2.f32 v21  }
0xbc: {  	v21 =	vld [tilespmem:s8+$0x1B40];
	v26 =	vmul.f32 $1.442695020e+00, v26;
	v34 =	vadd.f32 v34, v34;
	(erf) = vpow2.f32 v22  }
0xbd: {  	v22 =	vadd.f32 v36, v36;
	v36 =	vld [tilespmem:s8+$0x1B50];
	v32 =	vmul.f32 $1.442695020e+00, v32;
	(erf) = vpow2.f32 v27;
	v27 =	vpop (erf)  }
0xbe: {  	v41 =	vadd.f32 v41, v41;
	v34 =	vmul.f32 $1.442695020e+00, v34;
	v45 =	vld [tilespmem:s8+$0x1B60];
	(erf) = vpow2.f32 v24;
	v24 =	vpop (erf)  }
0xbf: {  	v27 =	vmul.f32 $7.000000000e+00, v27;
	v22 =	vmul.f32 $1.442695020e+00, v22;
	v43 =	vadd.f32 v43, v43;
	v46 =	vpop (erf)  }
0xc0: {  	v24 =	vmul.f32 $7.000000000e+00, v24;
	v30 =	vadd.f32 v30, v30;
	v46 =	vmul.f32 $7.000000000e+00, v46;
	v47 =	vpop (erf)  }
0xc1: {  	v27 =	vsub.f32 $7.500000000e+00, v27;
	v21 =	vadd.f32 v21, v21;
	v47 =	vmul.f32 $7.000000000e+00, v47  }
0xc2: {  	v41 =	vmul.f32 $1.442695020e+00, v41;
	v24 =	vsub.f32 $7.500000000e+00, v24;
	v46 =	vsub.f32 $7.500000000e+00, v46  }
0xc3: {  	v36 =	vadd.f32 v36, v36;
	v27 =	vtrunc.f32 v27;
	v47 =	vsub.f32 $7.500000000e+00, v47;
	v48 =	vpop (erf)  }
0xc4: {  	v45 =	vadd.f32 v45, v45;
	v24 =	vtrunc.f32 v24;
	v46 =	vtrunc.f32 v46;
	v49 =	vpop (erf)  }
0xc5: {  	v37 =	vadd.f32 $1.000000000e+00, v37;
	v46 =	vcvt.f32.s32 v46;
	v47 =	vtrunc.f32 v47;
	v50 =	vpop (erf)  }
0xc6: {  	v38 =	vadd.f32 $1.000000000e+00, v38;
	v24 =	vcvt.f32.s32 v24;
	v47 =	vcvt.f32.s32 v47;
	v51 =	vpop (erf)  }
0xc7: {  	v43 =	vmul.f32 $1.442695020e+00, v43;
	v27 =	vcvt.f32.s32 v27;
	v46 =	vshll.u32 v46, $0x3;
	v52 =	vpop (erf)  }
0xc8: {  	v30 =	vmul.f32 $1.442695020e+00, v30;
	v24 =	vadd.s32 v24, v46;
	v46 =	vshll.u32 v47, $0x6  }
0xc9: {  	v21 =	vmul.f32 $1.442695020e+00, v21;
	v27 =	vshll.u32 v27, $0x9;
	v24 =	vadd.s32 v46, v24  }
0xca: {  	v36 =	vmul.f32 $1.442695020e+00, v36;
	v45 =	vmul.f32 $1.442695020e+00, v45;
	v24 =	vadd.s32 v27, v24  }
0xcb: {  	v27 =	vadd.f32 $1.000000000e+00, v39;
	v39 =	vadd.f32 $1.000000000e+00, v40;
	[tilespmem:s8+$0x2470] =	vst v24;
	(erf) = vpow2.f32 v25  }
0xcc: {  	v24 =	vadd.f32 $1.000000000e+00, v42;
	v25 =	vadd.f32 $1.000000000e+00, v44;
	(erf) = vpow2.f32 v29  }
0xcd: {  	v40 =	vadd.f32 $1.000000000e+00, v48;
	v29 =	vadd.f32 $1.000000000e+00, v49;
	(erf) = vpow2.f32 v23  }
0xce: {  	v42 =	vadd.f32 $1.000000000e+00, v51;
	v23 =	vadd.f32 $1.000000000e+00, v50;
	(erf) = vpow2.f32 v28  }
0xcf: {  	v19 =	vcvt.f32.s32 v19;
	v28 =	vadd.f32 $1.000000000e+00, v52;
	(erf) = vpow2.f32 v31  }
0xd0: {  	v4 =	vshll.u32 v4, $0x6;
	v20 =	vcvt.f32.s32 v20;
	(erf) = vpow2.f32 v33  }
0xd1: {  	v5 =	vshll.u32 v5, $0x6;
	v17 =	vcvt.f32.s32 v17;
	(erf) = vpow2.f32 v35  }
0xd2: {  	v6 =	vshll.u32 v6, $0x6;
	v18 =	vcvt.f32.s32 v18;
	(erf) = vpow2.f32 v26  }
0xd3: {  	v7 =	vshll.u32 v7, $0x6;
	v8 =	vshll.u32 v8, $0x6;
	(erf) = vpow2.f32 v32  }
0xd4: {  	v9 =	vshll.u32 v9, $0x6;
	v16 =	vshll.u32 v16, $0x6;
	v26 =	vpop (erf);
	(erf) = vpow2.f32 v34  }
0xd5: {  	v4 =	vadd.s32 v4, v0;
	v26 =	vadd.f32 $1.000000000e+00, v26;
	(erf) = vpow2.f32 v22;
	v22 =	vpop (erf)  }
0xd6: {  	v5 =	vadd.s32 v5, v1;
	v22 =	vadd.f32 $1.000000000e+00, v22;
	(erf) = vpow2.f32 v41;
	v0 =	vpop (erf)  }
0xd7: {  	v6 =	vadd.s32 v6, v2;
	v31 =	vadd.f32 $1.000000000e+00, v0;
	(erf) = vpow2.f32 v43;
	v0 =	vpop (erf)  }
0xd8: {  	v7 =	vadd.s32 v7, v3;
	v32 =	vadd.f32 $1.000000000e+00, v0;
	(erf) = vpow2.f32 v30;
	v0 =	vpop (erf)  }
0xd9: {  	v8 =	vadd.s32 v8, v10;
	v30 =	vadd.f32 $1.000000000e+00, v0;
	v0 =	vpop (erf);
	(erf) = vpow2.f32 v21  }
0xda: {  	v10 =	vadd.f32 $1.000000000e+00, v0;
	v1 =	vpop (erf);
	(erf) = vpow2.f32 v36;
	v0 =	vadd.s32 v9, v11  }
0xdb: {  	v9 =	vadd.f32 $1.000000000e+00, v1;
	v2 =	vpop (erf);
	(erf) = vpow2.f32 v45;
	v1 =	vadd.s32 v16, v12  }
0xdc: {  	v12 =	vshll.u32 v13, $0x9;
	v11 =	vadd.f32 $1.000000000e+00, v2;
	(erf) = vrcp.f32 v37;
	v2 =	vpop (erf)  }
0xdd: {  	v14 =	vshll.u32 v14, $0x9;
	v13 =	vadd.f32 $1.000000000e+00, v2;
	(erf) = vrcp.f32 v38;
	v2 =	vpop (erf)  }
0xde: {  	v15 =	vshll.u32 v15, $0x9;
	v16 =	vadd.f32 $1.000000000e+00, v2;
	v2 =	vpop (erf);
	(erf) = vrcp.f32 v27  }
0xdf: {  	v19 =	vshll.u32 v19, $0x9;
	v21 =	vadd.f32 $1.000000000e+00, v2;
	v2 =	vpop (erf);
	(erf) = vrcp.f32 v39  }
0xe0: {  	v20 =	vshll.u32 v20, $0x9;
	v27 =	vadd.f32 $1.000000000e+00, v2;
	v2 =	vpop (erf);
	(erf) = vrcp.f32 v24  }
0xe1: {  	v24 =	vadd.f32 $1.000000000e+00, v2;
	v3 =	vpop (erf);
	(erf) = vrcp.f32 v25;
	v2 =	vshll.u32 v17, $0x9  }
0xe2: {  	v17 =	vadd.f32 $1.000000000e+00, v3;
	v25 =	vpop (erf);
	(erf) = vrcp.f32 v40;
	v3 =	vshll.u32 v18, $0x9  }
0xe3: {  	v4 =	vadd.s32 v12, v4;
	v18 =	vadd.f32 $1.000000000e+00, v25;
	(erf) = vrcp.f32 v29;
	v25 =	vpop (erf)  }
0xe4: {  	v12 =	vadd.f32 $1.000000000e+00, v25;
	(erf) = vrcp.f32 v23;
	v23 =	vpop (erf);
	[tilespmem:s7+$0x2400] =	vst v4;
	v4 =	vadd.s32 v14, v5  }
0xe5: {  	v5 =	vadd.f32 $1.000000000e+00, v23;
	v14 =	vpop (erf);
	(erf) = vrcp.f32 v42;
	[tilespmem:s7+$0x2410] =	vst v4;
	v4 =	vadd.s32 v15, v6  }
0xe6: {  	v6 =	vmul.f32 $7.000000000e+00, v14;
	v14 =	vpop (erf);
	(erf) = vrcp.f32 v28;
	[tilespmem:s7+$0x2420] =	vst v4;
	v4 =	vadd.s32 v19, v7  }
0xe7: {  	v7 =	vmul.f32 $7.000000000e+00, v14;
	(erf) = vrcp.f32 v26;
	v14 =	vpop (erf);
	[tilespmem:s7+$0x2430] =	vst v4;
	v4 =	vadd.s32 v20, v8  }
0xe8: {  	v6 =	vsub.f32 $7.500000000e+00, v6;
	v8 =	vmul.f32 $7.000000000e+00, v14;
	(erf) = vrcp.f32 v22;
	v14 =	vpop (erf);
	[tilespmem:s7+$0x2440] =	vst v4  }
0xe9: {  	v4 =	vsub.f32 $7.500000000e+00, v7;
	v7 =	vmul.f32 $7.000000000e+00, v14;
	(erf) = vrcp.f32 v31;
	v14 =	vpop (erf)  }
0xea: {  	v8 =	vsub.f32 $7.500000000e+00, v8;
	v14 =	vmul.f32 $7.000000000e+00, v14;
	(erf) = vrcp.f32 v32;
	v15 =	vpop (erf)  }
0xeb: {  	v7 =	vsub.f32 $7.500000000e+00, v7;
	v15 =	vmul.f32 $7.000000000e+00, v15;
	(erf) = vrcp.f32 v30;
	v19 =	vpop (erf)  }
0xec: {  	v14 =	vsub.f32 $7.500000000e+00, v14;
	v19 =	vmul.f32 $7.000000000e+00, v19;
	v20 =	vpop (erf);
	(erf) = vrcp.f32 v10  }
0xed: {  	v10 =	vmul.f32 $7.000000000e+00, v20;
	v15 =	vsub.f32 $7.500000000e+00, v15;
	v20 =	vpop (erf);
	(erf) = vrcp.f32 v9  }
0xee: {  	v9 =	vmul.f32 $7.000000000e+00, v20;
	v19 =	vsub.f32 $7.500000000e+00, v19;
	v20 =	vpop (erf);
	(erf) = vrcp.f32 v11  }
0xef: {  	v10 =	vsub.f32 $7.500000000e+00, v10;
	v11 =	vmul.f32 $7.000000000e+00, v20;
	v20 =	vpop (erf);
	(erf) = vrcp.f32 v13  }
0xf0: {  	v9 =	vsub.f32 $7.500000000e+00, v9;
	v13 =	vmul.f32 $7.000000000e+00, v20;
	v20 =	vpop (erf);
	(erf) = vrcp.f32 v16  }
0xf1: {  	v16 =	vsub.f32 $7.500000000e+00, v11;
	v11 =	vmul.f32 $7.000000000e+00, v20;
	(erf) = vrcp.f32 v21;
	v20 =	vpop (erf)  }
0xf2: {  	v21 =	vsub.f32 $7.500000000e+00, v13;
	v13 =	vmul.f32 $7.000000000e+00, v20;
	(erf) = vrcp.f32 v27;
	v20 =	vpop (erf)  }
0xf3: {  	v25 =	vsub.f32 $7.500000000e+00, v11;
	v11 =	vmul.f32 $7.000000000e+00, v20;
	(erf) = vrcp.f32 v24;
	v20 =	vpop (erf)  }
0xf4: {  	v24 =	vsub.f32 $7.500000000e+00, v13;
	v13 =	vmul.f32 $7.000000000e+00, v20;
	(erf) = vrcp.f32 v17;
	v17 =	vpop (erf)  }
0xf5: {  	v20 =	vsub.f32 $7.500000000e+00, v11;
	v11 =	vmul.f32 $7.000000000e+00, v17;
	v17 =	vpop (erf);
	(erf) = vrcp.f32 v18  }
0xf6: {  	v26 =	vsub.f32 $7.500000000e+00, v13;
	v18 =	vmul.f32 $7.000000000e+00, v17;
	v17 =	vpop (erf);
	(erf) = vrcp.f32 v12  }
0xf7: {  	v27 =	vsub.f32 $7.500000000e+00, v11;
	v11 =	vmul.f32 $7.000000000e+00, v17;
	v12 =	vpop (erf);
	(erf) = vrcp.f32 v5  }
0xf8: {  	v5 =	vtrunc.f32 v6;
	v6 =	vsub.f32 $7.500000000e+00, v18;
	v12 =	vmul.f32 $7.000000000e+00, v12;
	v13 =	vpop (erf)  }
0xf9: {  	v4 =	vtrunc.f32 v4;
	v17 =	vsub.f32 $7.500000000e+00, v11;
	v18 =	vmul.f32 $7.000000000e+00, v13;
	v13 =	vpop (erf)  }
0xfa: {  	v8 =	vtrunc.f32 v8;
	v28 =	vsub.f32 $7.500000000e+00, v12;
	v22 =	vmul.f32 $7.000000000e+00, v13;
	v13 =	vpop (erf)  }
0xfb: {  	v7 =	vtrunc.f32 v7;
	v13 =	vmul.f32 $7.000000000e+00, v13;
	v29 =	vsub.f32 $7.500000000e+00, v18;
	v11 =	vpop (erf)  }
0xfc: {  	v14 =	vtrunc.f32 v14;
	v31 =	vmul.f32 $7.000000000e+00, v11;
	v30 =	vsub.f32 $7.500000000e+00, v22;
	v12 =	vpop (erf)  }
0xfd: {  	v22 =	vtrunc.f32 v15;
	v11 =	vsub.f32 $7.500000000e+00, v13;
	v13 =	vmul.f32 $7.000000000e+00, v12;
	v15 =	vpop (erf)  }
0xfe: {  	v19 =	vtrunc.f32 v19;
	v12 =	vsub.f32 $7.500000000e+00, v31;
	v15 =	vmul.f32 $7.000000000e+00, v15;
	v18 =	vpop (erf)  }
0xff: {  	v5 =	vcvt.f32.s32 v5;
	v13 =	vsub.f32 $7.500000000e+00, v13;
	v18 =	vmul.f32 $7.000000000e+00, v18;
	v23 =	vpop (erf)  }
0x100: {  	v4 =	vcvt.f32.s32 v4;
	v15 =	vsub.f32 $7.500000000e+00, v15;
	v23 =	vmul.f32 $7.000000000e+00, v23;
	v31 =	vpop (erf)  }
0x101: {  	v8 =	vcvt.f32.s32 v8;
	v18 =	vsub.f32 $7.500000000e+00, v18;
	v31 =	vmul.f32 $7.000000000e+00, v31  }
0x102: {  	v7 =	vcvt.f32.s32 v7;
	v14 =	vcvt.f32.s32 v14;
	v23 =	vsub.f32 $7.500000000e+00, v23  }
0x103: {  	v19 =	vcvt.f32.s32 v19;
	v32 =	vcvt.f32.s32 v22;
	v22 =	vsub.f32 $7.500000000e+00, v31  }
0x104: {  	v33 =	vshll.u32 v5, $0x3;
	v5 =	vtrunc.f32 v9;
	v31 =	vtrunc.f32 v10  }
0x105: {  	v34 =	vshll.u32 v4, $0x3;
	v21 =	vtrunc.f32 v21;
	v9 =	vtrunc.f32 v16  }
0x106: {  	v8 =	vshll.u32 v8, $0x3;
	v25 =	vtrunc.f32 v25;
	v35 =	vtrunc.f32 v24  }
0x107: {  	v36 =	vshll.u32 v7, $0x3;
	v20 =	vtrunc.f32 v20;
	v7 =	vtrunc.f32 v26  }
0x108: {  	v26 =	vtrunc.f32 v27;
	v27 =	vtrunc.f32 v6;
	v10 =	vshll.u32 v14, $0x3  }
0x109: {  	v37 =	vtrunc.f32 v17;
	v28 =	vtrunc.f32 v28;
	v24 =	vshll.u32 v32, $0x3  }
0x10a: {  	v17 =	vshll.u32 v19, $0x3;
	v16 =	vtrunc.f32 v30;
	v14 =	vtrunc.f32 v29  }
0x10b: {  	v0 =	vadd.s32 v2, v0;
	v4 =	vcvt.f32.s32 v5;
	v6 =	vcvt.f32.s32 v31  }
.Ltmp0:
0x10c: {  	v1 =	vadd.s32 v3, v1;
	v2 =	vcvt.f32.s32 v9;
	v5 =	vcvt.f32.s32 v21;
	[tilespmem:s7+$0x2450] =	vst v0;
	(pc) =	sbr.rel @p0 .LBB2_1-.Ltmp0, $4  }
0x10d: {  	v3 =	vcvt.f32.s32 v25;
	v0 =	vadd.s32 v6, v33;
	v6 =	vcvt.f32.s32 v35;
	[tilespmem:s7+$0x2460] =	vst v1;
	s7 =	smov.u32 s8  }
0x10e: {  	v7 =	vcvt.f32.s32 v7;
	v9 =	vcvt.f32.s32 v20;
	s8 =	sshra.s32 s9, $0x2;
	v1 =	vadd.s32 v2, v34  }
0x10f: {  	v19 =	vcvt.f32.s32 v26;
	v2 =	vadd.s32 v3, v8;
	v8 =	vcvt.f32.s32 v27;
	v21 =	vld [tilespmem:s8+$0x1B70]  }
0x110: {  	v26 =	vcvt.f32.s32 v37;
	s9 =	sadd.s32 $0x200, s9;
	v3 =	vadd.s32 v9, v36;
	v9 =	vcvt.f32.s32 v28;
	v25 =	vld [tilespmem:s8+$0x70]  }
0x111: {  	v28 =	vcvt.f32.s32 v14;
	v16 =	vcvt.f32.s32 v16  }
0x112: {  	v11 =	vtrunc.f32 v11;
	v12 =	vtrunc.f32 v12  }
0x113: {  	v14 =	vadd.s32 v19, v10;
	v13 =	vtrunc.f32 v13;
	v20 =	vtrunc.f32 v15  }
0x114: {  	v19 =	vtrunc.f32 v22;
	v4 =	vshll.u32 v4, $0x6;
	v5 =	vshll.u32 v5, $0x6  }
0x115: {  	v27 =	vld [tilespmem:s8+$0x970];
	v6 =	vshll.u32 v6, $0x6;
	v7 =	vshll.u32 v7, $0x6;
	v11 =	vcvt.f32.s32 v11  }
0x116: {  	v29 =	vld [tilespmem:s8+$0x1270];
	v8 =	vshll.u32 v8, $0x6;
	v12 =	vcvt.f32.s32 v12;
	v13 =	vcvt.f32.s32 v13  }
0x117: {  	v57 =	vld [tilespmem:s8+$0x900];
	v15 =	vadd.s32 v26, v24;
	v20 =	vcvt.f32.s32 v20;
	v19 =	vcvt.f32.s32 v19  }
0x118: {  	v30 =	vld [tilespmem:s8+$0x910];
	v9 =	vshll.u32 v9, $0x6;
	v4 =	vadd.s32 v4, v0;
	v5 =	vadd.s32 v5, v1  }
0x119: {  	v59 =	vld [tilespmem:s8+$0x920];
	v6 =	vadd.s32 v6, v2;
	v14 =	vadd.s32 v8, v14;
	v17 =	vadd.s32 v28, v17  }
0x11a: {  	v60 =	vld [tilespmem:s8+$0x930];
	v16 =	vshll.u32 v16, $0x6;
	v0 =	vadd.s32 v9, v15;
	v58 =	vadd.f32 v21, v21  }
0x11b: {  	v61 =	vld [tilespmem:s8+$0x940];
	v21 =	vtrunc.f32 v18;
	v18 =	vtrunc.f32 v23;
	v1 =	vadd.s32 v16, v17  }
0x11c: {  	v63 =	vld [tilespmem:s8+$0x950];
	v11 =	vshll.u32 v11, $0x9;
	v12 =	vshll.u32 v12, $0x9;
	v13 =	vshll.u32 v13, $0x9  }
0x11d: {  	v36 =	vld [tilespmem:s8+$0x1200];
	v20 =	vshll.u32 v20, $0x9;
	v8 =	vshll.u32 v19, $0x9;
	v25 =	vadd.f32 v25, v25  }
0x11e: {  	v37 =	vld [tilespmem:s8+$0x10];
	v21 =	vcvt.f32.s32 v21;
	v27 =	vadd.f32 v27, v27;
	v62 =	vadd.f32 v29, v29  }
0x11f: {  	v41 =	vld [tilespmem:s8+$0x1220];
	v18 =	vcvt.f32.s32 v18;
	v10 =	vadd.f32 v57, v57;
	v30 =	vadd.f32 v30, v30  }
0x120: {  	v56 =	vld [tilespmem:s8+$0x1B50];
	v31 =	vmul.f32 $1.442695020e+00, v58;
	v23 =	vadd.f32 v59, v59;
	v22 =	vadd.f32 v60, v60  }
0x121: {  	v33 =	vld [tilespmem:s8+$0x960];
	v24 =	vadd.f32 v61, v61;
	v29 =	vadd.f32 v63, v63;
	v25 =	vmul.f32 $1.442695020e+00, v25  }
0x122: {  	v45 =	vld [tilespmem:s8+$0x1230];
	v42 =	vadd.f32 v36, v36;
	v27 =	vmul.f32 $1.442695020e+00, v27;
	(erf) = vpow2.f32 v31  }
0x123: {  	v43 =	vld [tilespmem:s8+$0x30];
	v44 =	vadd.f32 v37, v37;
	v34 =	vmul.f32 $1.442695020e+00, v62;
	v10 =	vmul.f32 $1.442695020e+00, v10  }
0x124: {  	v36 =	vld [tilespmem:s8+$0x50];
	v26 =	vadd.f32 v41, v41;
	v30 =	vmul.f32 $1.442695020e+00, v30;
	v23 =	vmul.f32 $1.442695020e+00, v23  }
0x125: {  	v37 =	vld [tilespmem:s8+$0x1250];
	v28 =	vadd.f32 v56, v56;
	v22 =	vmul.f32 $1.442695020e+00, v22;
	v24 =	vmul.f32 $1.442695020e+00, v24  }
0x126: {  	v41 =	vld [tilespmem:s8+$0x1B10];
	v31 =	vadd.f32 v33, v33;
	v29 =	vmul.f32 $1.442695020e+00, v29;
	(erf) = vpow2.f32 v25  }
0x127: {  	v35 =	vld [tilespmem:s8+$0x0];
	v26 =	vmul.f32 $1.442695020e+00, v26;
	v25 =	vadd.f32 v45, v45;
	(erf) = vpow2.f32 v27  }
0x128: {  	v38 =	vld [tilespmem:s8+$0x1210];
	v2 =	vadd.s32 v11, v4;
	v28 =	vmul.f32 $1.442695020e+00, v28;
	(erf) = vpow2.f32 v34  }
0x129: {  	v39 =	vld [tilespmem:s8+$0x20];
	v31 =	vmul.f32 $1.442695020e+00, v31;
	v27 =	vadd.f32 v43, v43;
	v25 =	vmul.f32 $1.442695020e+00, v25  }
0x12a: {  	v36 =	vadd.f32 v36, v36;
	v37 =	vadd.f32 v37, v37;
	(erf) = vpow2.f32 v10  }
0x12b: {  	v41 =	vadd.f32 v41, v41;
	v27 =	vmul.f32 $1.442695020e+00, v27;
	(erf) = vpow2.f32 v30  }
0x12c: {  	v40 =	vadd.f32 v35, v35;
	v36 =	vmul.f32 $1.442695020e+00, v36;
	v37 =	vmul.f32 $1.442695020e+00, v37  }
0x12d: {  	v43 =	vld [tilespmem:s8+$0x1B20];
	v10 =	vadd.f32 v38, v38;
	v41 =	vmul.f32 $1.442695020e+00, v41;
	(erf) = vpow2.f32 v23  }
0x12e: {  	v34 =	vld [tilespmem:s8+$0x1240];
	v30 =	vadd.f32 v39, v39;
	v23 =	vmul.f32 $1.442695020e+00, v40;
	(erf) = vpow2.f32 v22;
	v32 =	vpop (erf)  }
0x12f: {  	v46 =	vld [tilespmem:s8+$0x40];
	v10 =	vmul.f32 $1.442695020e+00, v10;
	(erf) = vpow2.f32 v24;
	v32 =	vadd.f32 $1.000000000e+00, v32;
	v33 =	vpop (erf)  }
0x130: {  	v38 =	vld [tilespmem:s8+$0x1260];
	v22 =	vmul.f32 $1.442695020e+00, v42;
	(erf) = vpow2.f32 v29;
	v33 =	vadd.f32 $1.000000000e+00, v33;
	v35 =	vpop (erf)  }
0x131: {  	v48 =	vld [tilespmem:s8+$0x60];
	v30 =	vmul.f32 $1.442695020e+00, v30;
	v35 =	vadd.f32 $1.000000000e+00, v35;
	(erf) = vrcp.f32 v32;
	v47 =	vpop (erf)  }
0x132: {  	v50 =	vld [tilespmem:s8+$0x1B00];
	v43 =	vadd.f32 v43, v43;
	(erf) = vrcp.f32 v33;
	v32 =	vadd.f32 $1.000000000e+00, v47  }
0x133: {  	v51 =	vld [tilespmem:s8+$0x1B30];
	v24 =	vmul.f32 $1.442695020e+00, v44;
	v34 =	vadd.f32 v34, v34;
	(erf) = vrcp.f32 v35  }
0x134: {  	v52 =	vld [tilespmem:s8+$0x1B40];
	v29 =	vadd.f32 v46, v46;
	v43 =	vmul.f32 $1.442695020e+00, v43;
	v49 =	vpop (erf);
	(erf) = vrcp.f32 v32  }
0x135: {  	v38 =	vadd.f32 v38, v38;
	v34 =	vmul.f32 $1.442695020e+00, v34;
	v39 =	vpop (erf);
	(erf) = vpow2.f32 v31  }
0x136: {  	v29 =	vmul.f32 $1.442695020e+00, v29;
	v33 =	vadd.f32 v48, v48;
	v40 =	vpop (erf);
	(erf) = vpow2.f32 v23  }
0x137: {  	v53 =	vadd.f32 v50, v50;
	v57 =	vmul.f32 $1.442695020e+00, v38;
	v42 =	vpop (erf);
	(erf) = vpow2.f32 v22  }
0x138: {  	v54 =	vmul.f32 $1.442695020e+00, v33;
	v31 =	vadd.f32 v51, v51;
	v44 =	vpop (erf);
	(erf) = vpow2.f32 v24  }
0x139: {  	v23 =	vadd.f32 v52, v52;
	v45 =	vpop (erf);
	v22 =	vmul.f32 $1.442695020e+00, v53;
	(erf) = vpow2.f32 v10  }
0x13a: {  	v4 =	vadd.s32 v13, v6;
	v31 =	vmul.f32 $1.442695020e+00, v31;
	v55 =	vpop (erf);
	(erf) = vpow2.f32 v30  }
0x13b: {  	v1 =	vadd.s32 v8, v1;
	v46 =	vld [tilespmem:s8+$0x1B60];
	v23 =	vmul.f32 $1.442695020e+00, v23;
	v58 =	vpop (erf);
	(erf) = vpow2.f32 v26  }
0x13c: {  	v21 =	vshll.u32 v21, $0x9;
	v33 =	vmul.f32 $7.000000000e+00, v55;
	v59 =	vpop (erf);
	(erf) = vpow2.f32 v27  }
0x13d: {  	v6 =	vadd.s32 v21, v14;
	v38 =	vmul.f32 $7.000000000e+00, v58;
	v47 =	vpop (erf);
	(erf) = vpow2.f32 v25  }
0x13e: {  	v10 =	vmul.f32 $7.000000000e+00, v59;
	v33 =	vsub.f32 $7.500000000e+00, v33;
	v61 =	vpop (erf);
	(erf) = vpow2.f32 v29  }
0x13f: {  	v47 =	vmul.f32 $7.000000000e+00, v47;
	v38 =	vsub.f32 $7.500000000e+00, v38;
	v62 =	vpop (erf);
	(erf) = vpow2.f32 v34  }
0x140: {  	v46 =	vadd.f32 v46, v46;
	v33 =	vtrunc.f32 v33;
	v63 =	vpop (erf);
	(erf) = vpow2.f32 v36  }
0x141: {  	v10 =	vsub.f32 $7.500000000e+00, v10;
	v38 =	vtrunc.f32 v38;
	v50 =	vpop (erf);
	(erf) = vpow2.f32 v37  }
0x142: {  	v35 =	vadd.f32 $1.000000000e+00, v49;
	v33 =	vcvt.f32.s32 v33;
	v52 =	vpop (erf);
	(erf) = vpow2.f32 v54  }
0x143: {  	v39 =	vadd.f32 $1.000000000e+00, v39;
	v10 =	vtrunc.f32 v10;
	v53 =	vpop (erf);
	(erf) = vpow2.f32 v57  }
0x144: {  	v47 =	vsub.f32 $7.500000000e+00, v47;
	v38 =	vcvt.f32.s32 v38;
	(erf) = vpow2.f32 v22;
	v54 =	vpop (erf)  }
0x145: {  	v48 =	vadd.f32 $1.000000000e+00, v42;
	v10 =	vcvt.f32.s32 v10;
	(erf) = vpow2.f32 v41;
	v55 =	vpop (erf)  }
0x146: {  	v49 =	vadd.f32 $1.000000000e+00, v44;
	v47 =	vtrunc.f32 v47;
	(erf) = vpow2.f32 v43;
	v56 =	vpop (erf)  }
0x147: {  	v47 =	vcvt.f32.s32 v47;
	v10 =	vshll.u32 v10, $0x3;
	(erf) = vpow2.f32 v31;
	v57 =	vpop (erf)  }
0x148: {  	v10 =	vadd.s32 v38, v10;
	v38 =	vmul.f32 $1.442695020e+00, v46;
	v58 =	vpop (erf);
	(erf) = vpow2.f32 v23  }
0x149: {  	v26 =	vadd.f32 $1.000000000e+00, v62;
	v60 =	vshll.u32 v47, $0x6;
	v59 =	vpop (erf);
	(erf) = vpow2.f32 v28  }
0x14a: {  	v33 =	vshll.u32 v33, $0x9;
	v10 =	vadd.s32 v60, v10;
	v62 =	vpop (erf);
	(erf) = vpow2.f32 v38  }
0x14b: {  	v10 =	vadd.s32 v33, v10;
	v33 =	vadd.f32 $1.000000000e+00, v40;
	(erf) = vrcp.f32 v35;
	v37 =	vpop (erf)  }
0x14c: {  	v51 =	vadd.f32 $1.000000000e+00, v45;
	v30 =	vadd.f32 $1.000000000e+00, v61;
	(erf) = vrcp.f32 v39;
	v38 =	vpop (erf)  }
0x14d: {  	v27 =	vadd.f32 $1.000000000e+00, v63;
	v25 =	vadd.f32 $1.000000000e+00, v50;
	v39 =	vpop (erf);
	(erf) = vrcp.f32 v33  }
0x14e: {  	v29 =	vadd.f32 $1.000000000e+00, v52;
	v32 =	vadd.f32 $1.000000000e+00, v53;
	v41 =	vpop (erf);
	(erf) = vrcp.f32 v48  }
0x14f: {  	v22 =	vadd.f32 $1.000000000e+00, v54;
	v24 =	vadd.f32 $1.000000000e+00, v55;
	v43 =	vpop (erf);
	(erf) = vrcp.f32 v49  }
0x150: {  	v60 =	vadd.s32 v7, v3;
	v7 =	vshll.u32 v18, $0x9;
	v45 =	vpop (erf);
	(erf) = vrcp.f32 v51  }
0x151: {  	v3 =	vadd.s32 v12, v5;
	v5 =	vadd.s32 v20, v60;
	v46 =	vpop (erf);
	(erf) = vrcp.f32 v30  }
0x152: {  	v0 =	vadd.s32 v7, v0;
	v23 =	vadd.f32 $1.000000000e+00, v56;
	(erf) = vrcp.f32 v26  }
0x153: {  	v61 =	vadd.f32 $1.000000000e+00, v57;
	v63 =	vadd.f32 $1.000000000e+00, v58;
	v47 =	vpop (erf);
	(erf) = vrcp.f32 v27  }
0x154: {  	v9 =	vadd.f32 $1.000000000e+00, v59;
	v15 =	vadd.f32 $1.000000000e+00, v62;
	v49 =	vpop (erf);
	(erf) = vrcp.f32 v25  }
0x155: {  	v16 =	vadd.f32 $1.000000000e+00, v37;
	v17 =	vadd.f32 $1.000000000e+00, v38;
	v50 =	vpop (erf);
	(erf) = vrcp.f32 v29  }
0x156: {  	v33 =	vadd.f32 $1.000000000e+00, v39;
	v51 =	vpop (erf);
	v52 =	vmul.f32 $7.000000000e+00, v50;
	(erf) = vrcp.f32 v32  }
0x157: {  	v35 =	vadd.f32 $1.000000000e+00, v41;
	v53 =	vpop (erf);
	v54 =	vmul.f32 $7.000000000e+00, v51;
	(erf) = vrcp.f32 v22  }
0x158: {  	v55 =	vpop (erf);
	v56 =	vmul.f32 $7.000000000e+00, v53;
	v12 =	vsub.f32 $7.500000000e+00, v52;
	(erf) = vrcp.f32 v24  }
0x159: {  	v30 =	vadd.f32 $1.000000000e+00, v43;
	v57 =	vpop (erf);
	v58 =	vmul.f32 $7.000000000e+00, v55;
	(erf) = vrcp.f32 v23  }
0x15a: {  	v48 =	vadd.f32 $1.000000000e+00, v45;
	v59 =	vpop (erf);
	v60 =	vmul.f32 $7.000000000e+00, v57;
	v12 =	vtrunc.f32 v12  }
0x15b: {  	v19 =	vadd.f32 $1.000000000e+00, v46;
	(erf) = vrcp.f32 v61;
	v61 =	vpop (erf);
	v22 =	vmul.f32 $7.000000000e+00, v59  }
0x15c: {  	v34 =	vsub.f32 $7.500000000e+00, v56;
	v12 =	vcvt.f32.s32 v12;
	v62 =	vpop (erf);
	(erf) = vrcp.f32 v63  }
0x15d: {  	v38 =	vsub.f32 $7.500000000e+00, v58;
	v21 =	vmul.f32 $7.000000000e+00, v61;
	v32 =	vpop (erf);
	(erf) = vrcp.f32 v9  }
0x15e: {  	v63 =	vsub.f32 $7.500000000e+00, v54;
	v36 =	vmul.f32 $7.000000000e+00, v62;
	v9 =	vtrunc.f32 v34  }
0x15f: {  	v14 =	vsub.f32 $7.500000000e+00, v60;
	v37 =	vpop (erf);
	(erf) = vrcp.f32 v15;
	v39 =	vmul.f32 $7.000000000e+00, v32  }
0x160: {  	v11 =	vadd.f32 $1.000000000e+00, v47;
	v24 =	vtrunc.f32 v63;
	v15 =	vtrunc.f32 v38  }
0x161: {  	v25 =	vadd.f32 $1.000000000e+00, v49;
	v14 =	vtrunc.f32 v14;
	v9 =	vcvt.f32.s32 v9  }
0x162: {  	v43 =	vsub.f32 $7.500000000e+00, v22;
	v40 =	vpop (erf);
	(erf) = vrcp.f32 v16;
	v41 =	vmul.f32 $7.000000000e+00, v37  }
0x163: {  	v12 =	vshll.u32 v12, $0x3;
	v24 =	vcvt.f32.s32 v24;
	v15 =	vcvt.f32.s32 v15  }
0x164: {  	v21 =	vsub.f32 $7.500000000e+00, v21;
	v14 =	vcvt.f32.s32 v14;
	v42 =	vpop (erf);
	(erf) = vrcp.f32 v17  }
0x165: {  	v13 =	vsub.f32 $7.500000000e+00, v36;
	v44 =	vmul.f32 $7.000000000e+00, v40;
	v17 =	vtrunc.f32 v43  }
0x166: {  	v20 =	vsub.f32 $7.500000000e+00, v39;
	v21 =	vtrunc.f32 v21;
	(erf) = vrcp.f32 v33  }
0x167: {  	v9 =	vshll.u32 v9, $0x3;
	v23 =	vmul.f32 $7.000000000e+00, v42;
	v17 =	vcvt.f32.s32 v17  }
0x168: {  	v16 =	vsub.f32 $7.500000000e+00, v41;
	v21 =	vcvt.f32.s32 v21;
	v13 =	vtrunc.f32 v13  }
0x169: {  	v45 =	vpop (erf);
	v24 =	vshll.u32 v24, $0x3;
	v15 =	vshll.u32 v15, $0x3;
	(erf) = vrcp.f32 v35  }
0x16a: {  	v14 =	vshll.u32 v14, $0x3;
	v26 =	vmul.f32 $7.000000000e+00, v45;
	v20 =	vtrunc.f32 v20  }
0x16b: {  	v46 =	vpop (erf);
	v22 =	vsub.f32 $7.500000000e+00, v44;
	v13 =	vcvt.f32.s32 v13;
	(erf) = vrcp.f32 v30  }
0x16c: {  	v27 =	vmul.f32 $7.000000000e+00, v46;
	v23 =	vsub.f32 $7.500000000e+00, v23;
	v16 =	vtrunc.f32 v16  }
0x16d: {  	v47 =	vpop (erf);
	v20 =	vcvt.f32.s32 v20;
	v17 =	vshll.u32 v17, $0x3;
	(erf) = vrcp.f32 v48  }
0x16e: {  	v21 =	vshll.u32 v21, $0x3;
	v48 =	vpop (erf);
	v28 =	vmul.f32 $7.000000000e+00, v47;
	v22 =	vtrunc.f32 v22  }
0x16f: {  	v26 =	vsub.f32 $7.500000000e+00, v26;
	v16 =	vcvt.f32.s32 v16;
	v18 =	vmul.f32 $7.000000000e+00, v48  }
0x170: {  	v12 =	vadd.s32 v13, v12;
	v49 =	vpop (erf);
	(erf) = vrcp.f32 v19;
	v23 =	vtrunc.f32 v23  }
0x171: {  	v27 =	vsub.f32 $7.500000000e+00, v27;
	v22 =	vcvt.f32.s32 v22;
	v50 =	vmul.f32 $7.000000000e+00, v49  }
0x172: {  	v51 =	vpop (erf);
	(erf) = vrcp.f32 v11;
	v28 =	vsub.f32 $7.500000000e+00, v28;
	v26 =	vtrunc.f32 v26  }
0x173: {  	v23 =	vcvt.f32.s32 v23;
	v16 =	vadd.s32 v16, v24;
	v52 =	vmul.f32 $7.000000000e+00, v51  }
0x174: {  	v53 =	vpop (erf);
	(erf) = vrcp.f32 v25;
	v18 =	vsub.f32 $7.500000000e+00, v18;
	v27 =	vtrunc.f32 v27  }
0x175: {  	v26 =	vcvt.f32.s32 v26;
	v22 =	vshll.u32 v22, $0x6;
	v29 =	vmul.f32 $7.000000000e+00, v53  }
0x176: {  	v54 =	vpop (erf);
	v19 =	vsub.f32 $7.500000000e+00, v50;
	v28 =	vtrunc.f32 v28;
	v27 =	vcvt.f32.s32 v27  }
0x177: {  	v9 =	vadd.s32 v23, v9;
	v22 =	vadd.s32 v22, v16;
	v25 =	vmul.f32 $7.000000000e+00, v54  }
0x178: {  	v55 =	vpop (erf);
	v11 =	vsub.f32 $7.500000000e+00, v52;
	v18 =	vtrunc.f32 v18;
	v63 =	vcvt.f32.s32 v28  }
0x179: {  	v56 =	vpop (erf);
	v30 =	vmul.f32 $7.000000000e+00, v55;
	v29 =	vsub.f32 $7.500000000e+00, v29;
	v19 =	vtrunc.f32 v19  }
0x17a: {  	v18 =	vcvt.f32.s32 v18;
	v15 =	vadd.s32 v27, v15;
	v31 =	vmul.f32 $7.000000000e+00, v56  }
0x17b: {  	v57 =	vpop (erf);
	v25 =	vsub.f32 $7.500000000e+00, v25;
	v11 =	vtrunc.f32 v11;
	v38 =	vcvt.f32.s32 v19  }
0x17c: {  	v56 =	vshll.u32 v20, $0x6;
	v32 =	vmul.f32 $7.000000000e+00, v57;
	v30 =	vsub.f32 $7.500000000e+00, v30  }
0x17d: {  	[tilespmem:s8+$0x2470] =	vst v10;
	v58 =	vpop (erf);
	v29 =	vtrunc.f32 v29;
	v11 =	vcvt.f32.s32 v11;
	v47 =	vadd.s32 v18, v14  }
0x17e: {  	[tilespmem:s7+$0x2420] =	vst v4;
	v4 =	vadd.s32 v56, v12;
	v33 =	vmul.f32 $7.000000000e+00, v58;
	v59 =	vpop (erf);
	v25 =	vtrunc.f32 v25  }
0x17f: {  	v31 =	vsub.f32 $7.500000000e+00, v31;
	v39 =	vcvt.f32.s32 v29;
	v34 =	vmul.f32 $7.000000000e+00, v59  }
0x180: {  	v60 =	vpop (erf);
	v32 =	vsub.f32 $7.500000000e+00, v32;
	v30 =	vtrunc.f32 v30;
	v40 =	vcvt.f32.s32 v25  }
0x181: {  	v50 =	vadd.s32 v11, v17;
	v59 =	vshll.u32 v26, $0x6;
	v35 =	vmul.f32 $7.000000000e+00, v60  }
0x182: {  	v61 =	vpop (erf);
	v33 =	vsub.f32 $7.500000000e+00, v33;
	v41 =	vcvt.f32.s32 v30;
	v42 =	vtrunc.f32 v31  }
0x183: {  	v60 =	vshll.u32 v63, $0x6;
	v9 =	vadd.s32 v59, v9;
	v36 =	vmul.f32 $7.000000000e+00, v61  }
0x184: {  	v34 =	vsub.f32 $7.500000000e+00, v34;
	v43 =	vtrunc.f32 v32;
	v49 =	vcvt.f32.s32 v42  }
0x185: {  	v62 =	vpop (erf);
	v53 =	vadd.s32 v40, v21;
	v61 =	vshll.u32 v38, $0x6;
	v25 =	vadd.s32 v60, v15  }
0x186: {  	[tilespmem:s7+$0x2400] =	vst v2;
	v37 =	vmul.f32 $7.000000000e+00, v62;
	v35 =	vsub.f32 $7.500000000e+00, v35;
	v44 =	vtrunc.f32 v33  }
0x187: {  	[tilespmem:s7+$0x2410] =	vst v3;
	v52 =	vcvt.f32.s32 v43;
	v62 =	vshll.u32 v39, $0x6;
	v63 =	vshll.u32 v41, $0x6  }
0x188: {  	[tilespmem:s7+$0x2430] =	vst v5;
	v7 =	vadd.s32 v61, v47;
	v36 =	vsub.f32 $7.500000000e+00, v36;
	v45 =	vtrunc.f32 v34  }
0x189: {  	[tilespmem:s7+$0x2440] =	vst v6;
	v54 =	vcvt.f32.s32 v44;
	v18 =	vshll.u32 v49, $0x9;
	v37 =	vsub.f32 $7.500000000e+00, v37  }
0x18a: {  	[tilespmem:s7+$0x2450] =	vst v0;
	v46 =	vtrunc.f32 v35;
	v55 =	vcvt.f32.s32 v45;
	v23 =	vshll.u32 v52, $0x9  }
0x18b: {  	[tilespmem:s7+$0x2460] =	vst v1;
	v4 =	vadd.s32 v18, v4;
	v48 =	vtrunc.f32 v36;
	v57 =	vcvt.f32.s32 v46  }
0x18c: {  	v24 =	vshll.u32 v54, $0x9;
	[tilespmem:s8+$0x2400] =	vst v4;
	v1 =	vadd.s32 v23, v22;
	v51 =	vtrunc.f32 v37  }
0x18d: {  	v58 =	vcvt.f32.s32 v48;
	v26 =	vshll.u32 v55, $0x9;
	[tilespmem:s8+$0x2410] =	vst v1;
	v27 =	vadd.s32 v24, v9  }
0x18e: {  	v11 =	vcvt.f32.s32 v51;
	v28 =	vshll.u32 v57, $0x9;
	[tilespmem:s8+$0x2420] =	vst v27;
	v29 =	vadd.s32 v26, v25  }
0x18f: {  	v2 =	vadd.s32 v62, v50;
	v30 =	vshll.u32 v58, $0x9;
	[tilespmem:s8+$0x2430] =	vst v29;
	v31 =	vadd.s32 v28, v7  }
0x190: {  	s30 =	smul.u32 $0x120, s3;
	v0 =	vadd.s32 v63, v53;
	v32 =	vshll.u32 v11, $0x9;
	[tilespmem:s8+$0x2440] =	vst v31;
	v33 =	vadd.s32 v30, v2  }
0x191: {  	[tilespmem:s8+$0x2450] =	vst v33;
	v0 =	vadd.s32 v32, v0  }
0x192: {  	s10 =	simm.s32 $0x2400;
	s7 =	sadd.s32 s6, s30;
	s6 =	simm.s32 $0x0;
	[tilespmem:s8+$0x2460] =	vst v0  }
0x193: {  	[hbm4b:s7+s6] =	stream.linear.scatter [tilespmem:s10], [sflag:$0x1], $0x900, $0x38;
	[tilespmem:$0x30B0] =	vst v63  }
0x194: {  	s7 =	simm.s32 $0x1  }
0x195: {  	_ =	swait.ge [sflag:s7], $0x900  }
0x196: {  	[sflag:s7] =	ssyncset.done $0x0  }
0x197: {  	[sflag:s7] =	ssyncadd.s32 $0xFFFFF700  }
0x198: {  	s31 =	simm.s32 $0x80;
	s9 =	simm.s32 $0x2D00;
	[bflag:$0x0] =	sbarrier.arrive $0xFFFF  }
0x199: {  	[spmem:s4] =	stream.indirect.scatter.add.s32 [tilespmem:s9], [sflag:$0x1], $0x1, s10, s31, $0xb8;
	[tilespmem:$0x30B0] =	vst v63  }
0x19a: {  	_ =	swait.ge [sflag:s7], $0x80  }
0x19b: {  	[sflag:s7] =	ssyncset.done $0x0  }
0x19c: {  	s11 =	simm.s32 $0x2480;
	[sflag:s7] =	ssyncadd.s32 $0xFFFFFF80  }
0x19d: {  	[spmem:s4] =	stream.indirect.scatter.add.s32 [tilespmem:s9], [sflag:$0x1], $0x1, s11, s31, $0xb8;
	[tilespmem:$0x30B0] =	vst v63  }
0x19e: {  	_ =	swait.ge [sflag:s7], $0x80  }
0x19f: {  	[sflag:s7] =	ssyncset.done $0x0  }
0x1a0: {  	s12 =	simm.s32 $0x2500;
	[sflag:s7] =	ssyncadd.s32 $0xFFFFFF80  }
0x1a1: {  	[spmem:s4] =	stream.indirect.scatter.add.s32 [tilespmem:s9], [sflag:$0x1], $0x1, s12, s31, $0xb8;
	[tilespmem:$0x30B0] =	vst v63  }
0x1a2: {  	_ =	swait.ge [sflag:s7], $0x80  }
0x1a3: {  	[sflag:s7] =	ssyncset.done $0x0  }
0x1a4: {  	s13 =	simm.s32 $0x2580;
	[sflag:s7] =	ssyncadd.s32 $0xFFFFFF80  }
0x1a5: {  	[spmem:s4] =	stream.indirect.scatter.add.s32 [tilespmem:s9], [sflag:$0x1], $0x1, s13, s31, $0xb8;
	[tilespmem:$0x30B0] =	vst v63  }
0x1a6: {  	_ =	swait.ge [sflag:s7], $0x80  }
0x1a7: {  	[sflag:s7] =	ssyncset.done $0x0  }
0x1a8: {  	s14 =	simm.s32 $0x2600;
	[sflag:s7] =	ssyncadd.s32 $0xFFFFFF80  }
0x1a9: {  	[spmem:s4] =	stream.indirect.scatter.add.s32 [tilespmem:s9], [sflag:$0x1], $0x1, s14, s31, $0xb8;
	[tilespmem:$0x30B0] =	vst v63  }
0x1aa: {  	_ =	swait.ge [sflag:s7], $0x80  }
0x1ab: {  	[sflag:s7] =	ssyncset.done $0x0  }
0x1ac: {  	s15 =	simm.s32 $0x2680;
	[sflag:s7] =	ssyncadd.s32 $0xFFFFFF80  }
0x1ad: {  	[spmem:s4] =	stream.indirect.scatter.add.s32 [tilespmem:s9], [sflag:$0x1], $0x1, s15, s31, $0xb8;
	[tilespmem:$0x30B0] =	vst v63  }
0x1ae: {  	_ =	swait.ge [sflag:s7], $0x80  }
0x1af: {  	[sflag:s7] =	ssyncset.done $0x0  }
0x1b0: {  	s16 =	simm.s32 $0x2700;
	[sflag:s7] =	ssyncadd.s32 $0xFFFFFF80  }
0x1b1: {  	[spmem:s4] =	stream.indirect.scatter.add.s32 [tilespmem:s9], [sflag:$0x1], $0x1, s16, s31, $0xb8;
	[tilespmem:$0x30B0] =	vst v63  }
0x1b2: {  	_ =	swait.ge [sflag:s7], $0x80  }
0x1b3: {  	[sflag:s7] =	ssyncset.done $0x0  }
0x1b4: {  	s17 =	simm.s32 $0x2780;
	[sflag:s7] =	ssyncadd.s32 $0xFFFFFF80  }
0x1b5: {  	[spmem:s4] =	stream.indirect.scatter.add.s32 [tilespmem:s9], [sflag:$0x1], $0x1, s17, s31, $0xb8;
	[tilespmem:$0x30B0] =	vst v63  }
0x1b6: {  	_ =	swait.ge [sflag:s7], $0x80  }
0x1b7: {  	[sflag:s7] =	ssyncset.done $0x0  }
0x1b8: {  	s18 =	simm.s32 $0x2800;
	[sflag:s7] =	ssyncadd.s32 $0xFFFFFF80  }
0x1b9: {  	[spmem:s4] =	stream.indirect.scatter.add.s32 [tilespmem:s9], [sflag:$0x1], $0x1, s18, s31, $0xb8;
	[tilespmem:$0x30B0] =	vst v63  }
0x1ba: {  	_ =	swait.ge [sflag:s7], $0x80  }
0x1bb: {  	[sflag:s7] =	ssyncset.done $0x0  }
0x1bc: {  	s19 =	simm.s32 $0x2880;
	[sflag:s7] =	ssyncadd.s32 $0xFFFFFF80  }
0x1bd: {  	[spmem:s4] =	stream.indirect.scatter.add.s32 [tilespmem:s9], [sflag:$0x1], $0x1, s19, s31, $0xb8;
	[tilespmem:$0x30B0] =	vst v63  }
0x1be: {  	_ =	swait.ge [sflag:s7], $0x80  }
0x1bf: {  	[sflag:s7] =	ssyncset.done $0x0  }
0x1c0: {  	s20 =	simm.s32 $0x2900;
	[sflag:s7] =	ssyncadd.s32 $0xFFFFFF80  }
0x1c1: {  	[spmem:s4] =	stream.indirect.scatter.add.s32 [tilespmem:s9], [sflag:$0x1], $0x1, s20, s31, $0xb8;
	[tilespmem:$0x30B0] =	vst v63  }
0x1c2: {  	_ =	swait.ge [sflag:s7], $0x80  }
0x1c3: {  	[sflag:s7] =	ssyncset.done $0x0  }
0x1c4: {  	s21 =	simm.s32 $0x2980;
	[sflag:s7] =	ssyncadd.s32 $0xFFFFFF80  }
0x1c5: {  	[spmem:s4] =	stream.indirect.scatter.add.s32 [tilespmem:s9], [sflag:$0x1], $0x1, s21, s31, $0xb8;
	[tilespmem:$0x30B0] =	vst v63  }
0x1c6: {  	_ =	swait.ge [sflag:s7], $0x80  }
0x1c7: {  	[sflag:s7] =	ssyncset.done $0x0  }
0x1c8: {  	s22 =	simm.s32 $0x2A00;
	[sflag:s7] =	ssyncadd.s32 $0xFFFFFF80  }
0x1c9: {  	[spmem:s4] =	stream.indirect.scatter.add.s32 [tilespmem:s9], [sflag:$0x1], $0x1, s22, s31, $0xb8;
	[tilespmem:$0x30B0] =	vst v63  }
0x1ca: {  	_ =	swait.ge [sflag:s7], $0x80  }
0x1cb: {  	[sflag:s7] =	ssyncset.done $0x0  }
0x1cc: {  	s23 =	simm.s32 $0x2A80;
	[sflag:s7] =	ssyncadd.s32 $0xFFFFFF80  }
0x1cd: {  	[spmem:s4] =	stream.indirect.scatter.add.s32 [tilespmem:s9], [sflag:$0x1], $0x1, s23, s31, $0xb8;
	[tilespmem:$0x30B0] =	vst v63  }
0x1ce: {  	_ =	swait.ge [sflag:s7], $0x80  }
0x1cf: {  	[sflag:s7] =	ssyncset.done $0x0  }
0x1d0: {  	s24 =	simm.s32 $0x2B00;
	[sflag:s7] =	ssyncadd.s32 $0xFFFFFF80  }
0x1d1: {  	[spmem:s4] =	stream.indirect.scatter.add.s32 [tilespmem:s9], [sflag:$0x1], $0x1, s24, s31, $0xb8;
	[tilespmem:$0x30B0] =	vst v63  }
0x1d2: {  	_ =	swait.ge [sflag:s7], $0x80  }
0x1d3: {  	[sflag:s7] =	ssyncset.done $0x0  }
0x1d4: {  	s25 =	simm.s32 $0x2B80;
	[sflag:s7] =	ssyncadd.s32 $0xFFFFFF80  }
0x1d5: {  	[spmem:s4] =	stream.indirect.scatter.add.s32 [tilespmem:s9], [sflag:$0x1], $0x1, s25, s31, $0xb8;
	[tilespmem:$0x30B0] =	vst v63  }
0x1d6: {  	_ =	swait.ge [sflag:s7], $0x80  }
0x1d7: {  	[sflag:s7] =	ssyncset.done $0x0  }
0x1d8: {  	s26 =	simm.s32 $0x2C00;
	[sflag:s7] =	ssyncadd.s32 $0xFFFFFF80  }
0x1d9: {  	[spmem:s4] =	stream.indirect.scatter.add.s32 [tilespmem:s9], [sflag:$0x1], $0x1, s26, s31, $0xb8;
	[tilespmem:$0x30B0] =	vst v63  }
0x1da: {  	_ =	swait.ge [sflag:s7], $0x80  }
0x1db: {  	[sflag:s7] =	ssyncset.done $0x0  }
0x1dc: {  	s28 =	simm.s32 $0x2C80;
	[sflag:s7] =	ssyncadd.s32 $0xFFFFFF80  }
0x1dd: {  	[spmem:s4] =	stream.indirect.scatter.add.s32 [tilespmem:s9], [sflag:$0x1], $0x1, s28, s31, $0xb8;
	[tilespmem:$0x30B0] =	vst v63  }
0x1de: {  	_ =	swait.ge [sflag:s7], $0x80  }
0x1df: {  	[sflag:s7] =	ssyncset.done $0x0  }
0x1e0: {  	[sflag:s7] =	ssyncadd.s32 $0xFFFFFF80  }
0x1e1: {  	s29 =	simm.s32 $0x2D80;
	[bflag:$0x0] =	sbarrier.arrive $0xFFFF  }
0x1e2: {  	[tilespmem:s29], [sflag:$0x1] =	stream.linear.gather [spmem:s5], $0x100, $0x38;
	[tilespmem:$0x30B0] =	vst v63  }
0x1e3: {  	_ =	swait.ge [sflag:s7], $0x100  }
0x1e4: {  	[sflag:s7] =	ssyncset.done $0x0  }
0x1e5: {  	[sflag:s7] =	ssyncadd.s32 $0xFFFFFF00  }
0x1e6: {  	v34 =	vld [tilespmem:$0x2D80]  }
0x1e7: {  	v35 =	vld [tilespmem:$0x2D90]  }
0x1e8: {  	v36 =	vld [tilespmem:$0x2DA0]  }
0x1e9: {  	v37 =	vld [tilespmem:$0x2DB0]  }
0x1ea: {  	v38 =	vld [tilespmem:$0x2DC0]  }
0x1eb: {  	v39 =	vld [tilespmem:$0x2DD0]  }
0x1ec: {  	v40 =	vld [tilespmem:$0x2DE0];
	vm0 =	vlt.s32 v34, $0x1;
	vm1 =	vlt.s32 v35, $0x1  }
0x1ed: {  	v41 =	vld [tilespmem:$0x2DF0];
	vm14 =	vlt.s32 v36, $0x1;
	v0 =	vnsel vm0, $0x1, v34;
	v1 =	vnsel vm1, $0x1, v35  }
0x1ee: {  	v43 =	vld [tilespmem:$0x2E00];
	vm15 =	vlt.s32 v37, $0x1;
	v42 =	vnsel vm14, $0x1, v36;
	v0 =	vadd.s32 v0, v1  }
0x1ef: {  	v45 =	vld [tilespmem:$0x2E10];
	vm4 =	vlt.s32 v38, $0x1;
	v44 =	vnsel vm15, $0x1, v37;
	v0 =	vadd.s32 v42, v0  }
0x1f0: {  	v47 =	vld [tilespmem:$0x2E20];
	vm5 =	vlt.s32 v39, $0x1;
	v46 =	vnsel vm4, $0x1, v38;
	v0 =	vadd.s32 v44, v0  }
0x1f1: {  	v49 =	vld [tilespmem:$0x2E30];
	vm6 =	vlt.s32 v40, $0x1;
	v48 =	vnsel vm5, $0x1, v39;
	v0 =	vadd.s32 v46, v0  }
0x1f2: {  	v51 =	vld [tilespmem:$0x2E40];
	vm7 =	vlt.s32 v41, $0x1;
	v50 =	vnsel vm6, $0x1, v40;
	v0 =	vadd.s32 v48, v0  }
0x1f3: {  	v53 =	vld [tilespmem:$0x2E50];
	vm8 =	vlt.s32 v43, $0x1;
	v52 =	vnsel vm7, $0x1, v41;
	v0 =	vadd.s32 v50, v0  }
0x1f4: {  	v55 =	vld [tilespmem:$0x2E60];
	vm9 =	vlt.s32 v45, $0x1;
	v54 =	vnsel vm8, $0x1, v43;
	v0 =	vadd.s32 v52, v0  }
0x1f5: {  	v57 =	vld [tilespmem:$0x2E70];
	vm10 =	vlt.s32 v47, $0x1;
	v56 =	vnsel vm9, $0x1, v45;
	v0 =	vadd.s32 v54, v0  }
0x1f6: {  	vm11 =	vlt.s32 v49, $0x1;
	v58 =	vnsel vm10, $0x1, v47;
	v0 =	vadd.s32 v56, v0  }
0x1f7: {  	vm12 =	vlt.s32 v51, $0x1;
	v59 =	vnsel vm11, $0x1, v49;
	v0 =	vadd.s32 v58, v0  }
0x1f8: {  	vm13 =	vlt.s32 v53, $0x1;
	v60 =	vnsel vm12, $0x1, v51;
	v0 =	vadd.s32 v59, v0  }
0x1f9: {  	v61 =	vnsel vm13, $0x1, v53;
	vm14 =	vlt.s32 v55, $0x1;
	v0 =	vadd.s32 v60, v0  }
0x1fa: {  	vm15 =	vlt.s32 v57, $0x1;
	v62 =	vnsel vm14, $0x1, v55;
	v0 =	vadd.s32 v61, v0  }
0x1fb: {  	v63 =	vnsel vm15, $0x1, v57;
	v0 =	vadd.s32 v62, v0  }
0x1fc: {  	s30 =	sshll.u32 s3, $0x4;
	v0 =	vadd.s32 v63, v0  }
0x1fd: {  	s4 =	sadd.s32 s30, s2;
	s31 =	simm.s32 $0x2E80;
	[tilespmem:$0x2E80] =	vst v0  }
0x1fe: {  	[spmem:s4] =	stream.linear.scatter [tilespmem:s31], [sflag:$0x1], $0x10, $0x38;
	[tilespmem:$0x30B0] =	vst v63  }
0x1ff: {  	_ =	swait.ge [sflag:s7], $0x10  }
0x200: {  	[sflag:s7] =	ssyncset.done $0x0  }
0x201: {  	[sflag:s7] =	ssyncadd.s32 $0xFFFFFFF0  }
0x202: {  	p0 =	sne.s32 s3, $0x0;
	[bflag:$0x0] =	sbarrier.arrive $0xFFFF  }
0x203: {  	_ =	sfence.sel @p0 $0x180000  }
0x204: {  	[bflag:$0x0] =	sbarrier.arrive @p0 $0xFFFF  }
0x205: {  	_ =	strace @p0 $0x90000047  }
0x206: {  	[bflag:$0x2] =	sbarrier.arrive @p0 $0xFFFF  }
0x207: {  	_ =	shalt @p0  }
.LBB2_3:
0x208: {  	s3 =	simm.s32 $0x2E90  }
0x209: {  	[tilespmem:s3], [sflag:$0x1] =	stream.linear.gather [spmem:s2], $0x100, $0x38;
	[tilespmem:$0x30B0] =	vst v63  }
0x20a: {  	_ =	swait.ge [sflag:s7], $0x100  }
0x20b: {  	[sflag:s7] =	ssyncset.done $0x0  }
0x20c: {  	[sflag:s7] =	ssyncadd.s32 $0xFFFFFF00  }
0x20d: {  	v0 =	vld [tilespmem:$0x2E90]  }
0x20e: {  	v1 =	vld [tilespmem:$0x2EA0]  }
0x20f: {  	v2 =	vld [tilespmem:$0x2EB0]  }
0x210: {  	v3 =	vld [tilespmem:$0x2EC0]  }
0x211: {  	v4 =	vld [tilespmem:$0x2ED0]  }
0x212: {  	v5 =	vld [tilespmem:$0x2EE0]  }
0x213: {  	v53 =	vld [tilespmem:$0x2EF0];
	v0 =	vadd.s32 v0, v1  }
0x214: {  	v54 =	vld [tilespmem:$0x2F00];
	v0 =	vadd.s32 v2, v0  }
0x215: {  	v55 =	vld [tilespmem:$0x2F10];
	v0 =	vadd.s32 v3, v0  }
0x216: {  	v56 =	vld [tilespmem:$0x2F20];
	v0 =	vadd.s32 v4, v0  }
0x217: {  	v57 =	vld [tilespmem:$0x2F30];
	v0 =	vadd.s32 v5, v0  }
0x218: {  	v58 =	vld [tilespmem:$0x2F40];
	v0 =	vadd.s32 v53, v0  }
0x219: {  	v59 =	vld [tilespmem:$0x2F50];
	v0 =	vadd.s32 v54, v0  }
0x21a: {  	v60 =	vld [tilespmem:$0x2F60];
	v0 =	vadd.s32 v55, v0  }
0x21b: {  	v61 =	vld [tilespmem:$0x2F70];
	v0 =	vadd.s32 v56, v0  }
0x21c: {  	v62 =	vld [tilespmem:$0x2F80];
	v0 =	vadd.s32 v57, v0  }
0x21d: {  	v0 =	vadd.s32 v58, v0  }
0x21e: {  	v0 =	vadd.s32 v59, v0  }
0x21f: {  	v0 =	vadd.s32 v60, v0  }
0x220: {  	v0 =	vadd.s32 v61, v0  }
0x221: {  	v0 =	vadd.s32 v62, v0  }
0x222: {  	(v2sf) =	vpush v0, $0x0  }
0x223: {  	(v2sf) =	vpush v0, $0x1  }
0x224: {  	(v2sf) =	vpush v0, $0x2  }
0x225: {  	(v2sf) =	vpush v0, $0x3  }
0x226: {  	(v2sf) =	vpush v0, $0x4  }
0x227: {  	(v2sf) =	vpush v0, $0x5  }
0x228: {  	(v2sf) =	vpush v0, $0x6  }
0x229: {  	(v2sf) =	vpush v0, $0x7  }
0x22a: {  	(v2sf) =	vpush v0, $0x8  }
0x22b: {  	(v2sf) =	vpush v0, $0x9  }
0x22c: {  	(v2sf) =	vpush v0, $0xA  }
0x22d: {  	(v2sf) =	vpush v0, $0xB  }
0x22e: {  	(v2sf) =	vpush v0, $0xC  }
0x22f: {  	(v2sf) =	vpush v0, $0xD  }
0x230: {  	(v2sf) =	vpush v0, $0xE  }
0x231: {  	s14 =	spop (v2sf);
	(v2sf) =	vpush v0, $0xF  }
0x232: {  	s15 =	spop (v2sf)  }
0x233: {  	s2 =	sadd.s32 s15, s14;
	s16 =	spop (v2sf)  }
0x234: {  	s2 =	sadd.s32 s16, s2;
	s17 =	spop (v2sf)  }
0x235: {  	s2 =	sadd.s32 s17, s2;
	s18 =	spop (v2sf)  }
0x236: {  	s2 =	sadd.s32 s18, s2;
	s19 =	spop (v2sf)  }
0x237: {  	s2 =	sadd.s32 s19, s2;
	s20 =	spop (v2sf)  }
0x238: {  	s2 =	sadd.s32 s20, s2;
	s21 =	spop (v2sf)  }
0x239: {  	s2 =	sadd.s32 s21, s2;
	s22 =	spop (v2sf)  }
0x23a: {  	s2 =	sadd.s32 s22, s2;
	s23 =	spop (v2sf)  }
0x23b: {  	s2 =	sadd.s32 s23, s2;
	s24 =	spop (v2sf)  }
0x23c: {  	s2 =	sadd.s32 s24, s2;
	s25 =	spop (v2sf)  }
0x23d: {  	s2 =	sadd.s32 s25, s2;
	s26 =	spop (v2sf)  }
0x23e: {  	s2 =	sadd.s32 s26, s2;
	s28 =	spop (v2sf)  }
0x23f: {  	s2 =	sadd.s32 s28, s2;
	s29 =	spop (v2sf)  }
0x240: {  	s2 =	sadd.s32 s29, s2;
	s30 =	spop (v2sf)  }
0x241: {  	s2 =	sadd.s32 s30, s2  }
0x242: {  	s2 =	scvt.s32.f32 s2;
	_ =	sdelay $0x1  }
0x243: {  	s2 =	smul.f32 $2.712673630e-05, s2;
	_ =	sdelay $0x1  }
0x244: {  	v63 =	vmov s2  }
0x245: {  	s31 =	simm.s32 $0x2F90;
	[tilespmem:$0x2F90] =	vst v63  }
0x246: {  	[hbm4b:s1+s6] =	stream.linear.scatter [tilespmem:s31], [sflag:$0x1], $0x10, $0x38;
	[tilespmem:$0x30B0] =	vst v63  }
0x247: {  	_ =	swait.ge [sflag:s7], $0x10  }
0x248: {  	[sflag:s7] =	ssyncset.done $0x0  }
0x249: {  	[sflag:s7] =	ssyncadd.s32 $0xFFFFFFF0  }
0x24a: {  	_ =	sfence.sel $0x180000  }
0x24b: {  	[bflag:$0x0] =	sbarrier.arrive $0xFFFF  }
0x24c: {  	_ =	strace $0x90000047  }
0x24d: {  	s0 =	sadd.s32 $0x100000, s0;
	[bflag:$0x2] =	sbarrier.arrive $0xFFFF  }
0x24e: {  	[sflag:s0] =	ssyncadd.tile.s32 $0x1;
	_ =	shalt  }
.Lfunc_end2:
_tile_overlayer_lowered:
.L_overlay_start_2:
0x24f: {  	(tag) =	ssettag $0x2  }
0x250: {  	s0 =	rddreg [dreg:$0x0];
	s2 =	stileid.u32  }
0x251: {  	s1 =	rddreg [dreg:$0x1];
	p0 =	sne.s32 s2, $0x0  }
0x252: {  	s3 =	rddreg [dreg:$0x2];
	[bflag:$0x3] =	sbarrier.arrive $0xFFFF;
	s2 =	simm.s32 @!p0 $0x1C01  }
0x253: {  	[timem:s3], [sflag:s2] =	dma.local @!p0 [hbm:s0], s1  }
0x254: {  	s0 =	simm.s32 @!p0 $0x1  }
0x255: {  	_ =	swait.ge @!p0 [sflag:s0], s1  }
0x256: {  	s1 =	ssub.s32 @!p0 $0x0, s1;
	[sflag:s0] =	ssyncset.done @!p0 $0x0  }
0x257: {  	[sflag:s0] =	ssyncadd.s32 @!p0 s1  }
0x258: {  	[bflag:$0x3] =	sbarrier.arrive $0xFFFF  }
0x259: {  	_ =	shalt  }

</sc_bundles>
